<compile_context>
chip_gen: v7x
topology: tpu7x:2x2x1
jax: 0.10.2.dev20260603
libtpu: 0.0.44.dev20260713+nightly
codegen_flags: <defaults>
</compile_context>

<pallas_src>
import functools

import jax
import jax.numpy as jnp
from jax import lax
from jax.experimental import pallas as pl
from jax.experimental.pallas import tpu as pltpu
from jax.experimental.pallas import tpu_sc as plsc

N = 10000
E = 320000
D = 128
K = 4096
GRP = K // 16
NCHUNK = 82
EP = K * NCHUNK
NTILES = 32
CPT = D // NTILES
EPW = EP // NTILES

_f32 = jnp.float32



def _tc1_body(x_ref, linN_ref, attA_ref, attB_ref, xlT_ref, s1_ref, s2_ref):
    xlT = lax.dot_general(linN_ref[...], x_ref[...], (((0,), (1,)), ((), ())),
                          preferred_element_type=_f32)
    xlT_ref[...] = xlT
    s1_ref[...] = lax.dot_general(attA_ref[...], xlT, (((1,), (0,)), ((), ())),
                                  preferred_element_type=_f32)
    s2_ref[...] = lax.dot_general(attB_ref[...], xlT, (((1,), (0,)), ((), ())),
                                  preferred_element_type=_f32)


def _tc_mid_body(numT_ref, den_ref, xlT_ref, bias_ref, gamma_ref, beta_ref,
                 linN_ref, attA_ref, attB_ref, xlT2_ref, s1_ref, s2_ref):
    den = jnp.sum(den_ref[...], axis=0, keepdims=True)
    hT = numT_ref[...] / den + bias_ref[...] + xlT_ref[...]
    hT = jnp.maximum(hT, 0.0)
    mu = jnp.mean(hT, axis=1, keepdims=True)
    var = jnp.mean((hT - mu) ** 2, axis=1, keepdims=True)
    hnT = (hT - mu) * jax.lax.rsqrt(var + 1e-5) * gamma_ref[...] + beta_ref[...]
    xlT2 = lax.dot_general(linN_ref[...], hnT, (((0,), (0,)), ((), ())),
                           preferred_element_type=_f32)
    xlT2_ref[...] = xlT2
    s1_ref[...] = lax.dot_general(attA_ref[...], xlT2, (((1,), (0,)), ((), ())),
                                  preferred_element_type=_f32)
    s2_ref[...] = lax.dot_general(attB_ref[...], xlT2, (((1,), (0,)), ((), ())),
                                  preferred_element_type=_f32)


def _tc3_body(numT_ref, den_ref, xlT_ref, bias_ref, fcW_ref, fcb_ref, out_ref):
    den = jnp.sum(den_ref[...], axis=0, keepdims=True)
    hT = numT_ref[...] / den + bias_ref[...] + xlT_ref[...]
    hT = jnp.maximum(hT, 0.0)
    out_ref[...] = lax.dot_general(hT, fcW_ref[...], (((0,), (0,)), ((), ())),
                                   preferred_element_type=_f32) + fcb_ref[...]


_tc1 = pl.pallas_call(
    _tc1_body,
    out_shape=(
        jax.ShapeDtypeStruct((D, N), _f32),
        jax.ShapeDtypeStruct((1, N), _f32),
        jax.ShapeDtypeStruct((1, N), _f32),
    ),
)

_tc_mid = pl.pallas_call(
    _tc_mid_body,
    out_shape=(
        jax.ShapeDtypeStruct((D, N), _f32),
        jax.ShapeDtypeStruct((1, N), _f32),
        jax.ShapeDtypeStruct((1, N), _f32),
    ),
)

_tc3 = pl.pallas_call(
    _tc3_body,
    out_shape=jax.ShapeDtypeStruct((N, D), _f32),
)



_mesh = plsc.VectorSubcoreMesh(core_axis_name="c", subcore_axis_name="s")


@functools.partial(
    pl.kernel,
    out_type=(
        jax.ShapeDtypeStruct((EP,), _f32),
        jax.ShapeDtypeStruct((NTILES, N), _f32),
    ),
    mesh=_mesh,
    scratch_types=[
        pltpu.VMEM((N,), _f32),
        pltpu.VMEM((N,), _f32),
        pltpu.VMEM((N,), _f32),
        pltpu.VMEM((EPW,), jnp.int32),
        pltpu.VMEM((EPW,), jnp.int32),
        pltpu.VMEM((EPW,), _f32),
        pltpu.VMEM((EPW,), _f32),
        pltpu.SemaphoreType.DMA,
    ],
    compiler_params=pltpu.CompilerParams(needs_layout_passes=False,
                                         disable_bounds_checks=True),
)
def _sc_alpha(s1_hbm, s2_hbm, src_hbm, dst_hbm, eaw_hbm,
              p_hbm, den_hbm,
              s1v, s2v, denv, srcb, dstb, eab, pb, sem):
    cid = lax.axis_index("c")
    sid = lax.axis_index("s")
    wid = sid * 2 + cid
    base = wid * EPW

    pltpu.make_async_copy(s1_hbm, s1v, sem).start()
    pltpu.make_async_copy(s2_hbm, s2v, sem).start()
    pltpu.make_async_copy(src_hbm.at[pl.ds(base, EPW)], srcb, sem).start()
    pltpu.make_async_copy(dst_hbm.at[pl.ds(base, EPW)], dstb, sem).start()
    pltpu.make_async_copy(eaw_hbm.at[pl.ds(base, EPW)], eab, sem).start()

    zero16 = jnp.zeros((16,), _f32)

    def _zero(i, _):
        denv[pl.ds(i * 16, 16)] = zero16
        return 0

    lax.fori_loop(0, N // 16, _zero, 0, unroll=False)

    pltpu.make_async_copy(s1_hbm, s1v, sem).wait()
    pltpu.make_async_copy(s2_hbm, s2v, sem).wait()
    pltpu.make_async_copy(src_hbm.at[pl.ds(base, EPW)], srcb, sem).wait()
    pltpu.make_async_copy(dst_hbm.at[pl.ds(base, EPW)], dstb, sem).wait()
    pltpu.make_async_copy(eaw_hbm.at[pl.ds(base, EPW)], eab, sem).wait()

    @plsc.parallel_loop(0, EPW // 16, 1, unroll=8)
    def _group(j):
        off = j * 16
        src16 = srcb[pl.ds(off, 16)]
        dst16 = dstb[pl.ds(off, 16)]
        ea16 = eab[pl.ds(off, 16)]
        g1 = plsc.load_gather(s1v, [src16])
        g2 = plsc.load_gather(s2v, [dst16])
        al = g1 + g2 + ea16
        al = jnp.maximum(al, 0.2 * al)
        p = jnp.exp(al)
        pb[pl.ds(off, 16)] = p
        plsc.addupdate_scatter(denv, [dst16], p)

    pltpu.sync_copy(pb, p_hbm.at[pl.ds(base, EPW)])
    pltpu.sync_copy(denv, den_hbm.at[wid])


@functools.partial(
    pl.kernel,
    out_type=jax.ShapeDtypeStruct((D, N), _f32),
    mesh=_mesh,
    scratch_types=[
        pltpu.VMEM((CPT // 2, N), jnp.int32),
        pltpu.VMEM((CPT, N), _f32),
        pltpu.VMEM((2 * K,), jnp.int32),
        pltpu.VMEM((2 * K,), jnp.int32),
        pltpu.VMEM((2 * K,), _f32),
        pltpu.SemaphoreType.DMA,
        pltpu.SemaphoreType.DMA,
    ],
    compiler_params=pltpu.CompilerParams(needs_layout_passes=False,
                                         disable_bounds_checks=True),
)
def _sc_scatter(xpk_hbm, src_hbm, dst_hbm, p_hbm,
                numT_hbm,
                xsl, num, srcb, dstb, pb, sem0, sem1):
    cid = lax.axis_index("c")
    sid = lax.axis_index("s")
    wid = sid * 2 + cid

    pltpu.sync_copy(xpk_hbm.at[pl.ds((CPT // 2) * wid, CPT // 2)], xsl)

    zero16 = jnp.zeros((16,), _f32)

    def _zero(i, _):
        for c in range(CPT):
            num[c, pl.ds(i * 16, 16)] = zero16
        return 0

    lax.fori_loop(0, N // 16, _zero, 0, unroll=False)

    sems = (sem0, sem1)

    def _start(t, b):
        base = t * K
        sem = sems[b]
        pltpu.make_async_copy(src_hbm.at[pl.ds(base, K)],
                              srcb.at[pl.ds(b * K, K)], sem).start()
        pltpu.make_async_copy(dst_hbm.at[pl.ds(base, K)],
                              dstb.at[pl.ds(b * K, K)], sem).start()
        pltpu.make_async_copy(p_hbm.at[pl.ds(base, K)],
                              pb.at[pl.ds(b * K, K)], sem).start()

    def _wait(t, b):
        base = t * K
        sem = sems[b]
        pltpu.make_async_copy(src_hbm.at[pl.ds(base, K)],
                              srcb.at[pl.ds(b * K, K)], sem).wait()
        pltpu.make_async_copy(dst_hbm.at[pl.ds(base, K)],
                              dstb.at[pl.ds(b * K, K)], sem).wait()
        pltpu.make_async_copy(p_hbm.at[pl.ds(base, K)],
                              pb.at[pl.ds(b * K, K)], sem).wait()

    _start(0, 0)
    _start(1, 1)

    cvecs = [jnp.full((16,), c, jnp.int32) for c in range(CPT)]

    def _process(t, b):
        _wait(t, b)

        @plsc.parallel_loop(0, GRP, 1, unroll=4)
        def _group(j):
            off = b * K + j * 16
            src16 = srcb[pl.ds(off, 16)]
            dst16 = dstb[pl.ds(off, 16)]
            p = pb[pl.ds(off, 16)]
            himask = jnp.full((16,), -65536, jnp.int32)
            for cp in range(CPT // 2):
                w = plsc.load_gather(xsl, [cvecs[cp], src16])
                ve = plsc.bitcast(w << 16, _f32)
                vo = plsc.bitcast(w & himask, _f32)
                plsc.addupdate_scatter(num, [cvecs[2 * cp], dst16], ve * p)
                plsc.addupdate_scatter(num, [cvecs[2 * cp + 1], dst16], vo * p)

        @pl.when(t + 2 < NCHUNK)
        def _():
            _start(t + 2, b)

    def _pair(i, _):
        _process(2 * i, 0)
        _process(2 * i + 1, 1)
        return 0

    lax.fori_loop(0, NCHUNK // 2, _pair, 0, unroll=False)
    if NCHUNK % 2:
        _process(NCHUNK - 1, 0)

    pltpu.sync_copy(num, numT_hbm.at[pl.ds(CPT * wid, CPT)])



def _pack_bf16_pairs(xlT):
    u = lax.bitcast_convert_type(xlT.astype(jnp.bfloat16), jnp.uint16)
    u = u.astype(jnp.uint32)
    w = u[0::2] | (u[1::2] << 16)
    return lax.bitcast_convert_type(w, jnp.int32)


def kernel(x, edge_index, edge_attr, params):
    src0 = edge_index[0]
    dst0 = edge_index[1]
    mask = src0 != dst0
    iN = jnp.arange(N, dtype=jnp.int32)
    pad = EP - (E + N)
    zpad = jnp.zeros((pad,), jnp.int32)
    srcE = jnp.concatenate([src0, iN, zpad])
    dstE = jnp.concatenate([jnp.where(mask, dst0, 0), iN, zpad])
    ea0 = edge_attr[:, 0]
    neg = jnp.float32(-1e30)
    tail = jnp.concatenate([jnp.zeros((N,), _f32), jnp.full((pad,), neg)])

    def att_parts(att):
        a = att[0, 0]
        return a[:D].reshape(1, D), a[D:2 * D].reshape(1, D), a[2 * D]

    attA1, attB1, attC1 = att_parts(params["l1_att"])
    attA2, attB2, attC2 = att_parts(params["l2_att"])
    eaw1 = jnp.concatenate(
        [jnp.where(mask, ea0 * (params["l1_linE"][0, 0] * attC1), neg), tail])
    eaw2 = jnp.concatenate(
        [jnp.where(mask, ea0 * (params["l2_linE"][0, 0] * attC2), neg), tail])

    xlT1, s1, s2 = _tc1(x, params["l1_linN"], attA1, attB1)
    p1, den1 = _sc_alpha(s1.reshape(N), s2.reshape(N), srcE, dstE, eaw1)
    numT1 = _sc_scatter(_pack_bf16_pairs(xlT1), srcE, dstE, p1)

    xlT2, s1b, s2b = _tc_mid(
        numT1, den1, xlT1,
        params["l1_bias"].reshape(D, 1),
        params["l2_gamma"].reshape(D, 1), params["l2_beta"].reshape(D, 1),
        params["l2_linN"], attA2, attB2)

    p2, den2 = _sc_alpha(s1b.reshape(N), s2b.reshape(N), srcE, dstE, eaw2)
    numT2 = _sc_scatter(_pack_bf16_pairs(xlT2), srcE, dstE, p2)

    out = _tc3(numT2, den2, xlT2,
               params["l2_bias"].reshape(D, 1),
               params["fc_W"], params["fc_b"].reshape(1, D))
    return out

# --- scband reference (transcript-rebuilt; emitter-appended) ---
"""Pipeline reference for scband-gnn-embed-69733089018032 (READ-ONLY COPY).

The authoritative reference and input builder live on the scoring server;
editing this copy changes nothing except your own understanding.
"""

import jax, jax.numpy as jnp
import numpy as np

N = 10000
E = 320000
D = 128
HEADS = 1


def setup_inputs(seed: int = 0):
    key = jax.random.key(seed)
    ks = jax.random.split(key, 12)
    inp = {}
    inp["x"] = jax.random.normal(ks[0], (N, D), dtype=jnp.float32)
    inp["edge_index"] = jax.random.randint(ks[1], (2, E), 0, N, dtype=jnp.int32)
    inp["edge_attr"] = jax.random.normal(ks[2], (E, 1), dtype=jnp.float32)

    def rn(k, shape, scale):
        return jax.random.normal(k, shape, dtype=jnp.float32) * scale

    params = {
        "l1_linN": rn(ks[3], (D, HEADS * D), (HEADS * D) ** -0.5),
        "l1_linE": rn(ks[4], (1, HEADS * 1), (HEADS * 1) ** -0.5),
        "l1_att": rn(ks[5], (1, HEADS, 2 * D + 1), (2 * D + 1) ** -0.5),
        "l1_bias": jnp.zeros((D,), jnp.float32),
        "l2_gamma": jnp.ones((D,), jnp.float32),
        "l2_beta": jnp.zeros((D,), jnp.float32),
        "l2_linN": rn(ks[6], (D, HEADS * D), (HEADS * D) ** -0.5),
        "l2_linE": rn(ks[7], (1, HEADS * 1), (HEADS * 1) ** -0.5),
        "l2_att": rn(ks[8], (1, HEADS, 2 * D + 1), (2 * D + 1) ** -0.5),
        "l2_bias": jnp.zeros((D,), jnp.float32),
        "fc_W": rn(ks[9], (D, D), D ** -0.5),
        "fc_b": jnp.zeros((D,), jnp.float32),
    }
    inp["params"] = params
    return inp


def _gcn_layer(x, ei, ea, linN, linE, att, bias, gamma=None, beta=None):
    # optional MyBatchNorm (training-mode batch statistics, biased variance like torch)
    if gamma is not None:
        mu = x.mean(0)
        var = x.var(0)
        x = (x - mu) / jnp.sqrt(var + 1e-5) * gamma + beta
    src, dst = ei[0], ei[1]
    xl = (x @ linN).reshape(-1, HEADS, D)
    el = (ea @ linE).reshape(-1, HEADS, 1)
    # NOTE: module defines x_i = x[edge_index[0]], x_j = x[edge_index[1]]
    x_i = xl[src]
    x_j = xl[dst]
    alpha = (jnp.concatenate([x_i, x_j, el], axis=-1) * att).sum(-1)  # [E', HEADS]
    alpha = jnp.where(alpha >= 0, alpha, 0.2 * alpha)  # leaky_relu(0.2)
    # softmax over incoming edges grouped by dst (edge_index[1])
    amax = jax.ops.segment_max(alpha, dst, num_segments=N)
    a = jnp.exp(alpha - amax[dst])
    s = jax.ops.segment_sum(a, dst, num_segments=N)
    alpha = a / (s[dst] + 1e-16)
    # propagate: message = x[src] * alpha, aggr='add' at dst
    msg = xl[src] * alpha[:, :, None]
    out = jnp.zeros((N, HEADS, D), x.dtype).at[dst].add(msg)
    # concat=False -> mean over heads
    xm = xl.mean(1)
    om = out.mean(1)
    om = om + bias
    om = om + xm  # residual
    return jax.nn.relu(om)


def _loop_index(edge_index):
    # remove_self_loops then add_self_loops (fill_value=0.0), fixed-shape form:
    # self-loop edges are redirected to sentinel segment N, which segment ops
    # and scatter-add drop, so they contribute nothing downstream.
    mask = edge_index[0] != edge_index[1]
    loops = jnp.arange(N, dtype=edge_index.dtype)
    sentinel = jnp.asarray(N, dtype=edge_index.dtype)
    src = jnp.concatenate([edge_index[0], loops])
    dst = jnp.concatenate([jnp.where(mask, edge_index[1], sentinel), loops])
    ei = jnp.stack([src, dst])
    return ei


def reference(x, edge_index, edge_attr, params):
    ei = _loop_index(edge_index)
    ea = jnp.concatenate(
        [edge_attr, jnp.zeros((N, edge_attr.shape[1]), edge_attr.dtype)], axis=0
    )
    h = _gcn_layer(x, ei, ea, params["l1_linN"], params["l1_linE"], params["l1_att"], params["l1_bias"])
    h = _gcn_layer(h, ei, ea, params["l2_linN"], params["l2_linE"], params["l2_att"], params["l2_bias"], params["l2_gamma"], params["l2_beta"])
    return h @ params["fc_W"] + params["fc_b"]

if __name__ == "__main__":
    import jax
    _d = setup_inputs()
    print(jax.jit(kernel)(*tuple(_d.values())))

</pallas_src>

<mosaic_0001>
#map = affine_map<(d0, d1) -> (0)>
#map1 = affine_map<(d0, d1) -> (0, 0)>
module attributes {stable_mosaic.version = 14 : i64} {
  func.func @_sc_alpha(%arg0: i32, %arg1: i32, %arg2: memref<10000xf32, #tpu.memory_space<hbm>>, %arg3: memref<10000xf32, #tpu.memory_space<hbm>>, %arg4: memref<335872xi32, #tpu.memory_space<hbm>>, %arg5: memref<335872xi32, #tpu.memory_space<hbm>>, %arg6: memref<335872xf32, #tpu.memory_space<hbm>>, %arg7: memref<335872xf32, #tpu.memory_space<hbm>>, %arg8: memref<32x10000xf32, #tpu.memory_space<hbm>>, %arg9: memref<10000xf32, #tpu.memory_space<vmem>>, %arg10: memref<10000xf32, #tpu.memory_space<vmem>>, %arg11: memref<10000xf32, #tpu.memory_space<vmem>>, %arg12: memref<10496xi32, #tpu.memory_space<vmem>>, %arg13: memref<10496xi32, #tpu.memory_space<vmem>>, %arg14: memref<10496xf32, #tpu.memory_space<vmem>>, %arg15: memref<10496xf32, #tpu.memory_space<vmem>>, %arg16: memref<!tpu.dma_semaphore, #tpu.memory_space<semaphore_mem>>) attributes {dimension_semantics = [#tpu.dimension_semantics<core_parallel>, #tpu.dimension_semantics<subcore_parallel>], iteration_bounds = array<i64: 2, 16>, scalar_prefetch = 0 : i64, scratch_operands = 8 : i64, tpu.core_type = #tpu.core_type<sc_vector_subcore>, window_params = [{transform_indices = #map}, {transform_indices = #map}, {transform_indices = #map}, {transform_indices = #map}, {transform_indices = #map}, {transform_indices = #map}, {transform_indices = #map1}]} {
    %mul3A = arith.constant 2 : i32
    %mul3A_0 = arith.muli %arg1, %mul3A : i32
    %add3A = arith.addi %mul3A_0, %arg0 : i32
    %mul3A_1 = arith.constant 10496 : i32
    %mul3A_2 = arith.muli %add3A, %mul3A_1 : i32
    tpu.enqueue_dma source(%arg2 : memref<10000xf32, #tpu.memory_space<hbm>>) target(%arg9 : memref<10000xf32, #tpu.memory_space<vmem>>) target_semaphore(%arg16 : memref<!tpu.dma_semaphore, #tpu.memory_space<semaphore_mem>>)
    tpu.enqueue_dma source(%arg3 : memref<10000xf32, #tpu.memory_space<hbm>>) target(%arg10 : memref<10000xf32, #tpu.memory_space<vmem>>) target_semaphore(%arg16 : memref<!tpu.dma_semaphore, #tpu.memory_space<semaphore_mem>>)
    %dma_start3A = tpu.memref_slice %arg4[%mul3A_2] : memref<335872xi32, #tpu.memory_space<hbm>> -> memref<10496xi32, #tpu.memory_space<hbm>>
    %dma_start3A_3 = tpu.memref_slice %arg4[%mul3A_2] : memref<335872xi32, #tpu.memory_space<hbm>> -> memref<10496xi32, #tpu.memory_space<hbm>>
    tpu.enqueue_dma source(%dma_start3A_3 : memref<10496xi32, #tpu.memory_space<hbm>>) target(%arg12 : memref<10496xi32, #tpu.memory_space<vmem>>) target_semaphore(%arg16 : memref<!tpu.dma_semaphore, #tpu.memory_space<semaphore_mem>>)
    %dma_start3A_4 = tpu.memref_slice %arg5[%mul3A_2] : memref<335872xi32, #tpu.memory_space<hbm>> -> memref<10496xi32, #tpu.memory_space<hbm>>
    %dma_start3A_5 = tpu.memref_slice %arg5[%mul3A_2] : memref<335872xi32, #tpu.memory_space<hbm>> -> memref<10496xi32, #tpu.memory_space<hbm>>
    tpu.enqueue_dma source(%dma_start3A_5 : memref<10496xi32, #tpu.memory_space<hbm>>) target(%arg13 : memref<10496xi32, #tpu.memory_space<vmem>>) target_semaphore(%arg16 : memref<!tpu.dma_semaphore, #tpu.memory_space<semaphore_mem>>)
    %dma_start3A_6 = tpu.memref_slice %arg6[%mul3A_2] : memref<335872xf32, #tpu.memory_space<hbm>> -> memref<10496xf32, #tpu.memory_space<hbm>>
    %dma_start3A_7 = tpu.memref_slice %arg6[%mul3A_2] : memref<335872xf32, #tpu.memory_space<hbm>> -> memref<10496xf32, #tpu.memory_space<hbm>>
    tpu.enqueue_dma source(%dma_start3A_7 : memref<10496xf32, #tpu.memory_space<hbm>>) target(%arg14 : memref<10496xf32, #tpu.memory_space<vmem>>) target_semaphore(%arg16 : memref<!tpu.dma_semaphore, #tpu.memory_space<semaphore_mem>>)
    %broadcast_in_dim3A = arith.constant 0.000000e+00 : f32
    %broadcast_in_dim3A_8 = vector.broadcast %broadcast_in_dim3A : f32 to vector<16xf32>
    %scan3A = arith.constant 0 : i32
    %scan3A_9 = arith.constant 0 : i32
    %scan3A_10 = arith.constant 625 : i32
    %scan3A_11 = arith.addi %scan3A_9, %scan3A_10 : i32
    %scan3A_12 = arith.constant 1 : i32
    %scan3A_13 = scf.for %scan3A_22 = %scan3A_9 to %scan3A_11 step %scan3A_12 iter_args(%scan3A_23 = %scan3A) -> (i32)  : i32 {
      %mul3A_24 = arith.constant 16 : i32
      %mul3A_25 = arith.muli %scan3A_22, %mul3A_24 : i32
      %swap3A = arith.index_cast %mul3A_25 : i32 to index
      %swap3A_26 = tpu.vector_load %arg11[%swap3A] {strides = array<i32>} : memref<10000xf32, #tpu.memory_space<vmem>>, vector<16xf32>,
      tpu.vector_store %arg11[%swap3A], %broadcast_in_dim3A_8 {strides = array<i32>} : memref<10000xf32, #tpu.memory_space<vmem>>, vector<16xf32>,
      %scan3A_27 = arith.constant 0 : i32
      scf.yield %scan3A_27 : i32
    }
    %scan3A_14 = arith.constant 625 : i32
    tpu.wait_dma2 semaphore(%arg16 : memref<!tpu.dma_semaphore, #tpu.memory_space<semaphore_mem>>) src(%arg2 : memref<10000xf32, #tpu.memory_space<hbm>>) dst(%arg9 : memref<10000xf32, #tpu.memory_space<vmem>>)
    tpu.wait_dma2 semaphore(%arg16 : memref<!tpu.dma_semaphore, #tpu.memory_space<semaphore_mem>>) src(%arg3 : memref<10000xf32, #tpu.memory_space<hbm>>) dst(%arg10 : memref<10000xf32, #tpu.memory_space<vmem>>)
    %dma_wait3A = tpu.memref_slice %arg4[%mul3A_2] : memref<335872xi32, #tpu.memory_space<hbm>> -> memref<10496xi32, #tpu.memory_space<hbm>>
    %dma_wait3A_15 = tpu.memref_slice %arg4[%mul3A_2] : memref<335872xi32, #tpu.memory_space<hbm>> -> memref<10496xi32, #tpu.memory_space<hbm>>
    tpu.wait_dma2 semaphore(%arg16 : memref<!tpu.dma_semaphore, #tpu.memory_space<semaphore_mem>>) src(%dma_wait3A_15 : memref<10496xi32, #tpu.memory_space<hbm>>) dst(%arg12 : memref<10496xi32, #tpu.memory_space<vmem>>)
    %dma_wait3A_16 = tpu.memref_slice %arg5[%mul3A_2] : memref<335872xi32, #tpu.memory_space<hbm>> -> memref<10496xi32, #tpu.memory_space<hbm>>
    %dma_wait3A_17 = tpu.memref_slice %arg5[%mul3A_2] : memref<335872xi32, #tpu.memory_space<hbm>> -> memref<10496xi32, #tpu.memory_space<hbm>>
    tpu.wait_dma2 semaphore(%arg16 : memref<!tpu.dma_semaphore, #tpu.memory_space<semaphore_mem>>) src(%dma_wait3A_17 : memref<10496xi32, #tpu.memory_space<hbm>>) dst(%arg13 : memref<10496xi32, #tpu.memory_space<vmem>>)
    %dma_wait3A_18 = tpu.memref_slice %arg6[%mul3A_2] : memref<335872xf32, #tpu.memory_space<hbm>> -> memref<10496xf32, #tpu.memory_space<hbm>>
    %dma_wait3A_19 = tpu.memref_slice %arg6[%mul3A_2] : memref<335872xf32, #tpu.memory_space<hbm>> -> memref<10496xf32, #tpu.memory_space<hbm>>
    tpu.wait_dma2 semaphore(%arg16 : memref<!tpu.dma_semaphore, #tpu.memory_space<semaphore_mem>>) src(%dma_wait3A_19 : memref<10496xf32, #tpu.memory_space<hbm>>) dst(%arg14 : memref<10496xf32, #tpu.memory_space<vmem>>)
    %parallel_loop3A = arith.constant 0 : i32
    %parallel_loop3A_20 = arith.constant 656 : i32
    %parallel_loop3A_21 = arith.constant 1 : i32
    scf.for %parallel_loop3A_22 = %parallel_loop3A to %parallel_loop3A_20 step %parallel_loop3A_21  : i32 {
      %parallel_loop3A_23 = arith.constant 16 : i32
      %parallel_loop3A_24 = arith.muli %parallel_loop3A_22, %parallel_loop3A_23 : i32
      %parallel_loop3A_25 = arith.index_cast %parallel_loop3A_24 : i32 to index
      %parallel_loop3A_26 = tpu.vector_load %arg12[%parallel_loop3A_25] {strides = array<i32>} : memref<10496xi32, #tpu.memory_space<vmem>>, vector<16xi32>,
      %parallel_loop3A_27 = arith.index_cast %parallel_loop3A_24 : i32 to index
      %parallel_loop3A_28 = tpu.vector_load %arg13[%parallel_loop3A_27] {strides = array<i32>} : memref<10496xi32, #tpu.memory_space<vmem>>, vector<16xi32>,
      %parallel_loop3A_29 = arith.index_cast %parallel_loop3A_24 : i32 to index
      %parallel_loop3A_30 = tpu.vector_load %arg14[%parallel_loop3A_29] {strides = array<i32>} : memref<10496xf32, #tpu.memory_space<vmem>>, vector<16xf32>,
      %parallel_loop3A_31 = tpu.vector_load_idx %arg9[%parallel_loop3A_26] : memref<10000xf32, #tpu.memory_space<vmem>>[vector<16xi32>], vector<16xf32>,
      %parallel_loop3A_32 = tpu.vector_load_idx %arg10[%parallel_loop3A_28] : memref<10000xf32, #tpu.memory_space<vmem>>[vector<16xi32>], vector<16xf32>,
      %parallel_loop3A_33 = arith.addf %parallel_loop3A_31, %parallel_loop3A_32 : vector<16xf32>
      %parallel_loop3A_34 = arith.addf %parallel_loop3A_33, %parallel_loop3A_30 : vector<16xf32>
      %parallel_loop3A_35 = arith.constant 2.000000e-01 : f32
      %parallel_loop3A_36 = vector.broadcast %parallel_loop3A_35 : f32 to vector<16xf32>
      %parallel_loop3A_37 = arith.mulf %parallel_loop3A_36, %parallel_loop3A_34 : vector<16xf32>
      %parallel_loop3A_38 = arith.maximumf %parallel_loop3A_34, %parallel_loop3A_37 : vector<16xf32>
      %parallel_loop3A_39 = math.exp %parallel_loop3A_38 : vector<16xf32>
      %parallel_loop3A_40 = arith.index_cast %parallel_loop3A_24 : i32 to index
      %parallel_loop3A_41 = tpu.vector_load %arg15[%parallel_loop3A_40] {strides = array<i32>} : memref<10496xf32, #tpu.memory_space<vmem>>, vector<16xf32>,
      tpu.vector_store %arg15[%parallel_loop3A_40], %parallel_loop3A_39 {strides = array<i32>} : memref<10496xf32, #tpu.memory_space<vmem>>, vector<16xf32>,
      tpu.vector_store_idx %arg11[%parallel_loop3A_28], %parallel_loop3A_39 {add = true} : memref<10000xf32, #tpu.memory_space<vmem>>[vector<16xi32>], vector<16xf32>,
    } {sc.loop_unroll_factor = 8 : i64, sc.parallel_access}
    "tpu.region"() ({
      %run_scoped3A = tpu.sem_alloc : memref<!tpu.dma_semaphore, #tpu.memory_space<semaphore_mem>>
      %dma_start3A_22 = tpu.memref_slice %arg7[%mul3A_2] : memref<335872xf32, #tpu.memory_space<hbm>> -> memref<10496xf32, #tpu.memory_space<hbm>>
      %dma_start3A_23 = tpu.memref_slice %arg7[%mul3A_2] : memref<335872xf32, #tpu.memory_space<hbm>> -> memref<10496xf32, #tpu.memory_space<hbm>>
      tpu.enqueue_dma source(%arg15 : memref<10496xf32, #tpu.memory_space<vmem>>) target(%dma_start3A_23 : memref<10496xf32, #tpu.memory_space<hbm>>) target_semaphore(%run_scoped3A : memref<!tpu.dma_semaphore, #tpu.memory_space<semaphore_mem>>)
      %dma_wait3A_24 = tpu.memref_slice %arg7[%mul3A_2] : memref<335872xf32, #tpu.memory_space<hbm>> -> memref<10496xf32, #tpu.memory_space<hbm>>
      %dma_wait3A_25 = tpu.memref_slice %arg7[%mul3A_2] : memref<335872xf32, #tpu.memory_space<hbm>> -> memref<10496xf32, #tpu.memory_space<hbm>>
      tpu.wait_dma2 semaphore(%run_scoped3A : memref<!tpu.dma_semaphore, #tpu.memory_space<semaphore_mem>>) src(%arg15 : memref<10496xf32, #tpu.memory_space<vmem>>) dst(%dma_wait3A_25 : memref<10496xf32, #tpu.memory_space<hbm>>)
      tpu.yield
    }) : () -> ()
    "tpu.region"() ({
      %run_scoped3A = tpu.sem_alloc : memref<!tpu.dma_semaphore, #tpu.memory_space<semaphore_mem>>
      %dma_start3A_22 = arith.constant 0 : i32
      %dma_start3A_23 = tpu.memref_slice %arg8[%add3A, %dma_start3A_22] : memref<32x10000xf32, #tpu.memory_space<hbm>> -> memref<1x10000xf32, #tpu.memory_space<hbm>>
      %dma_start3A_24 = tpu.memref_squeeze %dma_start3A_23 : memref<1x10000xf32, #tpu.memory_space<hbm>> -> memref<10000xf32, #tpu.memory_space<hbm>>
      %dma_start3A_25 = arith.constant 0 : i32
      %dma_start3A_26 = tpu.memref_slice %arg8[%add3A, %dma_start3A_25] : memref<32x10000xf32, #tpu.memory_space<hbm>> -> memref<1x10000xf32, #tpu.memory_space<hbm>>
      %dma_start3A_27 = tpu.memref_squeeze %dma_start3A_26 : memref<1x10000xf32, #tpu.memory_space<hbm>> -> memref<10000xf32, #tpu.memory_space<hbm>>
      tpu.enqueue_dma source(%arg11 : memref<10000xf32, #tpu.memory_space<vmem>>) target(%dma_start3A_27 : memref<10000xf32, #tpu.memory_space<hbm>>) target_semaphore(%run_scoped3A : memref<!tpu.dma_semaphore, #tpu.memory_space<semaphore_mem>>)
      %dma_wait3A_28 = arith.constant 0 : i32
      %dma_wait3A_29 = tpu.memref_slice %arg8[%add3A, %dma_wait3A_28] : memref<32x10000xf32, #tpu.memory_space<hbm>> -> memref<1x10000xf32, #tpu.memory_space<hbm>>
      %dma_wait3A_30 = tpu.memref_squeeze %dma_wait3A_29 : memref<1x10000xf32, #tpu.memory_space<hbm>> -> memref<10000xf32, #tpu.memory_space<hbm>>
      %dma_wait3A_31 = arith.constant 0 : i32
      %dma_wait3A_32 = tpu.memref_slice %arg8[%add3A, %dma_wait3A_31] : memref<32x10000xf32, #tpu.memory_space<hbm>> -> memref<1x10000xf32, #tpu.memory_space<hbm>>
      %dma_wait3A_33 = tpu.memref_squeeze %dma_wait3A_32 : memref<1x10000xf32, #tpu.memory_space<hbm>> -> memref<10000xf32, #tpu.memory_space<hbm>>
      tpu.wait_dma2 semaphore(%run_scoped3A : memref<!tpu.dma_semaphore, #tpu.memory_space<semaphore_mem>>) src(%arg11 : memref<10000xf32, #tpu.memory_space<vmem>>) dst(%dma_wait3A_33 : memref<10000xf32, #tpu.memory_space<hbm>>)
      tpu.yield
    }) : () -> ()
    return
  }
}

#map = affine_map<(d0, d1) -> (0)>
#map1 = affine_map<(d0, d1) -> (0, 0)>
module attributes {stable_mosaic.version = 14 : i64} {
  func.func @_sc_alpha(%arg0: i32, %arg1: i32, %arg2: memref<10000xf32, #tpu.memory_space<hbm>>, %arg3: memref<10000xf32, #tpu.memory_space<hbm>>, %arg4: memref<335872xi32, #tpu.memory_space<hbm>>, %arg5: memref<335872xi32, #tpu.memory_space<hbm>>, %arg6: memref<335872xf32, #tpu.memory_space<hbm>>, %arg7: memref<335872xf32, #tpu.memory_space<hbm>>, %arg8: memref<32x10000xf32, #tpu.memory_space<hbm>>, %arg9: memref<10000xf32, #tpu.memory_space<vmem>>, %arg10: memref<10000xf32, #tpu.memory_space<vmem>>, %arg11: memref<10000xf32, #tpu.memory_space<vmem>>, %arg12: memref<10496xi32, #tpu.memory_space<vmem>>, %arg13: memref<10496xi32, #tpu.memory_space<vmem>>, %arg14: memref<10496xf32, #tpu.memory_space<vmem>>, %arg15: memref<10496xf32, #tpu.memory_space<vmem>>, %arg16: memref<!tpu.dma_semaphore, #tpu.memory_space<semaphore_mem>>) attributes {dimension_semantics = [#tpu.dimension_semantics<core_parallel>, #tpu.dimension_semantics<subcore_parallel>], iteration_bounds = array<i64: 2, 16>, scalar_prefetch = 0 : i64, scratch_operands = 8 : i64, tpu.core_type = #tpu.core_type<sc_vector_subcore>, window_params = [{transform_indices = #map}, {transform_indices = #map}, {transform_indices = #map}, {transform_indices = #map}, {transform_indices = #map}, {transform_indices = #map}, {transform_indices = #map1}]} {
    %mul3A = arith.constant 2 : i32
    %mul3A_0 = arith.muli %arg1, %mul3A : i32
    %add3A = arith.addi %mul3A_0, %arg0 : i32
    %mul3A_1 = arith.constant 10496 : i32
    %mul3A_2 = arith.muli %add3A, %mul3A_1 : i32
    tpu.enqueue_dma source(%arg2 : memref<10000xf32, #tpu.memory_space<hbm>>) target(%arg9 : memref<10000xf32, #tpu.memory_space<vmem>>) target_semaphore(%arg16 : memref<!tpu.dma_semaphore, #tpu.memory_space<semaphore_mem>>)
    tpu.enqueue_dma source(%arg3 : memref<10000xf32, #tpu.memory_space<hbm>>) target(%arg10 : memref<10000xf32, #tpu.memory_space<vmem>>) target_semaphore(%arg16 : memref<!tpu.dma_semaphore, #tpu.memory_space<semaphore_mem>>)
    %dma_start3A = tpu.memref_slice %arg4[%mul3A_2] : memref<335872xi32, #tpu.memory_space<hbm>> -> memref<10496xi32, #tpu.memory_space<hbm>>
    %dma_start3A_3 = tpu.memref_slice %arg4[%mul3A_2] : memref<335872xi32, #tpu.memory_space<hbm>> -> memref<10496xi32, #tpu.memory_space<hbm>>
    tpu.enqueue_dma source(%dma_start3A_3 : memref<10496xi32, #tpu.memory_space<hbm>>) target(%arg12 : memref<10496xi32, #tpu.memory_space<vmem>>) target_semaphore(%arg16 : memref<!tpu.dma_semaphore, #tpu.memory_space<semaphore_mem>>)
    %dma_start3A_4 = tpu.memref_slice %arg5[%mul3A_2] : memref<335872xi32, #tpu.memory_space<hbm>> -> memref<10496xi32, #tpu.memory_space<hbm>>
    %dma_start3A_5 = tpu.memref_slice %arg5[%mul3A_2] : memref<335872xi32, #tpu.memory_space<hbm>> -> memref<10496xi32, #tpu.memory_space<hbm>>
    tpu.enqueue_dma source(%dma_start3A_5 : memref<10496xi32, #tpu.memory_space<hbm>>) target(%arg13 : memref<10496xi32, #tpu.memory_space<vmem>>) target_semaphore(%arg16 : memref<!tpu.dma_semaphore, #tpu.memory_space<semaphore_mem>>)
    %dma_start3A_6 = tpu.memref_slice %arg6[%mul3A_2] : memref<335872xf32, #tpu.memory_space<hbm>> -> memref<10496xf32, #tpu.memory_space<hbm>>
    %dma_start3A_7 = tpu.memref_slice %arg6[%mul3A_2] : memref<335872xf32, #tpu.memory_space<hbm>> -> memref<10496xf32, #tpu.memory_space<hbm>>
    tpu.enqueue_dma source(%dma_start3A_7 : memref<10496xf32, #tpu.memory_space<hbm>>) target(%arg14 : memref<10496xf32, #tpu.memory_space<vmem>>) target_semaphore(%arg16 : memref<!tpu.dma_semaphore, #tpu.memory_space<semaphore_mem>>)
    %broadcast_in_dim3A = arith.constant 0.000000e+00 : f32
    %broadcast_in_dim3A_8 = vector.broadcast %broadcast_in_dim3A : f32 to vector<16xf32>
    %scan3A = arith.constant 0 : i32
    %scan3A_9 = arith.constant 0 : i32
    %scan3A_10 = arith.constant 625 : i32
    %scan3A_11 = arith.addi %scan3A_9, %scan3A_10 : i32
    %scan3A_12 = arith.constant 1 : i32
    %scan3A_13 = scf.for %scan3A_22 = %scan3A_9 to %scan3A_11 step %scan3A_12 iter_args(%scan3A_23 = %scan3A) -> (i32)  : i32 {
      %mul3A_24 = arith.constant 16 : i32
      %mul3A_25 = arith.muli %scan3A_22, %mul3A_24 : i32
      %swap3A = arith.index_cast %mul3A_25 : i32 to index
      %swap3A_26 = tpu.vector_load %arg11[%swap3A] {strides = array<i32>} : memref<10000xf32, #tpu.memory_space<vmem>>, vector<16xf32>,
      tpu.vector_store %arg11[%swap3A], %broadcast_in_dim3A_8 {strides = array<i32>} : memref<10000xf32, #tpu.memory_space<vmem>>, vector<16xf32>,
      %scan3A_27 = arith.constant 0 : i32
      scf.yield %scan3A_27 : i32
    }
    %scan3A_14 = arith.constant 625 : i32
    tpu.wait_dma2 semaphore(%arg16 : memref<!tpu.dma_semaphore, #tpu.memory_space<semaphore_mem>>) src(%arg2 : memref<10000xf32, #tpu.memory_space<hbm>>) dst(%arg9 : memref<10000xf32, #tpu.memory_space<vmem>>)
    tpu.wait_dma2 semaphore(%arg16 : memref<!tpu.dma_semaphore, #tpu.memory_space<semaphore_mem>>) src(%arg3 : memref<10000xf32, #tpu.memory_space<hbm>>) dst(%arg10 : memref<10000xf32, #tpu.memory_space<vmem>>)
    %dma_wait3A = tpu.memref_slice %arg4[%mul3A_2] : memref<335872xi32, #tpu.memory_space<hbm>> -> memref<10496xi32, #tpu.memory_space<hbm>>
    %dma_wait3A_15 = tpu.memref_slice %arg4[%mul3A_2] : memref<335872xi32, #tpu.memory_space<hbm>> -> memref<10496xi32, #tpu.memory_space<hbm>>
    tpu.wait_dma2 semaphore(%arg16 : memref<!tpu.dma_semaphore, #tpu.memory_space<semaphore_mem>>) src(%dma_wait3A_15 : memref<10496xi32, #tpu.memory_space<hbm>>) dst(%arg12 : memref<10496xi32, #tpu.memory_space<vmem>>)
    %dma_wait3A_16 = tpu.memref_slice %arg5[%mul3A_2] : memref<335872xi32, #tpu.memory_space<hbm>> -> memref<10496xi32, #tpu.memory_space<hbm>>
    %dma_wait3A_17 = tpu.memref_slice %arg5[%mul3A_2] : memref<335872xi32, #tpu.memory_space<hbm>> -> memref<10496xi32, #tpu.memory_space<hbm>>
    tpu.wait_dma2 semaphore(%arg16 : memref<!tpu.dma_semaphore, #tpu.memory_space<semaphore_mem>>) src(%dma_wait3A_17 : memref<10496xi32, #tpu.memory_space<hbm>>) dst(%arg13 : memref<10496xi32, #tpu.memory_space<vmem>>)
    %dma_wait3A_18 = tpu.memref_slice %arg6[%mul3A_2] : memref<335872xf32, #tpu.memory_space<hbm>> -> memref<10496xf32, #tpu.memory_space<hbm>>
    %dma_wait3A_19 = tpu.memref_slice %arg6[%mul3A_2] : memref<335872xf32, #tpu.memory_space<hbm>> -> memref<10496xf32, #tpu.memory_space<hbm>>
    tpu.wait_dma2 semaphore(%arg16 : memref<!tpu.dma_semaphore, #tpu.memory_space<semaphore_mem>>) src(%dma_wait3A_19 : memref<10496xf32, #tpu.memory_space<hbm>>) dst(%arg14 : memref<10496xf32, #tpu.memory_space<vmem>>)
    %parallel_loop3A = arith.constant 0 : i32
    %parallel_loop3A_20 = arith.constant 656 : i32
    %parallel_loop3A_21 = arith.constant 1 : i32
    scf.for %parallel_loop3A_22 = %parallel_loop3A to %parallel_loop3A_20 step %parallel_loop3A_21  : i32 {
      %parallel_loop3A_23 = arith.constant 16 : i32
      %parallel_loop3A_24 = arith.muli %parallel_loop3A_22, %parallel_loop3A_23 : i32
      %parallel_loop3A_25 = arith.index_cast %parallel_loop3A_24 : i32 to index
      %parallel_loop3A_26 = tpu.vector_load %arg12[%parallel_loop3A_25] {strides = array<i32>} : memref<10496xi32, #tpu.memory_space<vmem>>, vector<16xi32>,
      %parallel_loop3A_27 = arith.index_cast %parallel_loop3A_24 : i32 to index
      %parallel_loop3A_28 = tpu.vector_load %arg13[%parallel_loop3A_27] {strides = array<i32>} : memref<10496xi32, #tpu.memory_space<vmem>>, vector<16xi32>,
      %parallel_loop3A_29 = arith.index_cast %parallel_loop3A_24 : i32 to index
      %parallel_loop3A_30 = tpu.vector_load %arg14[%parallel_loop3A_29] {strides = array<i32>} : memref<10496xf32, #tpu.memory_space<vmem>>, vector<16xf32>,
      %parallel_loop3A_31 = tpu.vector_load_idx %arg9[%parallel_loop3A_26] : memref<10000xf32, #tpu.memory_space<vmem>>[vector<16xi32>], vector<16xf32>,
      %parallel_loop3A_32 = tpu.vector_load_idx %arg10[%parallel_loop3A_28] : memref<10000xf32, #tpu.memory_space<vmem>>[vector<16xi32>], vector<16xf32>,
      %parallel_loop3A_33 = arith.addf %parallel_loop3A_31, %parallel_loop3A_32 : vector<16xf32>
      %parallel_loop3A_34 = arith.addf %parallel_loop3A_33, %parallel_loop3A_30 : vector<16xf32>
      %parallel_loop3A_35 = arith.constant 2.000000e-01 : f32
      %parallel_loop3A_36 = vector.broadcast %parallel_loop3A_35 : f32 to vector<16xf32>
      %parallel_loop3A_37 = arith.mulf %parallel_loop3A_36, %parallel_loop3A_34 : vector<16xf32>
      %parallel_loop3A_38 = arith.maximumf %parallel_loop3A_34, %parallel_loop3A_37 : vector<16xf32>
      %parallel_loop3A_39 = math.exp %parallel_loop3A_38 : vector<16xf32>
      %parallel_loop3A_40 = arith.index_cast %parallel_loop3A_24 : i32 to index
      %parallel_loop3A_41 = tpu.vector_load %arg15[%parallel_loop3A_40] {strides = array<i32>} : memref<10496xf32, #tpu.memory_space<vmem>>, vector<16xf32>,
      tpu.vector_store %arg15[%parallel_loop3A_40], %parallel_loop3A_39 {strides = array<i32>} : memref<10496xf32, #tpu.memory_space<vmem>>, vector<16xf32>,
      tpu.vector_store_idx %arg11[%parallel_loop3A_28], %parallel_loop3A_39 {add = true} : memref<10000xf32, #tpu.memory_space<vmem>>[vector<16xi32>], vector<16xf32>,
    } {sc.loop_unroll_factor = 8 : i64, sc.parallel_access}
    "tpu.region"() ({
      %run_scoped3A = tpu.sem_alloc : memref<!tpu.dma_semaphore, #tpu.memory_space<semaphore_mem>>
      %dma_start3A_22 = tpu.memref_slice %arg7[%mul3A_2] : memref<335872xf32, #tpu.memory_space<hbm>> -> memref<10496xf32, #tpu.memory_space<hbm>>
      %dma_start3A_23 = tpu.memref_slice %arg7[%mul3A_2] : memref<335872xf32, #tpu.memory_space<hbm>> -> memref<10496xf32, #tpu.memory_space<hbm>>
      tpu.enqueue_dma source(%arg15 : memref<10496xf32, #tpu.memory_space<vmem>>) target(%dma_start3A_23 : memref<10496xf32, #tpu.memory_space<hbm>>) target_semaphore(%run_scoped3A : memref<!tpu.dma_semaphore, #tpu.memory_space<semaphore_mem>>)
      %dma_wait3A_24 = tpu.memref_slice %arg7[%mul3A_2] : memref<335872xf32, #tpu.memory_space<hbm>> -> memref<10496xf32, #tpu.memory_space<hbm>>
      %dma_wait3A_25 = tpu.memref_slice %arg7[%mul3A_2] : memref<335872xf32, #tpu.memory_space<hbm>> -> memref<10496xf32, #tpu.memory_space<hbm>>
      tpu.wait_dma2 semaphore(%run_scoped3A : memref<!tpu.dma_semaphore, #tpu.memory_space<semaphore_mem>>) src(%arg15 : memref<10496xf32, #tpu.memory_space<vmem>>) dst(%dma_wait3A_25 : memref<10496xf32, #tpu.memory_space<hbm>>)
      tpu.yield
    }) : () -> ()
    "tpu.region"() ({
      %run_scoped3A = tpu.sem_alloc : memref<!tpu.dma_semaphore, #tpu.memory_space<semaphore_mem>>
      %dma_start3A_22 = arith.constant 0 : i32
      %dma_start3A_23 = tpu.memref_slice %arg8[%add3A, %dma_start3A_22] : memref<32x10000xf32, #tpu.memory_space<hbm>> -> memref<1x10000xf32, #tpu.memory_space<hbm>>
      %dma_start3A_24 = tpu.memref_squeeze %dma_start3A_23 : memref<1x10000xf32, #tpu.memory_space<hbm>> -> memref<10000xf32, #tpu.memory_space<hbm>>
      %dma_start3A_25 = arith.constant 0 : i32
      %dma_start3A_26 = tpu.memref_slice %arg8[%add3A, %dma_start3A_25] : memref<32x10000xf32, #tpu.memory_space<hbm>> -> memref<1x10000xf32, #tpu.memory_space<hbm>>
      %dma_start3A_27 = tpu.memref_squeeze %dma_start3A_26 : memref<1x10000xf32, #tpu.memory_space<hbm>> -> memref<10000xf32, #tpu.memory_space<hbm>>
      tpu.enqueue_dma source(%arg11 : memref<10000xf32, #tpu.memory_space<vmem>>) target(%dma_start3A_27 : memref<10000xf32, #tpu.memory_space<hbm>>) target_semaphore(%run_scoped3A : memref<!tpu.dma_semaphore, #tpu.memory_space<semaphore_mem>>)
      %dma_wait3A_28 = arith.constant 0 : i32
      %dma_wait3A_29 = tpu.memref_slice %arg8[%add3A, %dma_wait3A_28] : memref<32x10000xf32, #tpu.memory_space<hbm>> -> memref<1x10000xf32, #tpu.memory_space<hbm>>
      %dma_wait3A_30 = tpu.memref_squeeze %dma_wait3A_29 : memref<1x10000xf32, #tpu.memory_space<hbm>> -> memref<10000xf32, #tpu.memory_space<hbm>>
      %dma_wait3A_31 = arith.constant 0 : i32
      %dma_wait3A_32 = tpu.memref_slice %arg8[%add3A, %dma_wait3A_31] : memref<32x10000xf32, #tpu.memory_space<hbm>> -> memref<1x10000xf32, #tpu.memory_space<hbm>>
      %dma_wait3A_33 = tpu.memref_squeeze %dma_wait3A_32 : memref<1x10000xf32, #tpu.memory_space<hbm>> -> memref<10000xf32, #tpu.memory_space<hbm>>
      tpu.wait_dma2 semaphore(%run_scoped3A : memref<!tpu.dma_semaphore, #tpu.memory_space<semaphore_mem>>) src(%arg11 : memref<10000xf32, #tpu.memory_space<vmem>>) dst(%dma_wait3A_33 : memref<10000xf32, #tpu.memory_space<hbm>>)
      tpu.yield
    }) : () -> ()
    return
  }
}

#map = affine_map<(d0, d1) -> (0, 0)>
#map1 = affine_map<(d0, d1) -> (0)>
module attributes {stable_mosaic.version = 14 : i64} {
  func.func @_sc_scatter(%arg0: i32, %arg1: i32, %arg2: memref<64x10000xi32, #tpu.memory_space<hbm>>, %arg3: memref<335872xi32, #tpu.memory_space<hbm>>, %arg4: memref<335872xi32, #tpu.memory_space<hbm>>, %arg5: memref<335872xf32, #tpu.memory_space<hbm>>, %arg6: memref<128x10000xf32, #tpu.memory_space<hbm>>, %arg7: memref<2x10000xi32, #tpu.memory_space<vmem>>, %arg8: memref<4x10000xf32, #tpu.memory_space<vmem>>, %arg9: memref<8192xi32, #tpu.memory_space<vmem>>, %arg10: memref<8192xi32, #tpu.memory_space<vmem>>, %arg11: memref<8192xf32, #tpu.memory_space<vmem>>, %arg12: memref<!tpu.dma_semaphore, #tpu.memory_space<semaphore_mem>>, %arg13: memref<!tpu.dma_semaphore, #tpu.memory_space<semaphore_mem>>) attributes {dimension_semantics = [#tpu.dimension_semantics<core_parallel>, #tpu.dimension_semantics<subcore_parallel>], iteration_bounds = array<i64: 2, 16>, scalar_prefetch = 0 : i64, scratch_operands = 7 : i64, tpu.core_type = #tpu.core_type<sc_vector_subcore>, window_params = [{transform_indices = #map}, {transform_indices = #map1}, {transform_indices = #map1}, {transform_indices = #map1}, {transform_indices = #map}]} {
    %mul3A = arith.constant 2 : i32
    %mul3A_0 = arith.muli %arg1, %mul3A : i32
    %add3A = arith.addi %mul3A_0, %arg0 : i32
    %mul3A_1 = arith.constant 2 : i32
    %mul3A_2 = arith.muli %mul3A_1, %add3A : i32
    "tpu.region"() ({
      %run_scoped3A = tpu.sem_alloc : memref<!tpu.dma_semaphore, #tpu.memory_space<semaphore_mem>>
      %dma_start3A_74 = arith.constant 0 : i32
      %dma_start3A_75 = tpu.memref_slice %arg2[%mul3A_2, %dma_start3A_74] : memref<64x10000xi32, #tpu.memory_space<hbm>> -> memref<2x10000xi32, #tpu.memory_space<hbm>>
      %dma_start3A_76 = arith.constant 0 : i32
      %dma_start3A_77 = tpu.memref_slice %arg2[%mul3A_2, %dma_start3A_76] : memref<64x10000xi32, #tpu.memory_space<hbm>> -> memref<2x10000xi32, #tpu.memory_space<hbm>>
      tpu.enqueue_dma source(%dma_start3A_77 : memref<2x10000xi32, #tpu.memory_space<hbm>>) target(%arg7 : memref<2x10000xi32, #tpu.memory_space<vmem>>) target_semaphore(%run_scoped3A : memref<!tpu.dma_semaphore, #tpu.memory_space<semaphore_mem>>)
      %dma_wait3A = arith.constant 0 : i32
      %dma_wait3A_78 = tpu.memref_slice %arg2[%mul3A_2, %dma_wait3A] : memref<64x10000xi32, #tpu.memory_space<hbm>> -> memref<2x10000xi32, #tpu.memory_space<hbm>>
      %dma_wait3A_79 = arith.constant 0 : i32
      %dma_wait3A_80 = tpu.memref_slice %arg2[%mul3A_2, %dma_wait3A_79] : memref<64x10000xi32, #tpu.memory_space<hbm>> -> memref<2x10000xi32, #tpu.memory_space<hbm>>
      tpu.wait_dma2 semaphore(%run_scoped3A : memref<!tpu.dma_semaphore, #tpu.memory_space<semaphore_mem>>) src(%dma_wait3A_80 : memref<2x10000xi32, #tpu.memory_space<hbm>>) dst(%arg7 : memref<2x10000xi32, #tpu.memory_space<vmem>>)
      tpu.yield
    }) : () -> ()
    %broadcast_in_dim3A = arith.constant 0.000000e+00 : f32
    %broadcast_in_dim3A_3 = vector.broadcast %broadcast_in_dim3A : f32 to vector<16xf32>
    %scan3A = arith.constant 0 : i32
    %scan3A_4 = arith.constant 0 : i32
    %scan3A_5 = arith.constant 625 : i32
    %scan3A_6 = arith.addi %scan3A_4, %scan3A_5 : i32
    %scan3A_7 = arith.constant 1 : i32
    %scan3A_8 = scf.for %scan3A_74 = %scan3A_4 to %scan3A_6 step %scan3A_7 iter_args(%scan3A_75 = %scan3A) -> (i32)  : i32 {
      %mul3A_76 = arith.constant 16 : i32
      %mul3A_77 = arith.muli %scan3A_74, %mul3A_76 : i32
      %swap3A = arith.constant 0 : i32
      %swap3A_78 = arith.index_cast %swap3A : i32 to index
      %swap3A_79 = arith.index_cast %mul3A_77 : i32 to index
      %swap3A_80 = tpu.vector_load %arg8[%swap3A_78, %swap3A_79] {strides = array<i32>} : memref<4x10000xf32, #tpu.memory_space<vmem>>, vector<16xf32>,
      tpu.vector_store %arg8[%swap3A_78, %swap3A_79], %broadcast_in_dim3A_3 {strides = array<i32>} : memref<4x10000xf32, #tpu.memory_space<vmem>>, vector<16xf32>,
      %mul3A_81 = arith.constant 16 : i32
      %mul3A_82 = arith.muli %scan3A_74, %mul3A_81 : i32
      %swap3A_83 = arith.constant 1 : i32
      %swap3A_84 = arith.index_cast %swap3A_83 : i32 to index
      %swap3A_85 = arith.index_cast %mul3A_82 : i32 to index
      %swap3A_86 = tpu.vector_load %arg8[%swap3A_84, %swap3A_85] {strides = array<i32>} : memref<4x10000xf32, #tpu.memory_space<vmem>>, vector<16xf32>,
      tpu.vector_store %arg8[%swap3A_84, %swap3A_85], %broadcast_in_dim3A_3 {strides = array<i32>} : memref<4x10000xf32, #tpu.memory_space<vmem>>, vector<16xf32>,
      %mul3A_87 = arith.constant 16 : i32
      %mul3A_88 = arith.muli %scan3A_74, %mul3A_87 : i32
      %swap3A_89 = arith.constant 2 : i32
      %swap3A_90 = arith.index_cast %swap3A_89 : i32 to index
      %swap3A_91 = arith.index_cast %mul3A_88 : i32 to index
      %swap3A_92 = tpu.vector_load %arg8[%swap3A_90, %swap3A_91] {strides = array<i32>} : memref<4x10000xf32, #tpu.memory_space<vmem>>, vector<16xf32>,
      tpu.vector_store %arg8[%swap3A_90, %swap3A_91], %broadcast_in_dim3A_3 {strides = array<i32>} : memref<4x10000xf32, #tpu.memory_space<vmem>>, vector<16xf32>,
      %mul3A_93 = arith.constant 16 : i32
      %mul3A_94 = arith.muli %scan3A_74, %mul3A_93 : i32
      %swap3A_95 = arith.constant 3 : i32
      %swap3A_96 = arith.index_cast %swap3A_95 : i32 to index
      %swap3A_97 = arith.index_cast %mul3A_94 : i32 to index
      %swap3A_98 = tpu.vector_load %arg8[%swap3A_96, %swap3A_97] {strides = array<i32>} : memref<4x10000xf32, #tpu.memory_space<vmem>>, vector<16xf32>,
      tpu.vector_store %arg8[%swap3A_96, %swap3A_97], %broadcast_in_dim3A_3 {strides = array<i32>} : memref<4x10000xf32, #tpu.memory_space<vmem>>, vector<16xf32>,
      %scan3A_99 = arith.constant 0 : i32
      scf.yield %scan3A_99 : i32
    }
    %scan3A_9 = arith.constant 625 : i32
    %dma_start3A = arith.constant 0 : i32
    %dma_start3A_10 = tpu.memref_slice %arg9[%dma_start3A] : memref<8192xi32, #tpu.memory_space<vmem>> -> memref<4096xi32, #tpu.memory_space<vmem>>
    %dma_start3A_11 = arith.constant 0 : i32
    %dma_start3A_12 = tpu.memref_slice %arg3[%dma_start3A_11] : memref<335872xi32, #tpu.memory_space<hbm>> -> memref<4096xi32, #tpu.memory_space<hbm>>
    %dma_start3A_13 = arith.constant 0 : i32
    %dma_start3A_14 = tpu.memref_slice %arg9[%dma_start3A_13] : memref<8192xi32, #tpu.memory_space<vmem>> -> memref<4096xi32, #tpu.memory_space<vmem>>
    %dma_start3A_15 = arith.constant 0 : i32
    %dma_start3A_16 = tpu.memref_slice %arg3[%dma_start3A_15] : memref<335872xi32, #tpu.memory_space<hbm>> -> memref<4096xi32, #tpu.memory_space<hbm>>
    tpu.enqueue_dma source(%dma_start3A_16 : memref<4096xi32, #tpu.memory_space<hbm>>) target(%dma_start3A_14 : memref<4096xi32, #tpu.memory_space<vmem>>) target_semaphore(%arg12 : memref<!tpu.dma_semaphore, #tpu.memory_space<semaphore_mem>>)
    %dma_start3A_17 = arith.constant 0 : i32
    %dma_start3A_18 = tpu.memref_slice %arg10[%dma_start3A_17] : memref<8192xi32, #tpu.memory_space<vmem>> -> memref<4096xi32, #tpu.memory_space<vmem>>
    %dma_start3A_19 = arith.constant 0 : i32
    %dma_start3A_20 = tpu.memref_slice %arg4[%dma_start3A_19] : memref<335872xi32, #tpu.memory_space<hbm>> -> memref<4096xi32, #tpu.memory_space<hbm>>
    %dma_start3A_21 = arith.constant 0 : i32
    %dma_start3A_22 = tpu.memref_slice %arg10[%dma_start3A_21] : memref<8192xi32, #tpu.memory_space<vmem>> -> memref<4096xi32, #tpu.memory_space<vmem>>
    %dma_start3A_23 = arith.constant 0 : i32
    %dma_start3A_24 = tpu.memref_slice %arg4[%dma_start3A_23] : memref<335872xi32, #tpu.memory_space<hbm>> -> memref<4096xi32, #tpu.memory_space<hbm>>
    tpu.enqueue_dma source(%dma_start3A_24 : memref<4096xi32, #tpu.memory_space<hbm>>) target(%dma_start3A_22 : memref<4096xi32, #tpu.memory_space<vmem>>) target_semaphore(%arg12 : memref<!tpu.dma_semaphore, #tpu.memory_space<semaphore_mem>>)
    %dma_start3A_25 = arith.constant 0 : i32
    %dma_start3A_26 = tpu.memref_slice %arg11[%dma_start3A_25] : memref<8192xf32, #tpu.memory_space<vmem>> -> memref<4096xf32, #tpu.memory_space<vmem>>
    %dma_start3A_27 = arith.constant 0 : i32
    %dma_start3A_28 = tpu.memref_slice %arg5[%dma_start3A_27] : memref<335872xf32, #tpu.memory_space<hbm>> -> memref<4096xf32, #tpu.memory_space<hbm>>
    %dma_start3A_29 = arith.constant 0 : i32
    %dma_start3A_30 = tpu.memref_slice %arg11[%dma_start3A_29] : memref<8192xf32, #tpu.memory_space<vmem>> -> memref<4096xf32, #tpu.memory_space<vmem>>
    %dma_start3A_31 = arith.constant 0 : i32
    %dma_start3A_32 = tpu.memref_slice %arg5[%dma_start3A_31] : memref<335872xf32, #tpu.memory_space<hbm>> -> memref<4096xf32, #tpu.memory_space<hbm>>
    tpu.enqueue_dma source(%dma_start3A_32 : memref<4096xf32, #tpu.memory_space<hbm>>) target(%dma_start3A_30 : memref<4096xf32, #tpu.memory_space<vmem>>) target_semaphore(%arg12 : memref<!tpu.dma_semaphore, #tpu.memory_space<semaphore_mem>>)
    %dma_start3A_33 = arith.constant 4096 : i32
    %dma_start3A_34 = tpu.memref_slice %arg9[%dma_start3A_33] : memref<8192xi32, #tpu.memory_space<vmem>> -> memref<4096xi32, #tpu.memory_space<vmem>>
    %dma_start3A_35 = arith.constant 4096 : i32
    %dma_start3A_36 = tpu.memref_slice %arg3[%dma_start3A_35] : memref<335872xi32, #tpu.memory_space<hbm>> -> memref<4096xi32, #tpu.memory_space<hbm>>
    %dma_start3A_37 = arith.constant 4096 : i32
    %dma_start3A_38 = tpu.memref_slice %arg9[%dma_start3A_37] : memref<8192xi32, #tpu.memory_space<vmem>> -> memref<4096xi32, #tpu.memory_space<vmem>>
    %dma_start3A_39 = arith.constant 4096 : i32
    %dma_start3A_40 = tpu.memref_slice %arg3[%dma_start3A_39] : memref<335872xi32, #tpu.memory_space<hbm>> -> memref<4096xi32, #tpu.memory_space<hbm>>
    tpu.enqueue_dma source(%dma_start3A_40 : memref<4096xi32, #tpu.memory_space<hbm>>) target(%dma_start3A_38 : memref<4096xi32, #tpu.memory_space<vmem>>) target_semaphore(%arg13 : memref<!tpu.dma_semaphore, #tpu.memory_space<semaphore_mem>>)
    %dma_start3A_41 = arith.constant 4096 : i32
    %dma_start3A_42 = tpu.memref_slice %arg10[%dma_start3A_41] : memref<8192xi32, #tpu.memory_space<vmem>> -> memref<4096xi32, #tpu.memory_space<vmem>>
    %dma_start3A_43 = arith.constant 4096 : i32
    %dma_start3A_44 = tpu.memref_slice %arg4[%dma_start3A_43] : memref<335872xi32, #tpu.memory_space<hbm>> -> memref<4096xi32, #tpu.memory_space<hbm>>
    %dma_start3A_45 = arith.constant 4096 : i32
    %dma_start3A_46 = tpu.memref_slice %arg10[%dma_start3A_45] : memref<8192xi32, #tpu.memory_space<vmem>> -> memref<4096xi32, #tpu.memory_space<vmem>>
    %dma_start3A_47 = arith.constant 4096 : i32
    %dma_start3A_48 = tpu.memref_slice %arg4[%dma_start3A_47] : memref<335872xi32, #tpu.memory_space<hbm>> -> memref<4096xi32, #tpu.memory_space<hbm>>
    tpu.enqueue_dma source(%dma_start3A_48 : memref<4096xi32, #tpu.memory_space<hbm>>) target(%dma_start3A_46 : memref<4096xi32, #tpu.memory_space<vmem>>) target_semaphore(%arg13 : memref<!tpu.dma_semaphore, #tpu.memory_space<semaphore_mem>>)
    %dma_start3A_49 = arith.constant 4096 : i32
    %dma_start3A_50 = tpu.memref_slice %arg11[%dma_start3A_49] : memref<8192xf32, #tpu.memory_space<vmem>> -> memref<4096xf32, #tpu.memory_space<vmem>>
    %dma_start3A_51 = arith.constant 4096 : i32
    %dma_start3A_52 = tpu.memref_slice %arg5[%dma_start3A_51] : memref<335872xf32, #tpu.memory_space<hbm>> -> memref<4096xf32, #tpu.memory_space<hbm>>
    %dma_start3A_53 = arith.constant 4096 : i32
    %dma_start3A_54 = tpu.memref_slice %arg11[%dma_start3A_53] : memref<8192xf32, #tpu.memory_space<vmem>> -> memref<4096xf32, #tpu.memory_space<vmem>>
    %dma_start3A_55 = arith.constant 4096 : i32
    %dma_start3A_56 = tpu.memref_slice %arg5[%dma_start3A_55] : memref<335872xf32, #tpu.memory_space<hbm>> -> memref<4096xf32, #tpu.memory_space<hbm>>
    tpu.enqueue_dma source(%dma_start3A_56 : memref<4096xf32, #tpu.memory_space<hbm>>) target(%dma_start3A_54 : memref<4096xf32, #tpu.memory_space<vmem>>) target_semaphore(%arg13 : memref<!tpu.dma_semaphore, #tpu.memory_space<semaphore_mem>>)
    %broadcast_in_dim3A_57 = arith.constant 0 : i32
    %broadcast_in_dim3A_58 = vector.broadcast %broadcast_in_dim3A_57 : i32 to vector<16xi32>
    %broadcast_in_dim3A_59 = arith.constant 1 : i32
    %broadcast_in_dim3A_60 = vector.broadcast %broadcast_in_dim3A_59 : i32 to vector<16xi32>
    %broadcast_in_dim3A_61 = arith.constant 2 : i32
    %broadcast_in_dim3A_62 = vector.broadcast %broadcast_in_dim3A_61 : i32 to vector<16xi32>
    %broadcast_in_dim3A_63 = arith.constant 3 : i32
    %broadcast_in_dim3A_64 = vector.broadcast %broadcast_in_dim3A_63 : i32 to vector<16xi32>
    %scan3A_65 = arith.constant 0 : i32
    %scan3A_66 = arith.constant 0 : i32
    %scan3A_67 = arith.constant 41 : i32
    %scan3A_68 = arith.addi %scan3A_66, %scan3A_67 : i32
    %scan3A_69 = arith.constant 1 : i32
    %scan3A_70 = scf.for %scan3A_74 = %scan3A_66 to %scan3A_68 step %scan3A_69 iter_args(%scan3A_75 = %scan3A_65) -> (i32)  : i32 {
      %mul3A_76 = arith.constant 2 : i32
      %mul3A_77 = arith.muli %mul3A_76, %scan3A_74 : i32
      %mul3A_78 = arith.constant 4096 : i32
      %mul3A_79 = arith.muli %mul3A_77, %mul3A_78 : i32
      %dma_wait3A = arith.constant 0 : i32
      %dma_wait3A_80 = tpu.memref_slice %arg9[%dma_wait3A] : memref<8192xi32, #tpu.memory_space<vmem>> -> memref<4096xi32, #tpu.memory_space<vmem>>
      %dma_wait3A_81 = tpu.memref_slice %arg3[%mul3A_79] : memref<335872xi32, #tpu.memory_space<hbm>> -> memref<4096xi32, #tpu.memory_space<hbm>>
      %dma_wait3A_82 = arith.constant 0 : i32
      %dma_wait3A_83 = tpu.memref_slice %arg9[%dma_wait3A_82] : memref<8192xi32, #tpu.memory_space<vmem>> -> memref<4096xi32, #tpu.memory_space<vmem>>
      %dma_wait3A_84 = tpu.memref_slice %arg3[%mul3A_79] : memref<335872xi32, #tpu.memory_space<hbm>> -> memref<4096xi32, #tpu.memory_space<hbm>>
      tpu.wait_dma2 semaphore(%arg12 : memref<!tpu.dma_semaphore, #tpu.memory_space<semaphore_mem>>) src(%dma_wait3A_84 : memref<4096xi32, #tpu.memory_space<hbm>>) dst(%dma_wait3A_83 : memref<4096xi32, #tpu.memory_space<vmem>>)
      %dma_wait3A_85 = arith.constant 0 : i32
      %dma_wait3A_86 = tpu.memref_slice %arg10[%dma_wait3A_85] : memref<8192xi32, #tpu.memory_space<vmem>> -> memref<4096xi32, #tpu.memory_space<vmem>>
      %dma_wait3A_87 = tpu.memref_slice %arg4[%mul3A_79] : memref<335872xi32, #tpu.memory_space<hbm>> -> memref<4096xi32, #tpu.memory_space<hbm>>
      %dma_wait3A_88 = arith.constant 0 : i32
      %dma_wait3A_89 = tpu.memref_slice %arg10[%dma_wait3A_88] : memref<8192xi32, #tpu.memory_space<vmem>> -> memref<4096xi32, #tpu.memory_space<vmem>>
      %dma_wait3A_90 = tpu.memref_slice %arg4[%mul3A_79] : memref<335872xi32, #tpu.memory_space<hbm>> -> memref<4096xi32, #tpu.memory_space<hbm>>
      tpu.wait_dma2 semaphore(%arg12 : memref<!tpu.dma_semaphore, #tpu.memory_space<semaphore_mem>>) src(%dma_wait3A_90 : memref<4096xi32, #tpu.memory_space<hbm>>) dst(%dma_wait3A_89 : memref<4096xi32, #tpu.memory_space<vmem>>)
      %dma_wait3A_91 = arith.constant 0 : i32
      %dma_wait3A_92 = tpu.memref_slice %arg11[%dma_wait3A_91] : memref<8192xf32, #tpu.memory_space<vmem>> -> memref<4096xf32, #tpu.memory_space<vmem>>
      %dma_wait3A_93 = tpu.memref_slice %arg5[%mul3A_79] : memref<335872xf32, #tpu.memory_space<hbm>> -> memref<4096xf32, #tpu.memory_space<hbm>>
      %dma_wait3A_94 = arith.constant 0 : i32
      %dma_wait3A_95 = tpu.memref_slice %arg11[%dma_wait3A_94] : memref<8192xf32, #tpu.memory_space<vmem>> -> memref<4096xf32, #tpu.memory_space<vmem>>
      %dma_wait3A_96 = tpu.memref_slice %arg5[%mul3A_79] : memref<335872xf32, #tpu.memory_space<hbm>> -> memref<4096xf32, #tpu.memory_space<hbm>>
      tpu.wait_dma2 semaphore(%arg12 : memref<!tpu.dma_semaphore, #tpu.memory_space<semaphore_mem>>) src(%dma_wait3A_96 : memref<4096xf32, #tpu.memory_space<hbm>>) dst(%dma_wait3A_95 : memref<4096xf32, #tpu.memory_space<vmem>>)
      %parallel_loop3A = arith.constant 0 : i32
      %parallel_loop3A_97 = arith.constant 256 : i32
      %parallel_loop3A_98 = arith.constant 1 : i32
      scf.for %parallel_loop3A_138 = %parallel_loop3A to %parallel_loop3A_97 step %parallel_loop3A_98  : i32 {
        %parallel_loop3A_139 = arith.constant 16 : i32
        %parallel_loop3A_140 = arith.muli %parallel_loop3A_138, %parallel_loop3A_139 : i32
        %parallel_loop3A_141 = arith.constant 0 : i32
        %parallel_loop3A_142 = arith.addi %parallel_loop3A_141, %parallel_loop3A_140 : i32
        %parallel_loop3A_143 = arith.index_cast %parallel_loop3A_142 : i32 to index
        %parallel_loop3A_144 = tpu.vector_load %arg9[%parallel_loop3A_143] {strides = array<i32>} : memref<8192xi32, #tpu.memory_space<vmem>>, vector<16xi32>,
        %parallel_loop3A_145 = arith.index_cast %parallel_loop3A_142 : i32 to index
        %parallel_loop3A_146 = tpu.vector_load %arg10[%parallel_loop3A_145] {strides = array<i32>} : memref<8192xi32, #tpu.memory_space<vmem>>, vector<16xi32>,
        %parallel_loop3A_147 = arith.index_cast %parallel_loop3A_142 : i32 to index
        %parallel_loop3A_148 = tpu.vector_load %arg11[%parallel_loop3A_147] {strides = array<i32>} : memref<8192xf32, #tpu.memory_space<vmem>>, vector<16xf32>,
        %parallel_loop3A_149 = arith.constant -65536 : i32
        %parallel_loop3A_150 = vector.broadcast %parallel_loop3A_149 : i32 to vector<16xi32>
        %parallel_loop3A_151 = tpu.vector_load_idx %arg7[%broadcast_in_dim3A_58, %parallel_loop3A_144] : memref<2x10000xi32, #tpu.memory_space<vmem>>[vector<16xi32>, vector<16xi32>], vector<16xi32>,
        %parallel_loop3A_152 = arith.constant 16 : i32
        %parallel_loop3A_153 = vector.broadcast %parallel_loop3A_152 : i32 to vector<16xi32>
        %parallel_loop3A_154 = arith.shli %parallel_loop3A_151, %parallel_loop3A_153 : vector<16xi32>
        %parallel_loop3A_155 = vector.bitcast %parallel_loop3A_154 : vector<16xi32> to vector<16xf32>
        %parallel_loop3A_156 = arith.andi %parallel_loop3A_151, %parallel_loop3A_150 : vector<16xi32>
        %parallel_loop3A_157 = vector.bitcast %parallel_loop3A_156 : vector<16xi32> to vector<16xf32>
        %parallel_loop3A_158 = arith.mulf %parallel_loop3A_155, %parallel_loop3A_148 : vector<16xf32>
        tpu.vector_store_idx %arg8[%broadcast_in_dim3A_58, %parallel_loop3A_146], %parallel_loop3A_158 {add = true} : memref<4x10000xf32, #tpu.memory_space<vmem>>[vector<16xi32>, vector<16xi32>], vector<16xf32>,
        %parallel_loop3A_159 = arith.mulf %parallel_loop3A_157, %parallel_loop3A_148 : vector<16xf32>
        tpu.vector_store_idx %arg8[%broadcast_in_dim3A_60, %parallel_loop3A_146], %parallel_loop3A_159 {add = true} : memref<4x10000xf32, #tpu.memory_space<vmem>>[vector<16xi32>, vector<16xi32>], vector<16xf32>,
        %parallel_loop3A_160 = tpu.vector_load_idx %arg7[%broadcast_in_dim3A_60, %parallel_loop3A_144] : memref<2x10000xi32, #tpu.memory_space<vmem>>[vector<16xi32>, vector<16xi32>], vector<16xi32>,
        %parallel_loop3A_161 = arith.constant 16 : i32
        %parallel_loop3A_162 = vector.broadcast %parallel_loop3A_161 : i32 to vector<16xi32>
        %parallel_loop3A_163 = arith.shli %parallel_loop3A_160, %parallel_loop3A_162 : vector<16xi32>
        %parallel_loop3A_164 = vector.bitcast %parallel_loop3A_163 : vector<16xi32> to vector<16xf32>
        %parallel_loop3A_165 = arith.andi %parallel_loop3A_160, %parallel_loop3A_150 : vector<16xi32>
        %parallel_loop3A_166 = vector.bitcast %parallel_loop3A_165 : vector<16xi32> to vector<16xf32>
        %parallel_loop3A_167 = arith.mulf %parallel_loop3A_164, %parallel_loop3A_148 : vector<16xf32>
        tpu.vector_store_idx %arg8[%broadcast_in_dim3A_62, %parallel_loop3A_146], %parallel_loop3A_167 {add = true} : memref<4x10000xf32, #tpu.memory_space<vmem>>[vector<16xi32>, vector<16xi32>], vector<16xf32>,
        %parallel_loop3A_168 = arith.mulf %parallel_loop3A_166, %parallel_loop3A_148 : vector<16xf32>
        tpu.vector_store_idx %arg8[%broadcast_in_dim3A_64, %parallel_loop3A_146], %parallel_loop3A_168 {add = true} : memref<4x10000xf32, #tpu.memory_space<vmem>>[vector<16xi32>, vector<16xi32>], vector<16xf32>,
      } {sc.loop_unroll_factor = 4 : i64, sc.parallel_access}
      %add3A_99 = arith.constant 2 : i32
      %add3A_100 = arith.addi %mul3A_77, %add3A_99 : i32
      %lt3A = arith.constant 82 : i32
      %lt3A_101 = arith.cmpi slt, %add3A_100, %lt3A : i32
      %convert_element_type3A = arith.extui %lt3A_101 : i1 to i32
      %cond3A = arith.constant 0 : i32
      %cond3A_102 = arith.cmpi ne, %convert_element_type3A, %cond3A : i32
      scf.if %cond3A_102 {
        %add3A_138 = arith.constant 2 : i32
        %add3A_139 = arith.addi %mul3A_77, %add3A_138 : i32
        %mul3A_140 = arith.constant 4096 : i32
        %mul3A_141 = arith.muli %add3A_139, %mul3A_140 : i32
        %dma_start3A_142 = arith.constant 0 : i32
        %dma_start3A_143 = tpu.memref_slice %arg9[%dma_start3A_142] : memref<8192xi32, #tpu.memory_space<vmem>> -> memref<4096xi32, #tpu.memory_space<vmem>>
        %dma_start3A_144 = tpu.memref_slice %arg3[%mul3A_141] : memref<335872xi32, #tpu.memory_space<hbm>> -> memref<4096xi32, #tpu.memory_space<hbm>>
        %dma_start3A_145 = arith.constant 0 : i32
        %dma_start3A_146 = tpu.memref_slice %arg9[%dma_start3A_145] : memref<8192xi32, #tpu.memory_space<vmem>> -> memref<4096xi32, #tpu.memory_space<vmem>>
        %dma_start3A_147 = tpu.memref_slice %arg3[%mul3A_141] : memref<335872xi32, #tpu.memory_space<hbm>> -> memref<4096xi32, #tpu.memory_space<hbm>>
        tpu.enqueue_dma source(%dma_start3A_147 : memref<4096xi32, #tpu.memory_space<hbm>>) target(%dma_start3A_146 : memref<4096xi32, #tpu.memory_space<vmem>>) target_semaphore(%arg12 : memref<!tpu.dma_semaphore, #tpu.memory_space<semaphore_mem>>)
        %dma_start3A_148 = arith.constant 0 : i32
        %dma_start3A_149 = tpu.memref_slice %arg10[%dma_start3A_148] : memref<8192xi32, #tpu.memory_space<vmem>> -> memref<4096xi32, #tpu.memory_space<vmem>>
        %dma_start3A_150 = tpu.memref_slice %arg4[%mul3A_141] : memref<335872xi32, #tpu.memory_space<hbm>> -> memref<4096xi32, #tpu.memory_space<hbm>>
        %dma_start3A_151 = arith.constant 0 : i32
        %dma_start3A_152 = tpu.memref_slice %arg10[%dma_start3A_151] : memref<8192xi32, #tpu.memory_space<vmem>> -> memref<4096xi32, #tpu.memory_space<vmem>>
        %dma_start3A_153 = tpu.memref_slice %arg4[%mul3A_141] : memref<335872xi32, #tpu.memory_space<hbm>> -> memref<4096xi32, #tpu.memory_space<hbm>>
        tpu.enqueue_dma source(%dma_start3A_153 : memref<4096xi32, #tpu.memory_space<hbm>>) target(%dma_start3A_152 : memref<4096xi32, #tpu.memory_space<vmem>>) target_semaphore(%arg12 : memref<!tpu.dma_semaphore, #tpu.memory_space<semaphore_mem>>)
        %dma_start3A_154 = arith.constant 0 : i32
        %dma_start3A_155 = tpu.memref_slice %arg11[%dma_start3A_154] : memref<8192xf32, #tpu.memory_space<vmem>> -> memref<4096xf32, #tpu.memory_space<vmem>>
        %dma_start3A_156 = tpu.memref_slice %arg5[%mul3A_141] : memref<335872xf32, #tpu.memory_space<hbm>> -> memref<4096xf32, #tpu.memory_space<hbm>>
        %dma_start3A_157 = arith.constant 0 : i32
        %dma_start3A_158 = tpu.memref_slice %arg11[%dma_start3A_157] : memref<8192xf32, #tpu.memory_space<vmem>> -> memref<4096xf32, #tpu.memory_space<vmem>>
        %dma_start3A_159 = tpu.memref_slice %arg5[%mul3A_141] : memref<335872xf32, #tpu.memory_space<hbm>> -> memref<4096xf32, #tpu.memory_space<hbm>>
        tpu.enqueue_dma source(%dma_start3A_159 : memref<4096xf32, #tpu.memory_space<hbm>>) target(%dma_start3A_158 : memref<4096xf32, #tpu.memory_space<vmem>>) target_semaphore(%arg12 : memref<!tpu.dma_semaphore, #tpu.memory_space<semaphore_mem>>)
      } else {
      }
      %mul3A_103 = arith.constant 2 : i32
      %mul3A_104 = arith.muli %mul3A_103, %scan3A_74 : i32
      %add3A_105 = arith.constant 1 : i32
      %add3A_106 = arith.addi %mul3A_104, %add3A_105 : i32
      %mul3A_107 = arith.constant 4096 : i32
      %mul3A_108 = arith.muli %add3A_106, %mul3A_107 : i32
      %dma_wait3A_109 = arith.constant 4096 : i32
      %dma_wait3A_110 = tpu.memref_slice %arg9[%dma_wait3A_109] : memref<8192xi32, #tpu.memory_space<vmem>> -> memref<4096xi32, #tpu.memory_space<vmem>>
      %dma_wait3A_111 = tpu.memref_slice %arg3[%mul3A_108] : memref<335872xi32, #tpu.memory_space<hbm>> -> memref<4096xi32, #tpu.memory_space<hbm>>
      %dma_wait3A_112 = arith.constant 4096 : i32
      %dma_wait3A_113 = tpu.memref_slice %arg9[%dma_wait3A_112] : memref<8192xi32, #tpu.memory_space<vmem>> -> memref<4096xi32, #tpu.memory_space<vmem>>
      %dma_wait3A_114 = tpu.memref_slice %arg3[%mul3A_108] : memref<335872xi32, #tpu.memory_space<hbm>> -> memref<4096xi32, #tpu.memory_space<hbm>>
      tpu.wait_dma2 semaphore(%arg13 : memref<!tpu.dma_semaphore, #tpu.memory_space<semaphore_mem>>) src(%dma_wait3A_114 : memref<4096xi32, #tpu.memory_space<hbm>>) dst(%dma_wait3A_113 : memref<4096xi32, #tpu.memory_space<vmem>>)
      %dma_wait3A_115 = arith.constant 4096 : i32
      %dma_wait3A_116 = tpu.memref_slice %arg10[%dma_wait3A_115] : memref<8192xi32, #tpu.memory_space<vmem>> -> memref<4096xi32, #tpu.memory_space<vmem>>
      %dma_wait3A_117 = tpu.memref_slice %arg4[%mul3A_108] : memref<335872xi32, #tpu.memory_space<hbm>> -> memref<4096xi32, #tpu.memory_space<hbm>>
      %dma_wait3A_118 = arith.constant 4096 : i32
      %dma_wait3A_119 = tpu.memref_slice %arg10[%dma_wait3A_118] : memref<8192xi32, #tpu.memory_space<vmem>> -> memref<4096xi32, #tpu.memory_space<vmem>>
      %dma_wait3A_120 = tpu.memref_slice %arg4[%mul3A_108] : memref<335872xi32, #tpu.memory_space<hbm>> -> memref<4096xi32, #tpu.memory_space<hbm>>
      tpu.wait_dma2 semaphore(%arg13 : memref<!tpu.dma_semaphore, #tpu.memory_space<semaphore_mem>>) src(%dma_wait3A_120 : memref<4096xi32, #tpu.memory_space<hbm>>) dst(%dma_wait3A_119 : memref<4096xi32, #tpu.memory_space<vmem>>)
      %dma_wait3A_121 = arith.constant 4096 : i32
      %dma_wait3A_122 = tpu.memref_slice %arg11[%dma_wait3A_121] : memref<8192xf32, #tpu.memory_space<vmem>> -> memref<4096xf32, #tpu.memory_space<vmem>>
      %dma_wait3A_123 = tpu.memref_slice %arg5[%mul3A_108] : memref<335872xf32, #tpu.memory_space<hbm>> -> memref<4096xf32, #tpu.memory_space<hbm>>
      %dma_wait3A_124 = arith.constant 4096 : i32
      %dma_wait3A_125 = tpu.memref_slice %arg11[%dma_wait3A_124] : memref<8192xf32, #tpu.memory_space<vmem>> -> memref<4096xf32, #tpu.memory_space<vmem>>
      %dma_wait3A_126 = tpu.memref_slice %arg5[%mul3A_108] : memref<335872xf32, #tpu.memory_space<hbm>> -> memref<4096xf32, #tpu.memory_space<hbm>>
      tpu.wait_dma2 semaphore(%arg13 : memref<!tpu.dma_semaphore, #tpu.memory_space<semaphore_mem>>) src(%dma_wait3A_126 : memref<4096xf32, #tpu.memory_space<hbm>>) dst(%dma_wait3A_125 : memref<4096xf32, #tpu.memory_space<vmem>>)
      %parallel_loop3A_127 = arith.constant 0 : i32
      %parallel_loop3A_128 = arith.constant 256 : i32
      %parallel_loop3A_129 = arith.constant 1 : i32
      scf.for %parallel_loop3A_138 = %parallel_loop3A_127 to %parallel_loop3A_128 step %parallel_loop3A_129  : i32 {
        %parallel_loop3A_139 = arith.constant 16 : i32
        %parallel_loop3A_140 = arith.muli %parallel_loop3A_138, %parallel_loop3A_139 : i32
        %parallel_loop3A_141 = arith.constant 4096 : i32
        %parallel_loop3A_142 = arith.addi %parallel_loop3A_141, %parallel_loop3A_140 : i32
        %parallel_loop3A_143 = arith.index_cast %parallel_loop3A_142 : i32 to index
        %parallel_loop3A_144 = tpu.vector_load %arg9[%parallel_loop3A_143] {strides = array<i32>} : memref<8192xi32, #tpu.memory_space<vmem>>, vector<16xi32>,
        %parallel_loop3A_145 = arith.index_cast %parallel_loop3A_142 : i32 to index
        %parallel_loop3A_146 = tpu.vector_load %arg10[%parallel_loop3A_145] {strides = array<i32>} : memref<8192xi32, #tpu.memory_space<vmem>>, vector<16xi32>,
        %parallel_loop3A_147 = arith.index_cast %parallel_loop3A_142 : i32 to index
        %parallel_loop3A_148 = tpu.vector_load %arg11[%parallel_loop3A_147] {strides = array<i32>} : memref<8192xf32, #tpu.memory_space<vmem>>, vector<16xf32>,
        %parallel_loop3A_149 = arith.constant -65536 : i32
        %parallel_loop3A_150 = vector.broadcast %parallel_loop3A_149 : i32 to vector<16xi32>
        %parallel_loop3A_151 = tpu.vector_load_idx %arg7[%broadcast_in_dim3A_58, %parallel_loop3A_144] : memref<2x10000xi32, #tpu.memory_space<vmem>>[vector<16xi32>, vector<16xi32>], vector<16xi32>,
        %parallel_loop3A_152 = arith.constant 16 : i32
        %parallel_loop3A_153 = vector.broadcast %parallel_loop3A_152 : i32 to vector<16xi32>
        %parallel_loop3A_154 = arith.shli %parallel_loop3A_151, %parallel_loop3A_153 : vector<16xi32>
        %parallel_loop3A_155 = vector.bitcast %parallel_loop3A_154 : vector<16xi32> to vector<16xf32>
        %parallel_loop3A_156 = arith.andi %parallel_loop3A_151, %parallel_loop3A_150 : vector<16xi32>
        %parallel_loop3A_157 = vector.bitcast %parallel_loop3A_156 : vector<16xi32> to vector<16xf32>
        %parallel_loop3A_158 = arith.mulf %parallel_loop3A_155, %parallel_loop3A_148 : vector<16xf32>
        tpu.vector_store_idx %arg8[%broadcast_in_dim3A_58, %parallel_loop3A_146], %parallel_loop3A_158 {add = true} : memref<4x10000xf32, #tpu.memory_space<vmem>>[vector<16xi32>, vector<16xi32>], vector<16xf32>,
        %parallel_loop3A_159 = arith.mulf %parallel_loop3A_157, %parallel_loop3A_148 : vector<16xf32>
        tpu.vector_store_idx %arg8[%broadcast_in_dim3A_60, %parallel_loop3A_146], %parallel_loop3A_159 {add = true} : memref<4x10000xf32, #tpu.memory_space<vmem>>[vector<16xi32>, vector<16xi32>], vector<16xf32>,
        %parallel_loop3A_160 = tpu.vector_load_idx %arg7[%broadcast_in_dim3A_60, %parallel_loop3A_144] : memref<2x10000xi32, #tpu.memory_space<vmem>>[vector<16xi32>, vector<16xi32>], vector<16xi32>,
        %parallel_loop3A_161 = arith.constant 16 : i32
        %parallel_loop3A_162 = vector.broadcast %parallel_loop3A_161 : i32 to vector<16xi32>
        %parallel_loop3A_163 = arith.shli %parallel_loop3A_160, %parallel_loop3A_162 : vector<16xi32>
        %parallel_loop3A_164 = vector.bitcast %parallel_loop3A_163 : vector<16xi32> to vector<16xf32>
        %parallel_loop3A_165 = arith.andi %parallel_loop3A_160, %parallel_loop3A_150 : vector<16xi32>
        %parallel_loop3A_166 = vector.bitcast %parallel_loop3A_165 : vector<16xi32> to vector<16xf32>
        %parallel_loop3A_167 = arith.mulf %parallel_loop3A_164, %parallel_loop3A_148 : vector<16xf32>
        tpu.vector_store_idx %arg8[%broadcast_in_dim3A_62, %parallel_loop3A_146], %parallel_loop3A_167 {add = true} : memref<4x10000xf32, #tpu.memory_space<vmem>>[vector<16xi32>, vector<16xi32>], vector<16xf32>,
        %parallel_loop3A_168 = arith.mulf %parallel_loop3A_166, %parallel_loop3A_148 : vector<16xf32>
        tpu.vector_store_idx %arg8[%broadcast_in_dim3A_64, %parallel_loop3A_146], %parallel_loop3A_168 {add = true} : memref<4x10000xf32, #tpu.memory_space<vmem>>[vector<16xi32>, vector<16xi32>], vector<16xf32>,
      } {sc.loop_unroll_factor = 4 : i64, sc.parallel_access}
      %add3A_130 = arith.constant 2 : i32
      %add3A_131 = arith.addi %add3A_106, %add3A_130 : i32
      %lt3A_132 = arith.constant 82 : i32
      %lt3A_133 = arith.cmpi slt, %add3A_131, %lt3A_132 : i32
      %convert_element_type3A_134 = arith.extui %lt3A_133 : i1 to i32
      %cond3A_135 = arith.constant 0 : i32
      %cond3A_136 = arith.cmpi ne, %convert_element_type3A_134, %cond3A_135 : i32
      scf.if %cond3A_136 {
        %add3A_138 = arith.constant 2 : i32
        %add3A_139 = arith.addi %add3A_106, %add3A_138 : i32
        %mul3A_140 = arith.constant 4096 : i32
        %mul3A_141 = arith.muli %add3A_139, %mul3A_140 : i32
        %dma_start3A_142 = arith.constant 4096 : i32
        %dma_start3A_143 = tpu.memref_slice %arg9[%dma_start3A_142] : memref<8192xi32, #tpu.memory_space<vmem>> -> memref<4096xi32, #tpu.memory_space<vmem>>
        %dma_start3A_144 = tpu.memref_slice %arg3[%mul3A_141] : memref<335872xi32, #tpu.memory_space<hbm>> -> memref<4096xi32, #tpu.memory_space<hbm>>
        %dma_start3A_145 = arith.constant 4096 : i32
        %dma_start3A_146 = tpu.memref_slice %arg9[%dma_start3A_145] : memref<8192xi32, #tpu.memory_space<vmem>> -> memref<4096xi32, #tpu.memory_space<vmem>>
        %dma_start3A_147 = tpu.memref_slice %arg3[%mul3A_141] : memref<335872xi32, #tpu.memory_space<hbm>> -> memref<4096xi32, #tpu.memory_space<hbm>>
        tpu.enqueue_dma source(%dma_start3A_147 : memref<4096xi32, #tpu.memory_space<hbm>>) target(%dma_start3A_146 : memref<4096xi32, #tpu.memory_space<vmem>>) target_semaphore(%arg13 : memref<!tpu.dma_semaphore, #tpu.memory_space<semaphore_mem>>)
        %dma_start3A_148 = arith.constant 4096 : i32
        %dma_start3A_149 = tpu.memref_slice %arg10[%dma_start3A_148] : memref<8192xi32, #tpu.memory_space<vmem>> -> memref<4096xi32, #tpu.memory_space<vmem>>
        %dma_start3A_150 = tpu.memref_slice %arg4[%mul3A_141] : memref<335872xi32, #tpu.memory_space<hbm>> -> memref<4096xi32, #tpu.memory_space<hbm>>
        %dma_start3A_151 = arith.constant 4096 : i32
        %dma_start3A_152 = tpu.memref_slice %arg10[%dma_start3A_151] : memref<8192xi32, #tpu.memory_space<vmem>> -> memref<4096xi32, #tpu.memory_space<vmem>>
        %dma_start3A_153 = tpu.memref_slice %arg4[%mul3A_141] : memref<335872xi32, #tpu.memory_space<hbm>> -> memref<4096xi32, #tpu.memory_space<hbm>>
        tpu.enqueue_dma source(%dma_start3A_153 : memref<4096xi32, #tpu.memory_space<hbm>>) target(%dma_start3A_152 : memref<4096xi32, #tpu.memory_space<vmem>>) target_semaphore(%arg13 : memref<!tpu.dma_semaphore, #tpu.memory_space<semaphore_mem>>)
        %dma_start3A_154 = arith.constant 4096 : i32
        %dma_start3A_155 = tpu.memref_slice %arg11[%dma_start3A_154] : memref<8192xf32, #tpu.memory_space<vmem>> -> memref<4096xf32, #tpu.memory_space<vmem>>
        %dma_start3A_156 = tpu.memref_slice %arg5[%mul3A_141] : memref<335872xf32, #tpu.memory_space<hbm>> -> memref<4096xf32, #tpu.memory_space<hbm>>
        %dma_start3A_157 = arith.constant 4096 : i32
        %dma_start3A_158 = tpu.memref_slice %arg11[%dma_start3A_157] : memref<8192xf32, #tpu.memory_space<vmem>> -> memref<4096xf32, #tpu.memory_space<vmem>>
        %dma_start3A_159 = tpu.memref_slice %arg5[%mul3A_141] : memref<335872xf32, #tpu.memory_space<hbm>> -> memref<4096xf32, #tpu.memory_space<hbm>>
        tpu.enqueue_dma source(%dma_start3A_159 : memref<4096xf32, #tpu.memory_space<hbm>>) target(%dma_start3A_158 : memref<4096xf32, #tpu.memory_space<vmem>>) target_semaphore(%arg13 : memref<!tpu.dma_semaphore, #tpu.memory_space<semaphore_mem>>)
      } else {
      }
      %scan3A_137 = arith.constant 0 : i32
      scf.yield %scan3A_137 : i32
    }
    %scan3A_71 = arith.constant 41 : i32
    %mul3A_72 = arith.constant 4 : i32
    %mul3A_73 = arith.muli %mul3A_72, %add3A : i32
    "tpu.region"() ({
      %run_scoped3A = tpu.sem_alloc : memref<!tpu.dma_semaphore, #tpu.memory_space<semaphore_mem>>
      %dma_start3A_74 = arith.constant 0 : i32
      %dma_start3A_75 = tpu.memref_slice %arg6[%mul3A_73, %dma_start3A_74] : memref<128x10000xf32, #tpu.memory_space<hbm>> -> memref<4x10000xf32, #tpu.memory_space<hbm>>
      %dma_start3A_76 = arith.constant 0 : i32
      %dma_start3A_77 = tpu.memref_slice %arg6[%mul3A_73, %dma_start3A_76] : memref<128x10000xf32, #tpu.memory_space<hbm>> -> memref<4x10000xf32, #tpu.memory_space<hbm>>
      tpu.enqueue_dma source(%arg8 : memref<4x10000xf32, #tpu.memory_space<vmem>>) target(%dma_start3A_77 : memref<4x10000xf32, #tpu.memory_space<hbm>>) target_semaphore(%run_scoped3A : memref<!tpu.dma_semaphore, #tpu.memory_space<semaphore_mem>>)
      %dma_wait3A = arith.constant 0 : i32
      %dma_wait3A_78 = tpu.memref_slice %arg6[%mul3A_73, %dma_wait3A] : memref<128x10000xf32, #tpu.memory_space<hbm>> -> memref<4x10000xf32, #tpu.memory_space<hbm>>
      %dma_wait3A_79 = arith.constant 0 : i32
      %dma_wait3A_80 = tpu.memref_slice %arg6[%mul3A_73, %dma_wait3A_79] : memref<128x10000xf32, #tpu.memory_space<hbm>> -> memref<4x10000xf32, #tpu.memory_space<hbm>>
      tpu.wait_dma2 semaphore(%run_scoped3A : memref<!tpu.dma_semaphore, #tpu.memory_space<semaphore_mem>>) src(%arg8 : memref<4x10000xf32, #tpu.memory_space<vmem>>) dst(%dma_wait3A_80 : memref<4x10000xf32, #tpu.memory_space<hbm>>)
      tpu.yield
    }) : () -> ()
    return
  }
}

#map = affine_map<(d0, d1) -> (0, 0)>
#map1 = affine_map<(d0, d1) -> (0)>
module attributes {stable_mosaic.version = 14 : i64} {
  func.func @_sc_scatter(%arg0: i32, %arg1: i32, %arg2: memref<64x10000xi32, #tpu.memory_space<hbm>>, %arg3: memref<335872xi32, #tpu.memory_space<hbm>>, %arg4: memref<335872xi32, #tpu.memory_space<hbm>>, %arg5: memref<335872xf32, #tpu.memory_space<hbm>>, %arg6: memref<128x10000xf32, #tpu.memory_space<hbm>>, %arg7: memref<2x10000xi32, #tpu.memory_space<vmem>>, %arg8: memref<4x10000xf32, #tpu.memory_space<vmem>>, %arg9: memref<8192xi32, #tpu.memory_space<vmem>>, %arg10: memref<8192xi32, #tpu.memory_space<vmem>>, %arg11: memref<8192xf32, #tpu.memory_space<vmem>>, %arg12: memref<!tpu.dma_semaphore, #tpu.memory_space<semaphore_mem>>, %arg13: memref<!tpu.dma_semaphore, #tpu.memory_space<semaphore_mem>>) attributes {dimension_semantics = [#tpu.dimension_semantics<core_parallel>, #tpu.dimension_semantics<subcore_parallel>], iteration_bounds = array<i64: 2, 16>, scalar_prefetch = 0 : i64, scratch_operands = 7 : i64, tpu.core_type = #tpu.core_type<sc_vector_subcore>, window_params = [{transform_indices = #map}, {transform_indices = #map1}, {transform_indices = #map1}, {transform_indices = #map1}, {transform_indices = #map}]} {
    %mul3A = arith.constant 2 : i32
    %mul3A_0 = arith.muli %arg1, %mul3A : i32
    %add3A = arith.addi %mul3A_0, %arg0 : i32
    %mul3A_1 = arith.constant 2 : i32
    %mul3A_2 = arith.muli %mul3A_1, %add3A : i32
    "tpu.region"() ({
      %run_scoped3A = tpu.sem_alloc : memref<!tpu.dma_semaphore, #tpu.memory_space<semaphore_mem>>
      %dma_start3A_74 = arith.constant 0 : i32
      %dma_start3A_75 = tpu.memref_slice %arg2[%mul3A_2, %dma_start3A_74] : memref<64x10000xi32, #tpu.memory_space<hbm>> -> memref<2x10000xi32, #tpu.memory_space<hbm>>
      %dma_start3A_76 = arith.constant 0 : i32
      %dma_start3A_77 = tpu.memref_slice %arg2[%mul3A_2, %dma_start3A_76] : memref<64x10000xi32, #tpu.memory_space<hbm>> -> memref<2x10000xi32, #tpu.memory_space<hbm>>
      tpu.enqueue_dma source(%dma_start3A_77 : memref<2x10000xi32, #tpu.memory_space<hbm>>) target(%arg7 : memref<2x10000xi32, #tpu.memory_space<vmem>>) target_semaphore(%run_scoped3A : memref<!tpu.dma_semaphore, #tpu.memory_space<semaphore_mem>>)
      %dma_wait3A = arith.constant 0 : i32
      %dma_wait3A_78 = tpu.memref_slice %arg2[%mul3A_2, %dma_wait3A] : memref<64x10000xi32, #tpu.memory_space<hbm>> -> memref<2x10000xi32, #tpu.memory_space<hbm>>
      %dma_wait3A_79 = arith.constant 0 : i32
      %dma_wait3A_80 = tpu.memref_slice %arg2[%mul3A_2, %dma_wait3A_79] : memref<64x10000xi32, #tpu.memory_space<hbm>> -> memref<2x10000xi32, #tpu.memory_space<hbm>>
      tpu.wait_dma2 semaphore(%run_scoped3A : memref<!tpu.dma_semaphore, #tpu.memory_space<semaphore_mem>>) src(%dma_wait3A_80 : memref<2x10000xi32, #tpu.memory_space<hbm>>) dst(%arg7 : memref<2x10000xi32, #tpu.memory_space<vmem>>)
      tpu.yield
    }) : () -> ()
    %broadcast_in_dim3A = arith.constant 0.000000e+00 : f32
    %broadcast_in_dim3A_3 = vector.broadcast %broadcast_in_dim3A : f32 to vector<16xf32>
    %scan3A = arith.constant 0 : i32
    %scan3A_4 = arith.constant 0 : i32
    %scan3A_5 = arith.constant 625 : i32
    %scan3A_6 = arith.addi %scan3A_4, %scan3A_5 : i32
    %scan3A_7 = arith.constant 1 : i32
    %scan3A_8 = scf.for %scan3A_74 = %scan3A_4 to %scan3A_6 step %scan3A_7 iter_args(%scan3A_75 = %scan3A) -> (i32)  : i32 {
      %mul3A_76 = arith.constant 16 : i32
      %mul3A_77 = arith.muli %scan3A_74, %mul3A_76 : i32
      %swap3A = arith.constant 0 : i32
      %swap3A_78 = arith.index_cast %swap3A : i32 to index
      %swap3A_79 = arith.index_cast %mul3A_77 : i32 to index
      %swap3A_80 = tpu.vector_load %arg8[%swap3A_78, %swap3A_79] {strides = array<i32>} : memref<4x10000xf32, #tpu.memory_space<vmem>>, vector<16xf32>,
      tpu.vector_store %arg8[%swap3A_78, %swap3A_79], %broadcast_in_dim3A_3 {strides = array<i32>} : memref<4x10000xf32, #tpu.memory_space<vmem>>, vector<16xf32>,
      %mul3A_81 = arith.constant 16 : i32
      %mul3A_82 = arith.muli %scan3A_74, %mul3A_81 : i32
      %swap3A_83 = arith.constant 1 : i32
      %swap3A_84 = arith.index_cast %swap3A_83 : i32 to index
      %swap3A_85 = arith.index_cast %mul3A_82 : i32 to index
      %swap3A_86 = tpu.vector_load %arg8[%swap3A_84, %swap3A_85] {strides = array<i32>} : memref<4x10000xf32, #tpu.memory_space<vmem>>, vector<16xf32>,
      tpu.vector_store %arg8[%swap3A_84, %swap3A_85], %broadcast_in_dim3A_3 {strides = array<i32>} : memref<4x10000xf32, #tpu.memory_space<vmem>>, vector<16xf32>,
      %mul3A_87 = arith.constant 16 : i32
      %mul3A_88 = arith.muli %scan3A_74, %mul3A_87 : i32
      %swap3A_89 = arith.constant 2 : i32
      %swap3A_90 = arith.index_cast %swap3A_89 : i32 to index
      %swap3A_91 = arith.index_cast %mul3A_88 : i32 to index
      %swap3A_92 = tpu.vector_load %arg8[%swap3A_90, %swap3A_91] {strides = array<i32>} : memref<4x10000xf32, #tpu.memory_space<vmem>>, vector<16xf32>,
      tpu.vector_store %arg8[%swap3A_90, %swap3A_91], %broadcast_in_dim3A_3 {strides = array<i32>} : memref<4x10000xf32, #tpu.memory_space<vmem>>, vector<16xf32>,
      %mul3A_93 = arith.constant 16 : i32
      %mul3A_94 = arith.muli %scan3A_74, %mul3A_93 : i32
      %swap3A_95 = arith.constant 3 : i32
      %swap3A_96 = arith.index_cast %swap3A_95 : i32 to index
      %swap3A_97 = arith.index_cast %mul3A_94 : i32 to index
      %swap3A_98 = tpu.vector_load %arg8[%swap3A_96, %swap3A_97] {strides = array<i32>} : memref<4x10000xf32, #tpu.memory_space<vmem>>, vector<16xf32>,
      tpu.vector_store %arg8[%swap3A_96, %swap3A_97], %broadcast_in_dim3A_3 {strides = array<i32>} : memref<4x10000xf32, #tpu.memory_space<vmem>>, vector<16xf32>,
      %scan3A_99 = arith.constant 0 : i32
      scf.yield %scan3A_99 : i32
    }
    %scan3A_9 = arith.constant 625 : i32
    %dma_start3A = arith.constant 0 : i32
    %dma_start3A_10 = tpu.memref_slice %arg9[%dma_start3A] : memref<8192xi32, #tpu.memory_space<vmem>> -> memref<4096xi32, #tpu.memory_space<vmem>>
    %dma_start3A_11 = arith.constant 0 : i32
    %dma_start3A_12 = tpu.memref_slice %arg3[%dma_start3A_11] : memref<335872xi32, #tpu.memory_space<hbm>> -> memref<4096xi32, #tpu.memory_space<hbm>>
    %dma_start3A_13 = arith.constant 0 : i32
    %dma_start3A_14 = tpu.memref_slice %arg9[%dma_start3A_13] : memref<8192xi32, #tpu.memory_space<vmem>> -> memref<4096xi32, #tpu.memory_space<vmem>>
    %dma_start3A_15 = arith.constant 0 : i32
    %dma_start3A_16 = tpu.memref_slice %arg3[%dma_start3A_15] : memref<335872xi32, #tpu.memory_space<hbm>> -> memref<4096xi32, #tpu.memory_space<hbm>>
    tpu.enqueue_dma source(%dma_start3A_16 : memref<4096xi32, #tpu.memory_space<hbm>>) target(%dma_start3A_14 : memref<4096xi32, #tpu.memory_space<vmem>>) target_semaphore(%arg12 : memref<!tpu.dma_semaphore, #tpu.memory_space<semaphore_mem>>)
    %dma_start3A_17 = arith.constant 0 : i32
    %dma_start3A_18 = tpu.memref_slice %arg10[%dma_start3A_17] : memref<8192xi32, #tpu.memory_space<vmem>> -> memref<4096xi32, #tpu.memory_space<vmem>>
    %dma_start3A_19 = arith.constant 0 : i32
    %dma_start3A_20 = tpu.memref_slice %arg4[%dma_start3A_19] : memref<335872xi32, #tpu.memory_space<hbm>> -> memref<4096xi32, #tpu.memory_space<hbm>>
    %dma_start3A_21 = arith.constant 0 : i32
    %dma_start3A_22 = tpu.memref_slice %arg10[%dma_start3A_21] : memref<8192xi32, #tpu.memory_space<vmem>> -> memref<4096xi32, #tpu.memory_space<vmem>>
    %dma_start3A_23 = arith.constant 0 : i32
    %dma_start3A_24 = tpu.memref_slice %arg4[%dma_start3A_23] : memref<335872xi32, #tpu.memory_space<hbm>> -> memref<4096xi32, #tpu.memory_space<hbm>>
    tpu.enqueue_dma source(%dma_start3A_24 : memref<4096xi32, #tpu.memory_space<hbm>>) target(%dma_start3A_22 : memref<4096xi32, #tpu.memory_space<vmem>>) target_semaphore(%arg12 : memref<!tpu.dma_semaphore, #tpu.memory_space<semaphore_mem>>)
    %dma_start3A_25 = arith.constant 0 : i32
    %dma_start3A_26 = tpu.memref_slice %arg11[%dma_start3A_25] : memref<8192xf32, #tpu.memory_space<vmem>> -> memref<4096xf32, #tpu.memory_space<vmem>>
    %dma_start3A_27 = arith.constant 0 : i32
    %dma_start3A_28 = tpu.memref_slice %arg5[%dma_start3A_27] : memref<335872xf32, #tpu.memory_space<hbm>> -> memref<4096xf32, #tpu.memory_space<hbm>>
    %dma_start3A_29 = arith.constant 0 : i32
    %dma_start3A_30 = tpu.memref_slice %arg11[%dma_start3A_29] : memref<8192xf32, #tpu.memory_space<vmem>> -> memref<4096xf32, #tpu.memory_space<vmem>>
    %dma_start3A_31 = arith.constant 0 : i32
    %dma_start3A_32 = tpu.memref_slice %arg5[%dma_start3A_31] : memref<335872xf32, #tpu.memory_space<hbm>> -> memref<4096xf32, #tpu.memory_space<hbm>>
    tpu.enqueue_dma source(%dma_start3A_32 : memref<4096xf32, #tpu.memory_space<hbm>>) target(%dma_start3A_30 : memref<4096xf32, #tpu.memory_space<vmem>>) target_semaphore(%arg12 : memref<!tpu.dma_semaphore, #tpu.memory_space<semaphore_mem>>)
    %dma_start3A_33 = arith.constant 4096 : i32
    %dma_start3A_34 = tpu.memref_slice %arg9[%dma_start3A_33] : memref<8192xi32, #tpu.memory_space<vmem>> -> memref<4096xi32, #tpu.memory_space<vmem>>
    %dma_start3A_35 = arith.constant 4096 : i32
    %dma_start3A_36 = tpu.memref_slice %arg3[%dma_start3A_35] : memref<335872xi32, #tpu.memory_space<hbm>> -> memref<4096xi32, #tpu.memory_space<hbm>>
    %dma_start3A_37 = arith.constant 4096 : i32
    %dma_start3A_38 = tpu.memref_slice %arg9[%dma_start3A_37] : memref<8192xi32, #tpu.memory_space<vmem>> -> memref<4096xi32, #tpu.memory_space<vmem>>
    %dma_start3A_39 = arith.constant 4096 : i32
    %dma_start3A_40 = tpu.memref_slice %arg3[%dma_start3A_39] : memref<335872xi32, #tpu.memory_space<hbm>> -> memref<4096xi32, #tpu.memory_space<hbm>>
    tpu.enqueue_dma source(%dma_start3A_40 : memref<4096xi32, #tpu.memory_space<hbm>>) target(%dma_start3A_38 : memref<4096xi32, #tpu.memory_space<vmem>>) target_semaphore(%arg13 : memref<!tpu.dma_semaphore, #tpu.memory_space<semaphore_mem>>)
    %dma_start3A_41 = arith.constant 4096 : i32
    %dma_start3A_42 = tpu.memref_slice %arg10[%dma_start3A_41] : memref<8192xi32, #tpu.memory_space<vmem>> -> memref<4096xi32, #tpu.memory_space<vmem>>
    %dma_start3A_43 = arith.constant 4096 : i32
    %dma_start3A_44 = tpu.memref_slice %arg4[%dma_start3A_43] : memref<335872xi32, #tpu.memory_space<hbm>> -> memref<4096xi32, #tpu.memory_space<hbm>>
    %dma_start3A_45 = arith.constant 4096 : i32
    %dma_start3A_46 = tpu.memref_slice %arg10[%dma_start3A_45] : memref<8192xi32, #tpu.memory_space<vmem>> -> memref<4096xi32, #tpu.memory_space<vmem>>
    %dma_start3A_47 = arith.constant 4096 : i32
    %dma_start3A_48 = tpu.memref_slice %arg4[%dma_start3A_47] : memref<335872xi32, #tpu.memory_space<hbm>> -> memref<4096xi32, #tpu.memory_space<hbm>>
    tpu.enqueue_dma source(%dma_start3A_48 : memref<4096xi32, #tpu.memory_space<hbm>>) target(%dma_start3A_46 : memref<4096xi32, #tpu.memory_space<vmem>>) target_semaphore(%arg13 : memref<!tpu.dma_semaphore, #tpu.memory_space<semaphore_mem>>)
    %dma_start3A_49 = arith.constant 4096 : i32
    %dma_start3A_50 = tpu.memref_slice %arg11[%dma_start3A_49] : memref<8192xf32, #tpu.memory_space<vmem>> -> memref<4096xf32, #tpu.memory_space<vmem>>
    %dma_start3A_51 = arith.constant 4096 : i32
    %dma_start3A_52 = tpu.memref_slice %arg5[%dma_start3A_51] : memref<335872xf32, #tpu.memory_space<hbm>> -> memref<4096xf32, #tpu.memory_space<hbm>>
    %dma_start3A_53 = arith.constant 4096 : i32
    %dma_start3A_54 = tpu.memref_slice %arg11[%dma_start3A_53] : memref<8192xf32, #tpu.memory_space<vmem>> -> memref<4096xf32, #tpu.memory_space<vmem>>
    %dma_start3A_55 = arith.constant 4096 : i32
    %dma_start3A_56 = tpu.memref_slice %arg5[%dma_start3A_55] : memref<335872xf32, #tpu.memory_space<hbm>> -> memref<4096xf32, #tpu.memory_space<hbm>>
    tpu.enqueue_dma source(%dma_start3A_56 : memref<4096xf32, #tpu.memory_space<hbm>>) target(%dma_start3A_54 : memref<4096xf32, #tpu.memory_space<vmem>>) target_semaphore(%arg13 : memref<!tpu.dma_semaphore, #tpu.memory_space<semaphore_mem>>)
    %broadcast_in_dim3A_57 = arith.constant 0 : i32
    %broadcast_in_dim3A_58 = vector.broadcast %broadcast_in_dim3A_57 : i32 to vector<16xi32>
    %broadcast_in_dim3A_59 = arith.constant 1 : i32
    %broadcast_in_dim3A_60 = vector.broadcast %broadcast_in_dim3A_59 : i32 to vector<16xi32>
    %broadcast_in_dim3A_61 = arith.constant 2 : i32
    %broadcast_in_dim3A_62 = vector.broadcast %broadcast_in_dim3A_61 : i32 to vector<16xi32>
    %broadcast_in_dim3A_63 = arith.constant 3 : i32
    %broadcast_in_dim3A_64 = vector.broadcast %broadcast_in_dim3A_63 : i32 to vector<16xi32>
    %scan3A_65 = arith.constant 0 : i32
    %scan3A_66 = arith.constant 0 : i32
    %scan3A_67 = arith.constant 41 : i32
    %scan3A_68 = arith.addi %scan3A_66, %scan3A_67 : i32
    %scan3A_69 = arith.constant 1 : i32
    %scan3A_70 = scf.for %scan3A_74 = %scan3A_66 to %scan3A_68 step %scan3A_69 iter_args(%scan3A_75 = %scan3A_65) -> (i32)  : i32 {
      %mul3A_76 = arith.constant 2 : i32
      %mul3A_77 = arith.muli %mul3A_76, %scan3A_74 : i32
      %mul3A_78 = arith.constant 4096 : i32
      %mul3A_79 = arith.muli %mul3A_77, %mul3A_78 : i32
      %dma_wait3A = arith.constant 0 : i32
      %dma_wait3A_80 = tpu.memref_slice %arg9[%dma_wait3A] : memref<8192xi32, #tpu.memory_space<vmem>> -> memref<4096xi32, #tpu.memory_space<vmem>>
      %dma_wait3A_81 = tpu.memref_slice %arg3[%mul3A_79] : memref<335872xi32, #tpu.memory_space<hbm>> -> memref<4096xi32, #tpu.memory_space<hbm>>
      %dma_wait3A_82 = arith.constant 0 : i32
      %dma_wait3A_83 = tpu.memref_slice %arg9[%dma_wait3A_82] : memref<8192xi32, #tpu.memory_space<vmem>> -> memref<4096xi32, #tpu.memory_space<vmem>>
      %dma_wait3A_84 = tpu.memref_slice %arg3[%mul3A_79] : memref<335872xi32, #tpu.memory_space<hbm>> -> memref<4096xi32, #tpu.memory_space<hbm>>
      tpu.wait_dma2 semaphore(%arg12 : memref<!tpu.dma_semaphore, #tpu.memory_space<semaphore_mem>>) src(%dma_wait3A_84 : memref<4096xi32, #tpu.memory_space<hbm>>) dst(%dma_wait3A_83 : memref<4096xi32, #tpu.memory_space<vmem>>)
      %dma_wait3A_85 = arith.constant 0 : i32
      %dma_wait3A_86 = tpu.memref_slice %arg10[%dma_wait3A_85] : memref<8192xi32, #tpu.memory_space<vmem>> -> memref<4096xi32, #tpu.memory_space<vmem>>
      %dma_wait3A_87 = tpu.memref_slice %arg4[%mul3A_79] : memref<335872xi32, #tpu.memory_space<hbm>> -> memref<4096xi32, #tpu.memory_space<hbm>>
      %dma_wait3A_88 = arith.constant 0 : i32
      %dma_wait3A_89 = tpu.memref_slice %arg10[%dma_wait3A_88] : memref<8192xi32, #tpu.memory_space<vmem>> -> memref<4096xi32, #tpu.memory_space<vmem>>
      %dma_wait3A_90 = tpu.memref_slice %arg4[%mul3A_79] : memref<335872xi32, #tpu.memory_space<hbm>> -> memref<4096xi32, #tpu.memory_space<hbm>>
      tpu.wait_dma2 semaphore(%arg12 : memref<!tpu.dma_semaphore, #tpu.memory_space<semaphore_mem>>) src(%dma_wait3A_90 : memref<4096xi32, #tpu.memory_space<hbm>>) dst(%dma_wait3A_89 : memref<4096xi32, #tpu.memory_space<vmem>>)
      %dma_wait3A_91 = arith.constant 0 : i32
      %dma_wait3A_92 = tpu.memref_slice %arg11[%dma_wait3A_91] : memref<8192xf32, #tpu.memory_space<vmem>> -> memref<4096xf32, #tpu.memory_space<vmem>>
      %dma_wait3A_93 = tpu.memref_slice %arg5[%mul3A_79] : memref<335872xf32, #tpu.memory_space<hbm>> -> memref<4096xf32, #tpu.memory_space<hbm>>
      %dma_wait3A_94 = arith.constant 0 : i32
      %dma_wait3A_95 = tpu.memref_slice %arg11[%dma_wait3A_94] : memref<8192xf32, #tpu.memory_space<vmem>> -> memref<4096xf32, #tpu.memory_space<vmem>>
      %dma_wait3A_96 = tpu.memref_slice %arg5[%mul3A_79] : memref<335872xf32, #tpu.memory_space<hbm>> -> memref<4096xf32, #tpu.memory_space<hbm>>
      tpu.wait_dma2 semaphore(%arg12 : memref<!tpu.dma_semaphore, #tpu.memory_space<semaphore_mem>>) src(%dma_wait3A_96 : memref<4096xf32, #tpu.memory_space<hbm>>) dst(%dma_wait3A_95 : memref<4096xf32, #tpu.memory_space<vmem>>)
      %parallel_loop3A = arith.constant 0 : i32
      %parallel_loop3A_97 = arith.constant 256 : i32
      %parallel_loop3A_98 = arith.constant 1 : i32
      scf.for %parallel_loop3A_138 = %parallel_loop3A to %parallel_loop3A_97 step %parallel_loop3A_98  : i32 {
        %parallel_loop3A_139 = arith.constant 16 : i32
        %parallel_loop3A_140 = arith.muli %parallel_loop3A_138, %parallel_loop3A_139 : i32
        %parallel_loop3A_141 = arith.constant 0 : i32
        %parallel_loop3A_142 = arith.addi %parallel_loop3A_141, %parallel_loop3A_140 : i32
        %parallel_loop3A_143 = arith.index_cast %parallel_loop3A_142 : i32 to index
        %parallel_loop3A_144 = tpu.vector_load %arg9[%parallel_loop3A_143] {strides = array<i32>} : memref<8192xi32, #tpu.memory_space<vmem>>, vector<16xi32>,
        %parallel_loop3A_145 = arith.index_cast %parallel_loop3A_142 : i32 to index
        %parallel_loop3A_146 = tpu.vector_load %arg10[%parallel_loop3A_145] {strides = array<i32>} : memref<8192xi32, #tpu.memory_space<vmem>>, vector<16xi32>,
        %parallel_loop3A_147 = arith.index_cast %parallel_loop3A_142 : i32 to index
        %parallel_loop3A_148 = tpu.vector_load %arg11[%parallel_loop3A_147] {strides = array<i32>} : memref<8192xf32, #tpu.memory_space<vmem>>, vector<16xf32>,
        %parallel_loop3A_149 = arith.constant -65536 : i32
        %parallel_loop3A_150 = vector.broadcast %parallel_loop3A_149 : i32 to vector<16xi32>
        %parallel_loop3A_151 = tpu.vector_load_idx %arg7[%broadcast_in_dim3A_58, %parallel_loop3A_144] : memref<2x10000xi32, #tpu.memory_space<vmem>>[vector<16xi32>, vector<16xi32>], vector<16xi32>,
        %parallel_loop3A_152 = arith.constant 16 : i32
        %parallel_loop3A_153 = vector.broadcast %parallel_loop3A_152 : i32 to vector<16xi32>
        %parallel_loop3A_154 = arith.shli %parallel_loop3A_151, %parallel_loop3A_153 : vector<16xi32>
        %parallel_loop3A_155 = vector.bitcast %parallel_loop3A_154 : vector<16xi32> to vector<16xf32>
        %parallel_loop3A_156 = arith.andi %parallel_loop3A_151, %parallel_loop3A_150 : vector<16xi32>
        %parallel_loop3A_157 = vector.bitcast %parallel_loop3A_156 : vector<16xi32> to vector<16xf32>
        %parallel_loop3A_158 = arith.mulf %parallel_loop3A_155, %parallel_loop3A_148 : vector<16xf32>
        tpu.vector_store_idx %arg8[%broadcast_in_dim3A_58, %parallel_loop3A_146], %parallel_loop3A_158 {add = true} : memref<4x10000xf32, #tpu.memory_space<vmem>>[vector<16xi32>, vector<16xi32>], vector<16xf32>,
        %parallel_loop3A_159 = arith.mulf %parallel_loop3A_157, %parallel_loop3A_148 : vector<16xf32>
        tpu.vector_store_idx %arg8[%broadcast_in_dim3A_60, %parallel_loop3A_146], %parallel_loop3A_159 {add = true} : memref<4x10000xf32, #tpu.memory_space<vmem>>[vector<16xi32>, vector<16xi32>], vector<16xf32>,
        %parallel_loop3A_160 = tpu.vector_load_idx %arg7[%broadcast_in_dim3A_60, %parallel_loop3A_144] : memref<2x10000xi32, #tpu.memory_space<vmem>>[vector<16xi32>, vector<16xi32>], vector<16xi32>,
        %parallel_loop3A_161 = arith.constant 16 : i32
        %parallel_loop3A_162 = vector.broadcast %parallel_loop3A_161 : i32 to vector<16xi32>
        %parallel_loop3A_163 = arith.shli %parallel_loop3A_160, %parallel_loop3A_162 : vector<16xi32>
        %parallel_loop3A_164 = vector.bitcast %parallel_loop3A_163 : vector<16xi32> to vector<16xf32>
        %parallel_loop3A_165 = arith.andi %parallel_loop3A_160, %parallel_loop3A_150 : vector<16xi32>
        %parallel_loop3A_166 = vector.bitcast %parallel_loop3A_165 : vector<16xi32> to vector<16xf32>
        %parallel_loop3A_167 = arith.mulf %parallel_loop3A_164, %parallel_loop3A_148 : vector<16xf32>
        tpu.vector_store_idx %arg8[%broadcast_in_dim3A_62, %parallel_loop3A_146], %parallel_loop3A_167 {add = true} : memref<4x10000xf32, #tpu.memory_space<vmem>>[vector<16xi32>, vector<16xi32>], vector<16xf32>,
        %parallel_loop3A_168 = arith.mulf %parallel_loop3A_166, %parallel_loop3A_148 : vector<16xf32>
        tpu.vector_store_idx %arg8[%broadcast_in_dim3A_64, %parallel_loop3A_146], %parallel_loop3A_168 {add = true} : memref<4x10000xf32, #tpu.memory_space<vmem>>[vector<16xi32>, vector<16xi32>], vector<16xf32>,
      } {sc.loop_unroll_factor = 4 : i64, sc.parallel_access}
      %add3A_99 = arith.constant 2 : i32
      %add3A_100 = arith.addi %mul3A_77, %add3A_99 : i32
      %lt3A = arith.constant 82 : i32
      %lt3A_101 = arith.cmpi slt, %add3A_100, %lt3A : i32
      %convert_element_type3A = arith.extui %lt3A_101 : i1 to i32
      %cond3A = arith.constant 0 : i32
      %cond3A_102 = arith.cmpi ne, %convert_element_type3A, %cond3A : i32
      scf.if %cond3A_102 {
        %add3A_138 = arith.constant 2 : i32
        %add3A_139 = arith.addi %mul3A_77, %add3A_138 : i32
        %mul3A_140 = arith.constant 4096 : i32
        %mul3A_141 = arith.muli %add3A_139, %mul3A_140 : i32
        %dma_start3A_142 = arith.constant 0 : i32
        %dma_start3A_143 = tpu.memref_slice %arg9[%dma_start3A_142] : memref<8192xi32, #tpu.memory_space<vmem>> -> memref<4096xi32, #tpu.memory_space<vmem>>
        %dma_start3A_144 = tpu.memref_slice %arg3[%mul3A_141] : memref<335872xi32, #tpu.memory_space<hbm>> -> memref<4096xi32, #tpu.memory_space<hbm>>
        %dma_start3A_145 = arith.constant 0 : i32
        %dma_start3A_146 = tpu.memref_slice %arg9[%dma_start3A_145] : memref<8192xi32, #tpu.memory_space<vmem>> -> memref<4096xi32, #tpu.memory_space<vmem>>
        %dma_start3A_147 = tpu.memref_slice %arg3[%mul3A_141] : memref<335872xi32, #tpu.memory_space<hbm>> -> memref<4096xi32, #tpu.memory_space<hbm>>
        tpu.enqueue_dma source(%dma_start3A_147 : memref<4096xi32, #tpu.memory_space<hbm>>) target(%dma_start3A_146 : memref<4096xi32, #tpu.memory_space<vmem>>) target_semaphore(%arg12 : memref<!tpu.dma_semaphore, #tpu.memory_space<semaphore_mem>>)
        %dma_start3A_148 = arith.constant 0 : i32
        %dma_start3A_149 = tpu.memref_slice %arg10[%dma_start3A_148] : memref<8192xi32, #tpu.memory_space<vmem>> -> memref<4096xi32, #tpu.memory_space<vmem>>
        %dma_start3A_150 = tpu.memref_slice %arg4[%mul3A_141] : memref<335872xi32, #tpu.memory_space<hbm>> -> memref<4096xi32, #tpu.memory_space<hbm>>
        %dma_start3A_151 = arith.constant 0 : i32
        %dma_start3A_152 = tpu.memref_slice %arg10[%dma_start3A_151] : memref<8192xi32, #tpu.memory_space<vmem>> -> memref<4096xi32, #tpu.memory_space<vmem>>
        %dma_start3A_153 = tpu.memref_slice %arg4[%mul3A_141] : memref<335872xi32, #tpu.memory_space<hbm>> -> memref<4096xi32, #tpu.memory_space<hbm>>
        tpu.enqueue_dma source(%dma_start3A_153 : memref<4096xi32, #tpu.memory_space<hbm>>) target(%dma_start3A_152 : memref<4096xi32, #tpu.memory_space<vmem>>) target_semaphore(%arg12 : memref<!tpu.dma_semaphore, #tpu.memory_space<semaphore_mem>>)
        %dma_start3A_154 = arith.constant 0 : i32
        %dma_start3A_155 = tpu.memref_slice %arg11[%dma_start3A_154] : memref<8192xf32, #tpu.memory_space<vmem>> -> memref<4096xf32, #tpu.memory_space<vmem>>
        %dma_start3A_156 = tpu.memref_slice %arg5[%mul3A_141] : memref<335872xf32, #tpu.memory_space<hbm>> -> memref<4096xf32, #tpu.memory_space<hbm>>
        %dma_start3A_157 = arith.constant 0 : i32
        %dma_start3A_158 = tpu.memref_slice %arg11[%dma_start3A_157] : memref<8192xf32, #tpu.memory_space<vmem>> -> memref<4096xf32, #tpu.memory_space<vmem>>
        %dma_start3A_159 = tpu.memref_slice %arg5[%mul3A_141] : memref<335872xf32, #tpu.memory_space<hbm>> -> memref<4096xf32, #tpu.memory_space<hbm>>
        tpu.enqueue_dma source(%dma_start3A_159 : memref<4096xf32, #tpu.memory_space<hbm>>) target(%dma_start3A_158 : memref<4096xf32, #tpu.memory_space<vmem>>) target_semaphore(%arg12 : memref<!tpu.dma_semaphore, #tpu.memory_space<semaphore_mem>>)
      } else {
      }
      %mul3A_103 = arith.constant 2 : i32
      %mul3A_104 = arith.muli %mul3A_103, %scan3A_74 : i32
      %add3A_105 = arith.constant 1 : i32
      %add3A_106 = arith.addi %mul3A_104, %add3A_105 : i32
      %mul3A_107 = arith.constant 4096 : i32
      %mul3A_108 = arith.muli %add3A_106, %mul3A_107 : i32
      %dma_wait3A_109 = arith.constant 4096 : i32
      %dma_wait3A_110 = tpu.memref_slice %arg9[%dma_wait3A_109] : memref<8192xi32, #tpu.memory_space<vmem>> -> memref<4096xi32, #tpu.memory_space<vmem>>
      %dma_wait3A_111 = tpu.memref_slice %arg3[%mul3A_108] : memref<335872xi32, #tpu.memory_space<hbm>> -> memref<4096xi32, #tpu.memory_space<hbm>>
      %dma_wait3A_112 = arith.constant 4096 : i32
      %dma_wait3A_113 = tpu.memref_slice %arg9[%dma_wait3A_112] : memref<8192xi32, #tpu.memory_space<vmem>> -> memref<4096xi32, #tpu.memory_space<vmem>>
      %dma_wait3A_114 = tpu.memref_slice %arg3[%mul3A_108] : memref<335872xi32, #tpu.memory_space<hbm>> -> memref<4096xi32, #tpu.memory_space<hbm>>
      tpu.wait_dma2 semaphore(%arg13 : memref<!tpu.dma_semaphore, #tpu.memory_space<semaphore_mem>>) src(%dma_wait3A_114 : memref<4096xi32, #tpu.memory_space<hbm>>) dst(%dma_wait3A_113 : memref<4096xi32, #tpu.memory_space<vmem>>)
      %dma_wait3A_115 = arith.constant 4096 : i32
      %dma_wait3A_116 = tpu.memref_slice %arg10[%dma_wait3A_115] : memref<8192xi32, #tpu.memory_space<vmem>> -> memref<4096xi32, #tpu.memory_space<vmem>>
      %dma_wait3A_117 = tpu.memref_slice %arg4[%mul3A_108] : memref<335872xi32, #tpu.memory_space<hbm>> -> memref<4096xi32, #tpu.memory_space<hbm>>
      %dma_wait3A_118 = arith.constant 4096 : i32
      %dma_wait3A_119 = tpu.memref_slice %arg10[%dma_wait3A_118] : memref<8192xi32, #tpu.memory_space<vmem>> -> memref<4096xi32, #tpu.memory_space<vmem>>
      %dma_wait3A_120 = tpu.memref_slice %arg4[%mul3A_108] : memref<335872xi32, #tpu.memory_space<hbm>> -> memref<4096xi32, #tpu.memory_space<hbm>>
      tpu.wait_dma2 semaphore(%arg13 : memref<!tpu.dma_semaphore, #tpu.memory_space<semaphore_mem>>) src(%dma_wait3A_120 : memref<4096xi32, #tpu.memory_space<hbm>>) dst(%dma_wait3A_119 : memref<4096xi32, #tpu.memory_space<vmem>>)
      %dma_wait3A_121 = arith.constant 4096 : i32
      %dma_wait3A_122 = tpu.memref_slice %arg11[%dma_wait3A_121] : memref<8192xf32, #tpu.memory_space<vmem>> -> memref<4096xf32, #tpu.memory_space<vmem>>
      %dma_wait3A_123 = tpu.memref_slice %arg5[%mul3A_108] : memref<335872xf32, #tpu.memory_space<hbm>> -> memref<4096xf32, #tpu.memory_space<hbm>>
      %dma_wait3A_124 = arith.constant 4096 : i32
      %dma_wait3A_125 = tpu.memref_slice %arg11[%dma_wait3A_124] : memref<8192xf32, #tpu.memory_space<vmem>> -> memref<4096xf32, #tpu.memory_space<vmem>>
      %dma_wait3A_126 = tpu.memref_slice %arg5[%mul3A_108] : memref<335872xf32, #tpu.memory_space<hbm>> -> memref<4096xf32, #tpu.memory_space<hbm>>
      tpu.wait_dma2 semaphore(%arg13 : memref<!tpu.dma_semaphore, #tpu.memory_space<semaphore_mem>>) src(%dma_wait3A_126 : memref<4096xf32, #tpu.memory_space<hbm>>) dst(%dma_wait3A_125 : memref<4096xf32, #tpu.memory_space<vmem>>)
      %parallel_loop3A_127 = arith.constant 0 : i32
      %parallel_loop3A_128 = arith.constant 256 : i32
      %parallel_loop3A_129 = arith.constant 1 : i32
      scf.for %parallel_loop3A_138 = %parallel_loop3A_127 to %parallel_loop3A_128 step %parallel_loop3A_129  : i32 {
        %parallel_loop3A_139 = arith.constant 16 : i32
        %parallel_loop3A_140 = arith.muli %parallel_loop3A_138, %parallel_loop3A_139 : i32
        %parallel_loop3A_141 = arith.constant 4096 : i32
        %parallel_loop3A_142 = arith.addi %parallel_loop3A_141, %parallel_loop3A_140 : i32
        %parallel_loop3A_143 = arith.index_cast %parallel_loop3A_142 : i32 to index
        %parallel_loop3A_144 = tpu.vector_load %arg9[%parallel_loop3A_143] {strides = array<i32>} : memref<8192xi32, #tpu.memory_space<vmem>>, vector<16xi32>,
        %parallel_loop3A_145 = arith.index_cast %parallel_loop3A_142 : i32 to index
        %parallel_loop3A_146 = tpu.vector_load %arg10[%parallel_loop3A_145] {strides = array<i32>} : memref<8192xi32, #tpu.memory_space<vmem>>, vector<16xi32>,
        %parallel_loop3A_147 = arith.index_cast %parallel_loop3A_142 : i32 to index
        %parallel_loop3A_148 = tpu.vector_load %arg11[%parallel_loop3A_147] {strides = array<i32>} : memref<8192xf32, #tpu.memory_space<vmem>>, vector<16xf32>,
        %parallel_loop3A_149 = arith.constant -65536 : i32
        %parallel_loop3A_150 = vector.broadcast %parallel_loop3A_149 : i32 to vector<16xi32>
        %parallel_loop3A_151 = tpu.vector_load_idx %arg7[%broadcast_in_dim3A_58, %parallel_loop3A_144] : memref<2x10000xi32, #tpu.memory_space<vmem>>[vector<16xi32>, vector<16xi32>], vector<16xi32>,
        %parallel_loop3A_152 = arith.constant 16 : i32
        %parallel_loop3A_153 = vector.broadcast %parallel_loop3A_152 : i32 to vector<16xi32>
        %parallel_loop3A_154 = arith.shli %parallel_loop3A_151, %parallel_loop3A_153 : vector<16xi32>
        %parallel_loop3A_155 = vector.bitcast %parallel_loop3A_154 : vector<16xi32> to vector<16xf32>
        %parallel_loop3A_156 = arith.andi %parallel_loop3A_151, %parallel_loop3A_150 : vector<16xi32>
        %parallel_loop3A_157 = vector.bitcast %parallel_loop3A_156 : vector<16xi32> to vector<16xf32>
        %parallel_loop3A_158 = arith.mulf %parallel_loop3A_155, %parallel_loop3A_148 : vector<16xf32>
        tpu.vector_store_idx %arg8[%broadcast_in_dim3A_58, %parallel_loop3A_146], %parallel_loop3A_158 {add = true} : memref<4x10000xf32, #tpu.memory_space<vmem>>[vector<16xi32>, vector<16xi32>], vector<16xf32>,
        %parallel_loop3A_159 = arith.mulf %parallel_loop3A_157, %parallel_loop3A_148 : vector<16xf32>
        tpu.vector_store_idx %arg8[%broadcast_in_dim3A_60, %parallel_loop3A_146], %parallel_loop3A_159 {add = true} : memref<4x10000xf32, #tpu.memory_space<vmem>>[vector<16xi32>, vector<16xi32>], vector<16xf32>,
        %parallel_loop3A_160 = tpu.vector_load_idx %arg7[%broadcast_in_dim3A_60, %parallel_loop3A_144] : memref<2x10000xi32, #tpu.memory_space<vmem>>[vector<16xi32>, vector<16xi32>], vector<16xi32>,
        %parallel_loop3A_161 = arith.constant 16 : i32
        %parallel_loop3A_162 = vector.broadcast %parallel_loop3A_161 : i32 to vector<16xi32>
        %parallel_loop3A_163 = arith.shli %parallel_loop3A_160, %parallel_loop3A_162 : vector<16xi32>
        %parallel_loop3A_164 = vector.bitcast %parallel_loop3A_163 : vector<16xi32> to vector<16xf32>
        %parallel_loop3A_165 = arith.andi %parallel_loop3A_160, %parallel_loop3A_150 : vector<16xi32>
        %parallel_loop3A_166 = vector.bitcast %parallel_loop3A_165 : vector<16xi32> to vector<16xf32>
        %parallel_loop3A_167 = arith.mulf %parallel_loop3A_164, %parallel_loop3A_148 : vector<16xf32>
        tpu.vector_store_idx %arg8[%broadcast_in_dim3A_62, %parallel_loop3A_146], %parallel_loop3A_167 {add = true} : memref<4x10000xf32, #tpu.memory_space<vmem>>[vector<16xi32>, vector<16xi32>], vector<16xf32>,
        %parallel_loop3A_168 = arith.mulf %parallel_loop3A_166, %parallel_loop3A_148 : vector<16xf32>
        tpu.vector_store_idx %arg8[%broadcast_in_dim3A_64, %parallel_loop3A_146], %parallel_loop3A_168 {add = true} : memref<4x10000xf32, #tpu.memory_space<vmem>>[vector<16xi32>, vector<16xi32>], vector<16xf32>,
      } {sc.loop_unroll_factor = 4 : i64, sc.parallel_access}
      %add3A_130 = arith.constant 2 : i32
      %add3A_131 = arith.addi %add3A_106, %add3A_130 : i32
      %lt3A_132 = arith.constant 82 : i32
      %lt3A_133 = arith.cmpi slt, %add3A_131, %lt3A_132 : i32
      %convert_element_type3A_134 = arith.extui %lt3A_133 : i1 to i32
      %cond3A_135 = arith.constant 0 : i32
      %cond3A_136 = arith.cmpi ne, %convert_element_type3A_134, %cond3A_135 : i32
      scf.if %cond3A_136 {
        %add3A_138 = arith.constant 2 : i32
        %add3A_139 = arith.addi %add3A_106, %add3A_138 : i32
        %mul3A_140 = arith.constant 4096 : i32
        %mul3A_141 = arith.muli %add3A_139, %mul3A_140 : i32
        %dma_start3A_142 = arith.constant 4096 : i32
        %dma_start3A_143 = tpu.memref_slice %arg9[%dma_start3A_142] : memref<8192xi32, #tpu.memory_space<vmem>> -> memref<4096xi32, #tpu.memory_space<vmem>>
        %dma_start3A_144 = tpu.memref_slice %arg3[%mul3A_141] : memref<335872xi32, #tpu.memory_space<hbm>> -> memref<4096xi32, #tpu.memory_space<hbm>>
        %dma_start3A_145 = arith.constant 4096 : i32
        %dma_start3A_146 = tpu.memref_slice %arg9[%dma_start3A_145] : memref<8192xi32, #tpu.memory_space<vmem>> -> memref<4096xi32, #tpu.memory_space<vmem>>
        %dma_start3A_147 = tpu.memref_slice %arg3[%mul3A_141] : memref<335872xi32, #tpu.memory_space<hbm>> -> memref<4096xi32, #tpu.memory_space<hbm>>
        tpu.enqueue_dma source(%dma_start3A_147 : memref<4096xi32, #tpu.memory_space<hbm>>) target(%dma_start3A_146 : memref<4096xi32, #tpu.memory_space<vmem>>) target_semaphore(%arg13 : memref<!tpu.dma_semaphore, #tpu.memory_space<semaphore_mem>>)
        %dma_start3A_148 = arith.constant 4096 : i32
        %dma_start3A_149 = tpu.memref_slice %arg10[%dma_start3A_148] : memref<8192xi32, #tpu.memory_space<vmem>> -> memref<4096xi32, #tpu.memory_space<vmem>>
        %dma_start3A_150 = tpu.memref_slice %arg4[%mul3A_141] : memref<335872xi32, #tpu.memory_space<hbm>> -> memref<4096xi32, #tpu.memory_space<hbm>>
        %dma_start3A_151 = arith.constant 4096 : i32
        %dma_start3A_152 = tpu.memref_slice %arg10[%dma_start3A_151] : memref<8192xi32, #tpu.memory_space<vmem>> -> memref<4096xi32, #tpu.memory_space<vmem>>
        %dma_start3A_153 = tpu.memref_slice %arg4[%mul3A_141] : memref<335872xi32, #tpu.memory_space<hbm>> -> memref<4096xi32, #tpu.memory_space<hbm>>
        tpu.enqueue_dma source(%dma_start3A_153 : memref<4096xi32, #tpu.memory_space<hbm>>) target(%dma_start3A_152 : memref<4096xi32, #tpu.memory_space<vmem>>) target_semaphore(%arg13 : memref<!tpu.dma_semaphore, #tpu.memory_space<semaphore_mem>>)
        %dma_start3A_154 = arith.constant 4096 : i32
        %dma_start3A_155 = tpu.memref_slice %arg11[%dma_start3A_154] : memref<8192xf32, #tpu.memory_space<vmem>> -> memref<4096xf32, #tpu.memory_space<vmem>>
        %dma_start3A_156 = tpu.memref_slice %arg5[%mul3A_141] : memref<335872xf32, #tpu.memory_space<hbm>> -> memref<4096xf32, #tpu.memory_space<hbm>>
        %dma_start3A_157 = arith.constant 4096 : i32
        %dma_start3A_158 = tpu.memref_slice %arg11[%dma_start3A_157] : memref<8192xf32, #tpu.memory_space<vmem>> -> memref<4096xf32, #tpu.memory_space<vmem>>
        %dma_start3A_159 = tpu.memref_slice %arg5[%mul3A_141] : memref<335872xf32, #tpu.memory_space<hbm>> -> memref<4096xf32, #tpu.memory_space<hbm>>
        tpu.enqueue_dma source(%dma_start3A_159 : memref<4096xf32, #tpu.memory_space<hbm>>) target(%dma_start3A_158 : memref<4096xf32, #tpu.memory_space<vmem>>) target_semaphore(%arg13 : memref<!tpu.dma_semaphore, #tpu.memory_space<semaphore_mem>>)
      } else {
      }
      %scan3A_137 = arith.constant 0 : i32
      scf.yield %scan3A_137 : i32
    }
    %scan3A_71 = arith.constant 41 : i32
    %mul3A_72 = arith.constant 4 : i32
    %mul3A_73 = arith.muli %mul3A_72, %add3A : i32
    "tpu.region"() ({
      %run_scoped3A = tpu.sem_alloc : memref<!tpu.dma_semaphore, #tpu.memory_space<semaphore_mem>>
      %dma_start3A_74 = arith.constant 0 : i32
      %dma_start3A_75 = tpu.memref_slice %arg6[%mul3A_73, %dma_start3A_74] : memref<128x10000xf32, #tpu.memory_space<hbm>> -> memref<4x10000xf32, #tpu.memory_space<hbm>>
      %dma_start3A_76 = arith.constant 0 : i32
      %dma_start3A_77 = tpu.memref_slice %arg6[%mul3A_73, %dma_start3A_76] : memref<128x10000xf32, #tpu.memory_space<hbm>> -> memref<4x10000xf32, #tpu.memory_space<hbm>>
      tpu.enqueue_dma source(%arg8 : memref<4x10000xf32, #tpu.memory_space<vmem>>) target(%dma_start3A_77 : memref<4x10000xf32, #tpu.memory_space<hbm>>) target_semaphore(%run_scoped3A : memref<!tpu.dma_semaphore, #tpu.memory_space<semaphore_mem>>)
      %dma_wait3A = arith.constant 0 : i32
      %dma_wait3A_78 = tpu.memref_slice %arg6[%mul3A_73, %dma_wait3A] : memref<128x10000xf32, #tpu.memory_space<hbm>> -> memref<4x10000xf32, #tpu.memory_space<hbm>>
      %dma_wait3A_79 = arith.constant 0 : i32
      %dma_wait3A_80 = tpu.memref_slice %arg6[%mul3A_73, %dma_wait3A_79] : memref<128x10000xf32, #tpu.memory_space<hbm>> -> memref<4x10000xf32, #tpu.memory_space<hbm>>
      tpu.wait_dma2 semaphore(%run_scoped3A : memref<!tpu.dma_semaphore, #tpu.memory_space<semaphore_mem>>) src(%arg8 : memref<4x10000xf32, #tpu.memory_space<vmem>>) dst(%dma_wait3A_80 : memref<4x10000xf32, #tpu.memory_space<hbm>>)
      tpu.yield
    }) : () -> ()
    return
  }
}

module attributes {stable_mosaic.version = 14 : i64} {
  func.func @_tc1_body(%arg0: memref<10000x128xf32, #tpu.memory_space<vmem>>, %arg1: memref<128x128xf32, #tpu.memory_space<vmem>>, %arg2: memref<1x128xf32, #tpu.memory_space<vmem>>, %arg3: memref<1x128xf32, #tpu.memory_space<vmem>>, %arg4: memref<128x10000xf32, #tpu.memory_space<vmem>>, %arg5: memref<1x10000xf32, #tpu.memory_space<vmem>>, %arg6: memref<1x10000xf32, #tpu.memory_space<vmem>>) attributes {dimension_semantics = [], scalar_prefetch = 0 : i64, scratch_operands = 0 : i64, tpu.core_type = #tpu.core_type<tc>} {
    %get3A = arith.constant 0 : index
    %get3A_0 = arith.constant 0 : index
    %get3A_1 = vector.load %arg1[%get3A, %get3A_0] : memref<128x128xf32, #tpu.memory_space<vmem>>, vector<128x128xf32>
    %get3A_2 = arith.constant 0 : index
    %get3A_3 = arith.constant 0 : index
    %get3A_4 = vector.load %arg0[%get3A_2, %get3A_3] : memref<10000x128xf32, #tpu.memory_space<vmem>>, vector<10000x128xf32>
    %dot_general3A = arith.constant dense<0.000000e+00> : vector<128x10000xf32>
    %dot_general3A_5 = tpu.matmul %get3A_1, %get3A_4, %dot_general3A {dimension_numbers = #tpu.dot_dimension_numbers<[0], [1], [1], [0], [0, 1, 1, 0], [], []>, transpose_lhs_hint = false} : vector<128x128xf32>, vector<10000x128xf32>, vector<128x10000xf32> -> vector<128x10000xf32>
    %swap3A = arith.constant 0 : index
    %swap3A_6 = arith.constant 0 : index
    %swap3A_7 = vector.load %arg4[%swap3A, %swap3A_6] : memref<128x10000xf32, #tpu.memory_space<vmem>>, vector<128x10000xf32>
    tpu.vector_store %arg4[%swap3A, %swap3A_6], %dot_general3A_5 {strides = array<i32>} : memref<128x10000xf32, #tpu.memory_space<vmem>>, vector<128x10000xf32>,
    %get3A_8 = arith.constant 0 : index
    %get3A_9 = arith.constant 0 : index
    %get3A_10 = vector.load %arg2[%get3A_8, %get3A_9] : memref<1x128xf32, #tpu.memory_space<vmem>>, vector<1x128xf32>
    %dot_general3A_11 = arith.constant dense<0.000000e+00> : vector<1x10000xf32>
    %dot_general3A_12 = tpu.matmul %get3A_10, %dot_general3A_5, %dot_general3A_11 {dimension_numbers = #tpu.dot_dimension_numbers<[1], [0], [0], [1], [0, 0, 1, 1], [], []>, transpose_lhs_hint = false} : vector<1x128xf32>, vector<128x10000xf32>, vector<1x10000xf32> -> vector<1x10000xf32>
    %swap3A_13 = arith.constant 0 : index
    %swap3A_14 = arith.constant 0 : index
    %swap3A_15 = vector.load %arg5[%swap3A_13, %swap3A_14] : memref<1x10000xf32, #tpu.memory_space<vmem>>, vector<1x10000xf32>
    tpu.vector_store %arg5[%swap3A_13, %swap3A_14], %dot_general3A_12 {strides = array<i32>} : memref<1x10000xf32, #tpu.memory_space<vmem>>, vector<1x10000xf32>,
    %get3A_16 = arith.constant 0 : index
    %get3A_17 = arith.constant 0 : index
    %get3A_18 = vector.load %arg3[%get3A_16, %get3A_17] : memref<1x128xf32, #tpu.memory_space<vmem>>, vector<1x128xf32>
    %dot_general3A_19 = arith.constant dense<0.000000e+00> : vector<1x10000xf32>
    %dot_general3A_20 = tpu.matmul %get3A_18, %dot_general3A_5, %dot_general3A_19 {dimension_numbers = #tpu.dot_dimension_numbers<[1], [0], [0], [1], [0, 0, 1, 1], [], []>, transpose_lhs_hint = false} : vector<1x128xf32>, vector<128x10000xf32>, vector<1x10000xf32> -> vector<1x10000xf32>
    %swap3A_21 = arith.constant 0 : index
    %swap3A_22 = arith.constant 0 : index
    %swap3A_23 = vector.load %arg6[%swap3A_21, %swap3A_22] : memref<1x10000xf32, #tpu.memory_space<vmem>>, vector<1x10000xf32>
    tpu.vector_store %arg6[%swap3A_21, %swap3A_22], %dot_general3A_20 {strides = array<i32>} : memref<1x10000xf32, #tpu.memory_space<vmem>>, vector<1x10000xf32>,
    return
  }
}

module attributes {stable_mosaic.version = 14 : i64} {
  func.func @_tc_mid_body(%arg0: memref<128x10000xf32, #tpu.memory_space<vmem>>, %arg1: memref<32x10000xf32, #tpu.memory_space<vmem>>, %arg2: memref<128x10000xf32, #tpu.memory_space<vmem>>, %arg3: memref<128x1xf32, #tpu.memory_space<vmem>>, %arg4: memref<128x1xf32, #tpu.memory_space<vmem>>, %arg5: memref<128x1xf32, #tpu.memory_space<vmem>>, %arg6: memref<128x128xf32, #tpu.memory_space<vmem>>, %arg7: memref<1x128xf32, #tpu.memory_space<vmem>>, %arg8: memref<1x128xf32, #tpu.memory_space<vmem>>, %arg9: memref<128x10000xf32, #tpu.memory_space<vmem>>, %arg10: memref<1x10000xf32, #tpu.memory_space<vmem>>, %arg11: memref<1x10000xf32, #tpu.memory_space<vmem>>) attributes {dimension_semantics = [], scalar_prefetch = 0 : i64, scratch_operands = 0 : i64, tpu.core_type = #tpu.core_type<tc>} {
    %get3A = arith.constant 0 : index
    %get3A_0 = arith.constant 0 : index
    %get3A_1 = vector.load %arg1[%get3A, %get3A_0] : memref<32x10000xf32, #tpu.memory_space<vmem>>, vector<32x10000xf32>
    %reduce_sum3A = arith.constant dense<0.000000e+00> : vector<10000xf32>
    %reduce_sum3A_2 = vector.multi_reduction <add>, %get3A_1, %reduce_sum3A [0] : vector<32x10000xf32> to vector<10000xf32>
    %broadcast_in_dim3A = vector.shape_cast %reduce_sum3A_2 : vector<10000xf32> to vector<1x10000xf32>
    %get3A_3 = arith.constant 0 : index
    %get3A_4 = arith.constant 0 : index
    %get3A_5 = vector.load %arg0[%get3A_3, %get3A_4] : memref<128x10000xf32, #tpu.memory_space<vmem>>, vector<128x10000xf32>
    %div3A = vector.broadcast %broadcast_in_dim3A : vector<1x10000xf32> to vector<128x10000xf32>
    %div3A_6 = arith.divf %get3A_5, %div3A : vector<128x10000xf32>
    %get3A_7 = arith.constant 0 : index
    %get3A_8 = arith.constant 0 : index
    %get3A_9 = vector.load %arg3[%get3A_7, %get3A_8] : memref<128x1xf32, #tpu.memory_space<vmem>>, vector<128x1xf32>
    %add3A = vector.broadcast %get3A_9 : vector<128x1xf32> to vector<128x10000xf32>
    %add3A_10 = arith.addf %div3A_6, %add3A : vector<128x10000xf32>
    %get3A_11 = arith.constant 0 : index
    %get3A_12 = arith.constant 0 : index
    %get3A_13 = vector.load %arg2[%get3A_11, %get3A_12] : memref<128x10000xf32, #tpu.memory_space<vmem>>, vector<128x10000xf32>
    %add3A_14 = arith.addf %add3A_10, %get3A_13 : vector<128x10000xf32>
    %max3A = arith.constant 0.000000e+00 : f32
    %max3A_15 = vector.broadcast %max3A : f32 to vector<128x10000xf32>
    %max3A_16 = arith.maximumf %add3A_14, %max3A_15 : vector<128x10000xf32>
    %reduce_sum3A_17 = arith.constant dense<0.000000e+00> : vector<128xf32>
    %reduce_sum3A_18 = vector.multi_reduction <add>, %max3A_16, %reduce_sum3A_17 [1] : vector<128x10000xf32> to vector<128xf32>
    %broadcast_in_dim3A_19 = vector.shape_cast %reduce_sum3A_18 : vector<128xf32> to vector<128x1xf32>
    %div3A_20 = arith.constant 1.000000e+04 : f32
    %div3A_21 = vector.broadcast %div3A_20 : f32 to vector<128x1xf32>
    %div3A_22 = arith.divf %broadcast_in_dim3A_19, %div3A_21 : vector<128x1xf32>
    %sub3A = vector.broadcast %div3A_22 : vector<128x1xf32> to vector<128x10000xf32>
    %sub3A_23 = arith.subf %max3A_16, %sub3A : vector<128x10000xf32>
    %integer_pow3A = arith.mulf %sub3A_23, %sub3A_23 : vector<128x10000xf32>
    %reduce_sum3A_24 = arith.constant dense<0.000000e+00> : vector<128xf32>
    %reduce_sum3A_25 = vector.multi_reduction <add>, %integer_pow3A, %reduce_sum3A_24 [1] : vector<128x10000xf32> to vector<128xf32>
    %broadcast_in_dim3A_26 = vector.shape_cast %reduce_sum3A_25 : vector<128xf32> to vector<128x1xf32>
    %div3A_27 = arith.constant 1.000000e+04 : f32
    %div3A_28 = vector.broadcast %div3A_27 : f32 to vector<128x1xf32>
    %div3A_29 = arith.divf %broadcast_in_dim3A_26, %div3A_28 : vector<128x1xf32>
    %sub3A_30 = vector.broadcast %div3A_22 : vector<128x1xf32> to vector<128x10000xf32>
    %sub3A_31 = arith.subf %max3A_16, %sub3A_30 : vector<128x10000xf32>
    %add3A_32 = arith.constant 9.99999974E-6 : f32
    %add3A_33 = vector.broadcast %add3A_32 : f32 to vector<128x1xf32>
    %add3A_34 = arith.addf %div3A_29, %add3A_33 : vector<128x1xf32>
    %rsqrt3A = math.rsqrt %add3A_34 : vector<128x1xf32>
    %mul3A = vector.broadcast %rsqrt3A : vector<128x1xf32> to vector<128x10000xf32>
    %mul3A_35 = arith.mulf %sub3A_31, %mul3A : vector<128x10000xf32>
    %get3A_36 = arith.constant 0 : index
    %get3A_37 = arith.constant 0 : index
    %get3A_38 = vector.load %arg4[%get3A_36, %get3A_37] : memref<128x1xf32, #tpu.memory_space<vmem>>, vector<128x1xf32>
    %mul3A_39 = vector.broadcast %get3A_38 : vector<128x1xf32> to vector<128x10000xf32>
    %mul3A_40 = arith.mulf %mul3A_35, %mul3A_39 : vector<128x10000xf32>
    %get3A_41 = arith.constant 0 : index
    %get3A_42 = arith.constant 0 : index
    %get3A_43 = vector.load %arg5[%get3A_41, %get3A_42] : memref<128x1xf32, #tpu.memory_space<vmem>>, vector<128x1xf32>
    %add3A_44 = vector.broadcast %get3A_43 : vector<128x1xf32> to vector<128x10000xf32>
    %add3A_45 = arith.addf %mul3A_40, %add3A_44 : vector<128x10000xf32>
    %get3A_46 = arith.constant 0 : index
    %get3A_47 = arith.constant 0 : index
    %get3A_48 = vector.load %arg6[%get3A_46, %get3A_47] : memref<128x128xf32, #tpu.memory_space<vmem>>, vector<128x128xf32>
    %dot_general3A = arith.constant dense<0.000000e+00> : vector<128x10000xf32>
    %dot_general3A_49 = tpu.matmul %get3A_48, %add3A_45, %dot_general3A {dimension_numbers = #tpu.dot_dimension_numbers<[0], [0], [1], [1], [0, 1, 1, 1], [], []>, transpose_lhs_hint = false} : vector<128x128xf32>, vector<128x10000xf32>, vector<128x10000xf32> -> vector<128x10000xf32>
    %swap3A = arith.constant 0 : index
    %swap3A_50 = arith.constant 0 : index
    %swap3A_51 = vector.load %arg9[%swap3A, %swap3A_50] : memref<128x10000xf32, #tpu.memory_space<vmem>>, vector<128x10000xf32>
    tpu.vector_store %arg9[%swap3A, %swap3A_50], %dot_general3A_49 {strides = array<i32>} : memref<128x10000xf32, #tpu.memory_space<vmem>>, vector<128x10000xf32>,
    %get3A_52 = arith.constant 0 : index
    %get3A_53 = arith.constant 0 : index
    %get3A_54 = vector.load %arg7[%get3A_52, %get3A_53] : memref<1x128xf32, #tpu.memory_space<vmem>>, vector<1x128xf32>
    %dot_general3A_55 = arith.constant dense<0.000000e+00> : vector<1x10000xf32>
    %dot_general3A_56 = tpu.matmul %get3A_54, %dot_general3A_49, %dot_general3A_55 {dimension_numbers = #tpu.dot_dimension_numbers<[1], [0], [0], [1], [0, 0, 1, 1], [], []>, transpose_lhs_hint = false} : vector<1x128xf32>, vector<128x10000xf32>, vector<1x10000xf32> -> vector<1x10000xf32>
    %swap3A_57 = arith.constant 0 : index
    %swap3A_58 = arith.constant 0 : index
    %swap3A_59 = vector.load %arg10[%swap3A_57, %swap3A_58] : memref<1x10000xf32, #tpu.memory_space<vmem>>, vector<1x10000xf32>
    tpu.vector_store %arg10[%swap3A_57, %swap3A_58], %dot_general3A_56 {strides = array<i32>} : memref<1x10000xf32, #tpu.memory_space<vmem>>, vector<1x10000xf32>,
    %get3A_60 = arith.constant 0 : index
    %get3A_61 = arith.constant 0 : index
    %get3A_62 = vector.load %arg8[%get3A_60, %get3A_61] : memref<1x128xf32, #tpu.memory_space<vmem>>, vector<1x128xf32>
    %dot_general3A_63 = arith.constant dense<0.000000e+00> : vector<1x10000xf32>
    %dot_general3A_64 = tpu.matmul %get3A_62, %dot_general3A_49, %dot_general3A_63 {dimension_numbers = #tpu.dot_dimension_numbers<[1], [0], [0], [1], [0, 0, 1, 1], [], []>, transpose_lhs_hint = false} : vector<1x128xf32>, vector<128x10000xf32>, vector<1x10000xf32> -> vector<1x10000xf32>
    %swap3A_65 = arith.constant 0 : index
    %swap3A_66 = arith.constant 0 : index
    %swap3A_67 = vector.load %arg11[%swap3A_65, %swap3A_66] : memref<1x10000xf32, #tpu.memory_space<vmem>>, vector<1x10000xf32>
    tpu.vector_store %arg11[%swap3A_65, %swap3A_66], %dot_general3A_64 {strides = array<i32>} : memref<1x10000xf32, #tpu.memory_space<vmem>>, vector<1x10000xf32>,
    return
  }
}

module attributes {stable_mosaic.version = 14 : i64} {
  func.func @_tc3_body(%arg0: memref<128x10000xf32, #tpu.memory_space<vmem>>, %arg1: memref<32x10000xf32, #tpu.memory_space<vmem>>, %arg2: memref<128x10000xf32, #tpu.memory_space<vmem>>, %arg3: memref<128x1xf32, #tpu.memory_space<vmem>>, %arg4: memref<128x128xf32, #tpu.memory_space<vmem>>, %arg5: memref<1x128xf32, #tpu.memory_space<vmem>>, %arg6: memref<10000x128xf32, #tpu.memory_space<vmem>>) attributes {dimension_semantics = [], scalar_prefetch = 0 : i64, scratch_operands = 0 : i64, tpu.core_type = #tpu.core_type<tc>} {
    %get3A = arith.constant 0 : index
    %get3A_0 = arith.constant 0 : index
    %get3A_1 = vector.load %arg1[%get3A, %get3A_0] : memref<32x10000xf32, #tpu.memory_space<vmem>>, vector<32x10000xf32>
    %reduce_sum3A = arith.constant dense<0.000000e+00> : vector<10000xf32>
    %reduce_sum3A_2 = vector.multi_reduction <add>, %get3A_1, %reduce_sum3A [0] : vector<32x10000xf32> to vector<10000xf32>
    %broadcast_in_dim3A = vector.shape_cast %reduce_sum3A_2 : vector<10000xf32> to vector<1x10000xf32>
    %get3A_3 = arith.constant 0 : index
    %get3A_4 = arith.constant 0 : index
    %get3A_5 = vector.load %arg0[%get3A_3, %get3A_4] : memref<128x10000xf32, #tpu.memory_space<vmem>>, vector<128x10000xf32>
    %div3A = vector.broadcast %broadcast_in_dim3A : vector<1x10000xf32> to vector<128x10000xf32>
    %div3A_6 = arith.divf %get3A_5, %div3A : vector<128x10000xf32>
    %get3A_7 = arith.constant 0 : index
    %get3A_8 = arith.constant 0 : index
    %get3A_9 = vector.load %arg3[%get3A_7, %get3A_8] : memref<128x1xf32, #tpu.memory_space<vmem>>, vector<128x1xf32>
    %add3A = vector.broadcast %get3A_9 : vector<128x1xf32> to vector<128x10000xf32>
    %add3A_10 = arith.addf %div3A_6, %add3A : vector<128x10000xf32>
    %get3A_11 = arith.constant 0 : index
    %get3A_12 = arith.constant 0 : index
    %get3A_13 = vector.load %arg2[%get3A_11, %get3A_12] : memref<128x10000xf32, #tpu.memory_space<vmem>>, vector<128x10000xf32>
    %add3A_14 = arith.addf %add3A_10, %get3A_13 : vector<128x10000xf32>
    %max3A = arith.constant 0.000000e+00 : f32
    %max3A_15 = vector.broadcast %max3A : f32 to vector<128x10000xf32>
    %max3A_16 = arith.maximumf %add3A_14, %max3A_15 : vector<128x10000xf32>
    %get3A_17 = arith.constant 0 : index
    %get3A_18 = arith.constant 0 : index
    %get3A_19 = vector.load %arg4[%get3A_17, %get3A_18] : memref<128x128xf32, #tpu.memory_space<vmem>>, vector<128x128xf32>
    %dot_general3A = arith.constant dense<0.000000e+00> : vector<10000x128xf32>
    %dot_general3A_20 = tpu.matmul %max3A_16, %get3A_19, %dot_general3A {dimension_numbers = #tpu.dot_dimension_numbers<[0], [0], [1], [1], [0, 1, 1, 1], [], []>, transpose_lhs_hint = false} : vector<128x10000xf32>, vector<128x128xf32>, vector<10000x128xf32> -> vector<10000x128xf32>
    %get3A_21 = arith.constant 0 : index
    %get3A_22 = arith.constant 0 : index
    %get3A_23 = vector.load %arg5[%get3A_21, %get3A_22] : memref<1x128xf32, #tpu.memory_space<vmem>>, vector<1x128xf32>
    %add3A_24 = vector.broadcast %get3A_23 : vector<1x128xf32> to vector<10000x128xf32>
    %add3A_25 = arith.addf %dot_general3A_20, %add3A_24 : vector<10000x128xf32>
    %swap3A = arith.constant 0 : index
    %swap3A_26 = arith.constant 0 : index
    %swap3A_27 = vector.load %arg6[%swap3A, %swap3A_26] : memref<10000x128xf32, #tpu.memory_space<vmem>>, vector<10000x128xf32>
    tpu.vector_store %arg6[%swap3A, %swap3A_26], %add3A_25 {strides = array<i32>} : memref<10000x128xf32, #tpu.memory_space<vmem>>, vector<10000x128xf32>,
    return
  }
}

</mosaic_0001>

<sc_bundles>
// kernel: kernel.12.cloned.1.call-start
scs
__scs_entry_jumppad:
0x0: {  	(pc) =	sbr.rel $0x88, $3  }
0x1: {  	(tag) =	ssettag $0x0;
	lr =	simm.s32 $0x1  }
0x2: {  	[smem:$0x3F92] =	sst lr;
	_ =	strace $0xD0000000  }
0x3: {  	_ = 	snop  }
0x4: {  	_ = 	snop  }
0x5: {  	_ = 	snop  }
0x6: {  	_ = 	snop  }
0x7: {  	_ = 	snop  }
__scs_overlays_trampoline_lowered:
0x8: {  	[smem:$0x3FA1] =	sst s0  }
0x9: {  	[smem:$0x3FA2] =	sst s1  }
0xa: {  	[smem:$0x3FA3] =	sst s2  }
0xb: {  	[smem:$0x3FA4] =	sst s3  }
0xc: {  	[smem:$0x3FA5] =	sst s4  }
0xd: {  	[smem:$0x3FA6] =	sst s5  }
0xe: {  	[smem:$0x3FA7] =	sst s6  }
0xf: {  	[smem:$0x3FA8] =	sst s7  }
0x10: {  	[smem:$0x3FA9] =	sst s8  }
0x11: {  	[smem:$0x3FAA] =	sst s9;
	s0 =	simm.s32 @!p0 $0x0  }
0x12: {  	s1 =	sld [smem:$0x3F90];
	s0 =	simm.s32 @p0 $0x1  }
0x13: {  	[smem:$0x3FAB] =	sst s0;
	s0 =	simm.s32 @!p1 $0x0  }
0x14: {  	s2 =	sld [smem:$0x3F8F];
	s0 =	simm.s32 @p1 $0x1  }
0x15: {  	[smem:$0x3FAC] =	sst s0;
	s0 =	simm.s32 @!p2 $0x0  }
0x16: {  	s3 =	sld [smem:$0x3FDB];
	s0 =	simm.s32 @p2 $0x1  }
0x17: {  	s4 =	simm.s32 $0x1BF5;
	[smem:$0x3FAE] =	sst s0  }
0x18: {  	s0 =	sld [smem:$0x3F91];
	_ =	swait.ge [sflag:s4], $0x0  }
0x19: {  	s7 =	sld [smem:$0x3F92]  }
0x1a: {  	s8 =	sadd.s32 $0xFFFFE003, lr  }
0x1b: {  	s9 =	sadd.s32 $0xFFFFFEF7, lr;
	s5 =	simm.s32 $0xFFFFFFFF;
	p2 =	slt.u32 s8, $0xFFFFF086  }
0x1c: {  	p1 =	slt.u32 s9, $0xF7A;
	s5 =	simm.s32 @!p2 $0x0  }
0x1d: {  	s5 =	simm.s32 @p1 $0x1;
	p0 =	seq.s32 s7, s2  }
0x1e: {  	s7 =	smul.u32 @!p0 $0xF7A, s2;
	p2 =	seq.s32 @!p0 s5, $0x0  }
0x1f: {  	s9 =	smul.u32 $0xF7A, s1;
	s8 =	simm.s32 @!p0 $0x1BF5;
	p2 =	por !p2, p0  }
0x20: {  	[sflag:s8] =	ssyncset.s32 @!p0 $0xFFFFF086;
	s6 =	sadd.s32 @!p0 s3, s7;
	s7 =	simm.s32 @!p0 $0x108  }
0x21: {  	s3 =	sadd.s32 s3, s9;
	s6 =	sadd.s32 @!p0 $0x88, s6;
	s7 =	simm.s32 @p2 $0x1082  }
0x22: {  	[simem:s7], [sflag:s8] =	dma.local @!p0 [hbm:s6], $0xF7A  }
0x23: {  	s9 =	sor.u32 $0xD0000000, s2;
	s6 =	simm.s32 $0x108;
	_ =	swait.ge @!p0 [sflag:s8], $0x0  }
0x24: {  	s3 =	sadd.s32 $0x88, s3;
	s6 =	simm.s32 @!p1 $0x1082;
	[sflag:s4] =	ssyncset.s32 $0xFFFFF086  }
0x25: {  	[simem:s6], [sflag:s4] =	dma.local [hbm:s3], $0xF7A  }
0x26: {  	[smem:$0x3F92] =	sst s1;
	(tag) =	ssettag s2;
	_ =	strace s9  }
0x27: {  	s1 =	sld [smem:$0x3FA2]  }
0x28: {  	s2 =	sld [smem:$0x3FA3]  }
0x29: {  	s4 =	sld [smem:$0x3FA5]  }
0x2a: {  	p0 =	seq.s32 s5, $0x0;
	s5 =	sld [smem:$0x3FA6]  }
0x2b: {  	s6 =	sld [smem:$0x3FA7]  }
0x2c: {  	s7 =	sld [smem:$0x3FA8]  }
0x2d: {  	s3 =	simm.s32 $0x108;
	s8 =	sld [smem:$0x3FA9]  }
0x2e: {  	s3 =	simm.s32 @!p0 $0x1082;
	s9 =	sld [smem:$0x3FAA]  }
0x2f: {  	lr =	sadd.s32 s0, s3;
	s0 =	sld [smem:$0x3FA1]  }
0x30: {  	s3 =	sld [smem:$0x3FA4]  }
0x31: {  	[smem:$0x3FAD] =	sst s10  }
0x32: {  	s10 =	sld [smem:$0x3FAB];
	_ =	sdelay $0x3  }
0x33: {  	p0 =	seq.s32 s10, $0x1;
	s10 =	sld [smem:$0x3FAD];
	_ =	sdelay $0x3  }
0x34: {  	[smem:$0x3FAD] =	sst s10  }
0x35: {  	s10 =	sld [smem:$0x3FAC];
	_ =	sdelay $0x3  }
0x36: {  	p1 =	seq.s32 s10, $0x1;
	s10 =	sld [smem:$0x3FAD];
	_ =	sdelay $0x3  }
0x37: {  	[smem:$0x3FAD] =	sst s10  }
0x38: {  	s10 =	sld [smem:$0x3FAE]  }
0x39: {  	_ = 	snop;
	(pc) =	sbr.ind lr, $3  }
0x3a: {  	_ = 	snop  }
0x3b: {  	_ = 	snop  }
0x3c: {  	p2 =	seq.s32 s10, $0x1;
	s10 =	sld [smem:$0x3FAD]  }
0x3d: {  	_ =	shalt  }
0x3e: {  	_ =	shalt  }
0x3f: {  	_ =	shalt  }
0x40: {  	_ =	shalt  }
0x41: {  	_ =	shalt  }
0x42: {  	_ =	shalt  }
0x43: {  	_ =	shalt  }
0x44: {  	_ =	shalt  }
0x45: {  	_ =	shalt  }
0x46: {  	_ =	shalt  }
0x47: {  	_ =	shalt  }
0x48: {  	_ =	shalt  }
0x49: {  	_ =	shalt  }
0x4a: {  	_ =	shalt  }
0x4b: {  	_ =	shalt  }
0x4c: {  	_ =	shalt  }
0x4d: {  	_ =	shalt  }
0x4e: {  	_ =	shalt  }
0x4f: {  	_ =	shalt  }
0x50: {  	_ =	shalt  }
0x51: {  	_ =	shalt  }
0x52: {  	_ =	shalt  }
0x53: {  	_ =	shalt  }
0x54: {  	_ =	shalt  }
0x55: {  	_ =	shalt  }
0x56: {  	_ =	shalt  }
0x57: {  	_ =	shalt  }
0x58: {  	_ =	shalt  }
0x59: {  	_ =	shalt  }
0x5a: {  	_ =	shalt  }
0x5b: {  	_ =	shalt  }
0x5c: {  	_ =	shalt  }
0x5d: {  	_ =	shalt  }
0x5e: {  	_ =	shalt  }
0x5f: {  	_ =	shalt  }
0x60: {  	_ =	shalt  }
0x61: {  	_ =	shalt  }
0x62: {  	_ =	shalt  }
0x63: {  	_ =	shalt  }
0x64: {  	_ =	shalt  }
0x65: {  	_ =	shalt  }
0x66: {  	_ =	shalt  }
0x67: {  	_ =	shalt  }
0x68: {  	_ =	shalt  }
0x69: {  	_ =	shalt  }
0x6a: {  	_ =	shalt  }
0x6b: {  	_ =	shalt  }
0x6c: {  	_ =	shalt  }
0x6d: {  	_ =	shalt  }
0x6e: {  	_ =	shalt  }
0x6f: {  	_ =	shalt  }
0x70: {  	_ =	shalt  }
0x71: {  	_ =	shalt  }
0x72: {  	_ =	shalt  }
0x73: {  	_ =	shalt  }
0x74: {  	_ =	shalt  }
0x75: {  	_ =	shalt  }
0x76: {  	_ =	shalt  }
0x77: {  	_ =	shalt  }
0x78: {  	_ =	shalt  }
0x79: {  	_ =	shalt  }
0x7a: {  	_ =	shalt  }
0x7b: {  	_ =	shalt  }
0x7c: {  	_ =	shalt  }
0x7d: {  	_ =	shalt  }
0x7e: {  	_ =	shalt  }
0x7f: {  	_ =	shalt  }
0x80: {  	_ =	shalt  }
0x81: {  	_ =	shalt  }
0x82: {  	_ =	shalt  }
0x83: {  	_ =	shalt  }
0x84: {  	_ =	shalt  }
0x85: {  	_ =	shalt  }
0x86: {  	_ =	shalt  }
0x87: {  	_ =	shalt  }
.Lfunc_end0:
.L_simem_size_0:
called_computation.1_lowered:
.L_overlay_start_0:
0x88: {  	s2 =	sld [smem:$0x3FD9]  }
0x89: {  	s3 =	sld [smem:$0x3FFE];
	_ =	sdelay $0x1  }
0x8a: {  	s1 =	srdreg.scid  }
0x8b: {  	s0 =	sand.u32 $0x1, s1  }
0x8c: {  	s17 =	sshll.u32 s0, $0xA;
	s2 =	sadd.s32 s3, s2  }
0x8d: {  	s2 =	sadd.s32 s2, s17  }
0x8e: {  	[smem:$0x3FB9] =	sst s2  }
0x8f: {  	_ = 	snop  }
0x90: {  	s2 =	sld [smem:$0x3FD0];
	(tm) =	ssettm $0x1  }
0x91: {  	s18 =	sld [smem:$0x3FFB];
	_ =	sdelay $0x3  }
0x92: {  	_ =	strace s18  }
0x93: {  	s3 =	sld [smem:$0x3FFC];
	_ =	sdelay $0x3  }
0x94: {  	_ =	strace s3  }
0x95: {  	s3 =	sld [smem:$0x3FFD];
	_ =	sdelay $0x3  }
0x96: {  	_ =	strace s3  }
0x97: {  	_ =	strace $0x8FFFFFFF  }
0x98: {  	s19 =	sld [smem:$0x3FDB];
	_ =	sdelay $0x1  }
0x99: {  	s4 =	simm.s32 $_scs_section_size  }
0x9a: {  	s5 =	simm.s32 $_size__tile_overlayer_lowered;
	s6 =	simm.s32 $_tile_overlayer_lowered  }
0x9b: {  	s22 =	simm.s32 $0x1BFF;
	s21 =	sshll.u32 s6, $0x1;
	s3 =	sadd.s32 s4, s19  }
0x9c: {  	s7 =	simm.s32 $0x0;
	s20 =	sshll.u32 s5, $0x1;
	s5 =	sadd.s32 s21, s3  }
0x9d: {  	[timem:s7], [sflag:s22] =	dma.local [hbm:s5], s20  }
0x9e: {  	_ =	swait.ge [sflag:s22], s20  }
0x9f: {  	s4 =	ssub.s32 $0x0, s20;
	[sflag:s22] =	ssyncset.done $0x0  }
0xa0: {  	[sflag:s22] =	ssyncadd.s32 s4;
	_ =	sdelay $0x1  }
0xa1: {  	s23 =	simm.s32 $0x1B8B  }
0xa2: {  	_ =	swait.ge [sflag:s23], $0x1  }
0xa3: {  	[sflag:s23] =	ssyncset.done $0x0  }
0xa4: {  	s25 =	simm.s32 $0x1B8E;
	s24 =	sld [smem:$0x3FFE];
	[sflag:s23] =	ssyncadd.s32 $0xFFFFFFFF  }
0xa5: {  	s26 =	simm.s32 $execute0_lowered;
	[smem:$0x3FD2] =	sst s25  }
0xa6: {  	s5 =	sshll.u32 s26, $0x1;
	_ =	strace $0x80000049;
	[dreg:$0x1] =	wrdreg $0xFFFFFFFF  }
0xa7: {  	s28 =	simm.s32 $_size_execute0_lowered;
	s3 =	sadd.s32 s3, s5;
	[dreg:$0x0] =	wrdreg $0x0  }
0xa8: {  	s5 =	sshll.u32 s28, $0x1;
	[dreg:$0x2] =	wrdreg s3  }
0xa9: {  	[dreg:$0x3] =	wrdreg s5  }
0xaa: {  	[dreg:$0x4] =	wrdreg $0xC0  }
0xab: {  	_ =	task [dreg:s7], $0x5FFFF  }
0xac: {  	[dreg:$0x1] =	wrdreg $0xFFFFFFFF  }
0xad: {  	[dreg:$0x0] =	wrdreg $0x60  }
0xae: {  	[dreg:$0x2] =	wrdreg s2  }
0xaf: {  	[dreg:$0x3] =	wrdreg s24  }
0xb0: {  	[dreg:$0x4] =	wrdreg $0x9  }
0xb1: {  	_ =	task.clear_ibuf [dreg:s7], $0x5FFFF;
	_ =	strace $0x90000049  }
0xb2: {  	s29 =	simm.s32 $0x9;
	_ =	strace $0x8000004B  }
0xb3: {  	_ =	swait.ge [sflag:s29], $0x1  }
0xb4: {  	[sflag:s29] =	ssyncadd.s32 $0xFFFFFFFF  }
0xb5: {  	_ =	strace $0x9000004B  }
0xb6: {  	_ =	sfence  }
0xb7: {  	s30 =	sld [smem:$0x0];
	_ =	sdelay $0x2  }
0xb8: {  	s31 =	sshll.u32 s1, $0xD;
	s1 =	sshrl.u32 s1, $0x2  }
0xb9: {  	s3 =	sand.u32 $0x4000, s31;
	s1 =	sadd.s32 s1, s30  }
0xba: {  	s0 =	sor.u32 s3, s0;
	s1 =	sshll.u32 s1, $0x11  }
0xbb: {  	s0 =	sor.u32 s1, s0  }
0xbc: {  	s0 =	sadd.s32 $0x8F2B, s0  }
0xbd: {  	[sflag:s0] =	ssyncadd.remote.s32 $0x1  }
0xbe: {  	_ =	sfence.sel $0xFFFF  }
0xbf: {  	[dreg:$0x0] =	wrdreg $0xFFFFFFFF;
	(pc) =	sbr.abs _section_cstart, $3  }
0xc0: {  	[dreg:$0x1] =	wrdreg $0xFFFFFFFF  }
0xc1: {  	_ =	task.clear_ibuf [dreg:s7], $0x2FFFF;
	_ =	strace $0x9FFFFFFF  }
0xc2: {  	(tm) =	ssettm $0x7FFFFFFF  }
0xc3: {  	_ =	shalt  }
tec
execute0_lowered:
.L_overlay_start_1:
0x0: {  	(tag) =	ssettag $0x1  }
0x1: {  	s0 =	rddreg [dreg:$0x0]  }
0x2: {  	s9 =	rddreg [dreg:$0x1];
	s1 =	simm.s32 $0x0  }
0x3: {  	s5 =	srdreg.scid;
	s2 =	stileid.u32;
	s13 =	simm.s32 $0x400  }
0x4: {  	s14 =	simm.s32 $0x3;
	s15 =	simm.s32 $0xED00;
	s16 =	simm.s32 $0x10D00  }
0x5: {  	s17 =	simm.s32 $0x12D00;
	s18 =	simm.s32 $0xFD00;
	s19 =	simm.s32 $0x11D00  }
0x6: {  	s20 =	simm.s32 $0x13D00;
	s21 =	simm.s32 $0x1;
	s22 =	simm.s32 $0x4F00  }
0x7: {  	s23 =	simm.s32 $0x2;
	s24 =	simm.s32 $0x200;
	s25 =	simm.s32 $0x0  }
0x8: {  	[smem:$0x7FF] =	sst s1;
	s3 =	sadd.s32 $0x1000, s9;
	s4 =	sadd.s32 $0xB400, s9  }
0x9: {  	s6 =	sand.u32 $0x1, s5;
	s7 =	smul.u32 $0x13C00, s2;
	s26 =	sshrl.u32 s2, $0x1  }
0xa: {  	s10 =	sshll.u32 s2, $0x9;
	s5 =	sadd.s32 $0x2AC00, s9;
	_ =	strace $0x8000004A  }
0xb: {  	s8 =	sshll.u32 s6, $0x9;
	s11 =	smul.u32 $0x13C00, s26;
	s12 =	sshll.u32 s6, $0x8  }
0xc: {  	s10 =	sand.u32 $0x200, s10;
	s6 =	ssub.s32 $0x2, s6;
	s7 =	sor.u32 s8, s7  }
.Ltmp0:
0xd: {  	s28 =	sor.u32 s12, s10;
	s30 =	sshrl.u32 s6, $0x1;
	(pc) =	sbr.rel .LBB2_1-.Ltmp0, $4  }
0xe: {  	s12 =	simm.s32 $0x100;
	s7 =	sshrl.u32 s7, $0x3;
	s8 =	sor.u32 s11, s28  }
0xf: {  	s31 =	ssub.s32 s6, s30;
	s29 =	sadd.s32 s7, s9;
	s8 =	sshrl.u32 s8, $0x3  }
0x10: {  	s7 =	sadd.s32 $0x1200, s9;
	s11 =	smax.u32 s31, $0x1;
	s6 =	sadd.s32 s0, s8  }
0x11: {  	v0 =	vimm.f32 $0.0e+00;
	s8 =	sadd.s32 $0xB600, s9;
	s9 =	sadd.s32 $0x2AE00, s9;
	s10 =	sadd.s32 $0x3EE00, s29  }
.LBB2_10:
0x12: {  	s25 =	sadd.s32 $0x1, s25  }
0x13: {  	p0 =	sne.s32 s25, s11  }
.Ltmp1:
0x14: {  	_ = 	snop;
	(pc) =	sbr.rel @!p0 .LBB2_11-.Ltmp1, $4  }
0x15: {  	[hbm4b:s10+s24] =	stream.strided.scatter [tilespmem:s22], [sflag:$0x3], $0x9E00, s13, s24, $0x38;
	[tilespmem:$0x14D00] =	vst v63  }
0x16: {  	_ =	swait.ge [sflag:s14], $0x9E00  }
0x17: {  	[sflag:s14] =	ssyncset.done $0x0  }
0x18: {  	[sflag:s14] =	ssyncadd.s32 $0xFFFF6200  }
.LBB2_1:
0x19: {  	[tilespmem:s1], [sflag:$0x3] =	stream.strided.gather [hbm4b:s6+s12], $0x4F00, s13, s12, $0x38;
	[tilespmem:$0x14D00] =	vst v63  }
0x1a: {  	_ =	swait.ge [sflag:s14], $0x4F00  }
0x1b: {  	s0 =	sand.u32 $0x70, s1;
	s26 =	sand.u32 $0xFE00, s1;
	[sflag:s14] =	ssyncset.done $0x0  }
0x1c: {  	s28 =	sor.u32 s0, s26;
	[sflag:s14] =	ssyncadd.s32 $0xFFFFB100  }
0x1d: {  	[tilespmem:s28+$0x5080] =	vst v0  }
0x1e: {  	[tilespmem:s28+$0x4F00] =	vst v0  }
0x1f: {  	s0 =	simm.s32 $0x10;
	s26 =	simm.s32 $0x0;
	[tilespmem:s28+$0x4F80] =	vst v0  }
.LBB2_2:
0x20: {  	s29 =	sand.u32 $0x70, s0;
	[tilespmem:s28+$0x5000] =	vst v0;
	s26 =	sadd.s32 $0x40, s26;
	p0 =	sne.s32 s0, $0x2700  }
.Ltmp2:
0x21: {  	s0 =	sadd.s32 $0x10, s0;
	s28 =	sand.u32 $0xFE00, s26;
	(pc) =	sbr.rel @p0 .LBB2_2-.Ltmp2, $4  }
0x22: {  	s28 =	sor.u32 s29, s28  }
0x23: {  	[tilespmem:s28+$0x5080] =	vst v0  }
0x24: {  	[tilespmem:s28+$0x4F00] =	vst v0  }
0x25: {  	[tilespmem:s28+$0x4F80] =	vst v0  }
0x26: {  	[tilespmem:s28+$0x5000] =	vst v0;
	s26 =	simm.s32 $0x0  }
0x27: {  	[tilespmem:s15], [sflag:$0x1] =	stream.linear.gather [hbm4b:s3+s26], $0x1000, $0x38;
	[tilespmem:$0x14D00] =	vst v63  }
0x28: {  	_ = 	snop  }
0x29: {  	[tilespmem:s16], [sflag:$0x1] =	stream.linear.gather [hbm4b:s4+s26], $0x1000, $0x38;
	[tilespmem:$0x14D00] =	vst v63  }
0x2a: {  	_ = 	snop  }
0x2b: {  	[tilespmem:s17], [sflag:$0x1] =	stream.linear.gather [hbm4b:s5+s26], $0x1000, $0x38;
	[tilespmem:$0x14D00] =	vst v63  }
0x2c: {  	_ = 	snop  }
0x2d: {  	[tilespmem:s18], [sflag:$0x2] =	stream.linear.gather [hbm4b:s7+s26], $0x1000, $0x38;
	[tilespmem:$0x14D00] =	vst v63  }
0x2e: {  	_ = 	snop  }
0x2f: {  	[tilespmem:s19], [sflag:$0x2] =	stream.linear.gather [hbm4b:s8+s26], $0x1000, $0x38;
	[tilespmem:$0x14D00] =	vst v63  }
0x30: {  	_ = 	snop  }
0x31: {  	[tilespmem:s20], [sflag:$0x2] =	stream.linear.gather [hbm4b:s9+s26], $0x1000, $0x38;
	[tilespmem:$0x14D00] =	vst v63  }
.LBB2_4:
0x32: {  	_ =	swait.ge [sflag:s21], $0x1000  }
0x33: {  	[sflag:s21] =	ssyncset.done $0x0  }
0x34: {  	[sflag:s21] =	ssyncadd.s32 $0xFFFFF000  }
0x35: {  	_ =	swait.ge [sflag:s21], $0x1000  }
0x36: {  	[sflag:s21] =	ssyncset.done $0x0  }
0x37: {  	[sflag:s21] =	ssyncadd.s32 $0xFFFFF000  }
0x38: {  	_ =	swait.ge [sflag:s21], $0x1000  }
0x39: {  	[sflag:s21] =	ssyncset.done $0x0  }
0x3a: {  	s0 =	simm.s32 $0xED20;
	[sflag:s21] =	ssyncadd.s32 $0xFFFFF000  }
0x3b: {  	v1 =	vld [tilespmem:s0+$0x0];
	_ =	sdelay $0x1  }
0x3c: {  	v2 =	vld [tilespmem:s0+$0x10];
	_ =	sdelay $0x2  }
0x3d: {  	v3 =	vshll.u32 v1, $0x1  }
0x3e: {  	s28 =	simm.s32 $0x10D20;
	v4 =	vld [tilespmem:s0+$0xFFFFFFF0];
	v1 =	vand.u32 $0x7F, v1;
	v3 =	vand.u32 $0xFFFFFF00, v3  }
0x3f: {  	v5 =	vld [tilespmem:s28+$0x0];
	v7 =	vor.u32 v1, v3;
	v1 =	vshll.u32 v2, $0x1  }
0x40: {  	v2 =	vand.u32 $0x7F, v2;
	v3 =	vand.u32 $0xFFFFFF00, v1  }
0x41: {  	v9 =	vor.u32 v2, v3;
	v2 =	vld [tilespmem:s28+$0x10];
	_ =	sdelay $0x1  }
0x42: {  	v11 =	vld [tilespmem:s28+$0xFFFFFFF0]  }
0x43: {  	s29 =	simm.s32 $0x12D20;
	v6 =	vshll.u32 v5, $0x2;
	v3 =	vshll.u32 v4, $0x1;
	v10 =	vld.idx.msk [tilespmem:v7+s1+$0x0], $0xffff  }
0x44: {  	v5 =	vand.u32 $0x7F, v5;
	v1 =	vld [tilespmem:s29+$0x0];
	v4 =	vand.u32 $0x7F, v4;
	v8 =	vand.u32 $0xFFFFFF00, v3  }
0x45: {  	v6 =	vand.u32 $0xFFFFFE00, v6;
	v8 =	vor.u32 v4, v8;
	v4 =	vld.idx.msk [tilespmem:v9+s1+$0x0], $0xffff;
	v12 =	vshll.u32 v2, $0x2  }
0x46: {  	v6 =	vor.u32 v5, v6;
	v3 =	vld [tilespmem:s29+$0x10];
	v5 =	vand.u32 $0x7F, v2;
	v12 =	vand.u32 $0xFFFFFE00, v12  }
0x47: {  	v13 =	vor.u32 $0x80, v6;
	v5 =	vor.u32 v5, v12;
	v12 =	vld [tilespmem:s0+$0xFFFFFFE0]  }
0x48: {  	v15 =	vshll.u32 v10, $0x10  }
0x49: {  	v14 =	vld [tilespmem:s28+$0xFFFFFFE0];
	v16 =	vshll.u32 v11, $0x2;
	v10 =	vand.u32 $0xFFFF0000, v10;
	v15 =	vmul.f32 v15, v1  }
0x4a: {  	v19 =	vor.u32 $0x80, v7;
	v18 =	vld.idx.msk [tilespmem:v8+s1+$0x0], $0xffff;
	v10 =	vmul.f32 v10, v1;
	v7 =	vshll.u32 v4, $0x10  }
0x4b: {  	v20 =	vor.u32 $0x80, v9;
	v17 =	vor.u32 $0x80, v5;
	[tilespmem:v6+s22+$0x0] =	vst.idx.add.f32.msk $0xffff, v15;
	v9 =	vmul.f32 v7, v3  }
0x4c: {  	v7 =	vand.u32 $0x7F, v11;
	v11 =	vand.u32 $0xFFFFFE00, v16;
	[tilespmem:v13+s22+$0x0] =	vst.idx.add.f32.msk $0xffff, v10;
	v10 =	vshll.u32 v12, $0x1  }
0x4d: {  	v2 =	vld [tilespmem:s29+$0xFFFFFFE0];
	v7 =	vor.u32 v7, v11;
	v11 =	vand.u32 $0x7F, v12;
	v10 =	vand.u32 $0xFFFFFF00, v10  }
0x4e: {  	v15 =	vand.u32 $0xFFFF0000, v4;
	v4 =	vld [tilespmem:s29+$0xFFFFFFF0];
	v10 =	vor.u32 v11, v10  }
0x4f: {  	v15 =	vmul.f32 v15, v3;
	[tilespmem:v5+s22+$0x0] =	vst.idx.add.f32.msk $0xffff, v9  }
0x50: {  	v12 =	vld.idx.msk [tilespmem:v19+s1+$0x0], $0xffff  }
0x51: {  	v13 =	vand.u32 $0x7F, v14;
	v16 =	vshll.u32 v18, $0x10;
	[tilespmem:v17+s22+$0x0] =	vst.idx.add.f32.msk $0xffff, v15;
	v11 =	vshll.u32 v14, $0x2  }
0x52: {  	s30 =	simm.s32 $0x0;
	s31 =	simm.s32 $0xED60;
	v9 =	vor.u32 $0x80, v7;
	v14 =	vand.u32 $0xFFFF0000, v18;
	v15 =	vand.u32 $0xFFFFFE00, v11;
	v11 =	vld.idx.msk [tilespmem:v20+s1+$0x0], $0xffff  }
.LBB2_5:
0x53: {  	s30 =	sadd.s32 $0x4, s30;
	v17 =	vld.idx.msk [tilespmem:v10+s1+$0x0], $0xffff;
	s29 =	sadd.s32 $0x40, s29;
	s28 =	sadd.s32 $0x40, s28  }
0x54: {  	v13 =	vor.u32 v13, v15;
	v15 =	vmul.f32 v16, v4;
	v18 =	vld [tilespmem:s29+$0x0];
	p0 =	slt.u32 s30, $0xFC  }
0x55: {  	v19 =	vor.u32 $0x80, v13;
	v16 =	vld [tilespmem:s28+$0xFFFFFFF0]  }
0x56: {  	v14 =	vmul.f32 v14, v4;
	v20 =	vld [tilespmem:s28+$0x0]  }
0x57: {  	v8 =	vor.u32 $0x80, v8;
	[tilespmem:v7+s22+$0x0] =	vst.idx.add.f32.msk $0xffff, v15;
	v15 =	vand.u32 $0xFFFF0000, v12  }
0x58: {  	v12 =	vshll.u32 v12, $0x10;
	v22 =	vshll.u32 v11, $0x10;
	v21 =	vld [tilespmem:s28+$0x10];
	v15 =	vmul.f32 v15, v1  }
0x59: {  	v11 =	vand.u32 $0xFFFF0000, v11;
	v24 =	vshll.u32 v17, $0x10;
	v17 =	vand.u32 $0xFFFF0000, v17;
	v23 =	vld [tilespmem:s31+$0xFFFFFFF0]  }
0x5a: {  	v10 =	vor.u32 $0x80, v10;
	v24 =	vmul.f32 v24, v2;
	[tilespmem:v9+s22+$0x0] =	vst.idx.add.f32.msk $0xffff, v14;
	v9 =	vmul.f32 v11, v3  }
0x5b: {  	v3 =	vmul.f32 v22, v3;
	v11 =	vld [tilespmem:s31+$0x0]  }
0x5c: {  	v14 =	vmul.f32 v17, v2;
	v17 =	vor.u32 $0x100, v5;
	[tilespmem:v13+s22+$0x0] =	vst.idx.add.f32.msk $0xffff, v24  }
0x5d: {  	v24 =	vor.u32 $0x100, v6;
	v22 =	vld [tilespmem:s31+$0x10]  }
0x5e: {  	[tilespmem:v19+s22+$0x0] =	vst.idx.add.f32.msk $0xffff, v14;
	v14 =	vor.u32 $0x100, v7;
	v19 =	vor.u32 $0x180, v7  }
0x5f: {  	v25 =	vor.u32 $0x180, v13;
	v5 =	vor.u32 $0x180, v5;
	v6 =	vor.u32 $0x180, v6;
	v10 =	vld.idx.msk [tilespmem:v10+s1+$0x0], $0xffff  }
0x60: {  	v12 =	vmul.f32 v12, v1;
	v1 =	vmovc v18;
	v7 =	vand.u32 $0x7F, v11;
	v11 =	vshll.u32 v11, $0x1;
	v8 =	vld.idx.msk [tilespmem:v8+s1+$0x0], $0xffff  }
0x61: {  	v13 =	vor.u32 $0x100, v13;
	v18 =	vand.u32 $0x7F, v23;
	v11 =	vand.u32 $0xFFFFFF00, v11;
	[tilespmem:v17+s22+$0x0] =	vst.idx.add.f32.msk $0xffff, v3  }
0x62: {  	v17 =	vshll.u32 v23, $0x1;
	v11 =	vor.u32 v7, v11;
	v7 =	vshll.u32 v22, $0x1;
	[tilespmem:v24+s22+$0x0] =	vst.idx.add.f32.msk $0xffff, v12  }
0x63: {  	v12 =	vshll.u32 v20, $0x2;
	v22 =	vand.u32 $0x7F, v22;
	v3 =	vld [tilespmem:s29+$0x10];
	v7 =	vand.u32 $0xFFFFFF00, v7  }
0x64: {  	v23 =	vand.u32 $0x7F, v21;
	v22 =	vor.u32 v22, v7;
	v7 =	vshll.u32 v21, $0x2;
	[tilespmem:v6+s22+$0x0] =	vst.idx.add.f32.msk $0xffff, v15  }
0x65: {  	v6 =	vand.u32 $0x7F, v16;
	v15 =	vshll.u32 v16, $0x2;
	v16 =	vshll.u32 v10, $0x10;
	[tilespmem:v5+s22+$0x0] =	vst.idx.add.f32.msk $0xffff, v9  }
0x66: {  	v5 =	vand.u32 $0xFFFFFE00, v15;
	v15 =	vand.u32 $0xFFFFFE00, v7;
	v21 =	vand.u32 $0xFFFF0000, v8;
	v9 =	vld [tilespmem:s29+$0xFFFFFFE0]  }
0x67: {  	v7 =	vor.u32 v6, v5;
	v6 =	vand.u32 $0xFFFFFE00, v12;
	v12 =	vshll.u32 v8, $0x10;
	v24 =	vld.idx.msk [tilespmem:v11+s1+$0x0], $0xffff  }
0x68: {  	v8 =	vand.u32 $0x7F, v20;
	v5 =	vor.u32 v23, v15;
	v15 =	vmul.f32 v16, v2;
	v26 =	vld [tilespmem:s28+$0xFFFFFFE0]  }
0x69: {  	v10 =	vand.u32 $0xFFFF0000, v10;
	v16 =	vand.u32 $0xFFFFFF00, v17;
	v6 =	vor.u32 v8, v6;
	v17 =	vld.idx.msk [tilespmem:v22+s1+$0x0], $0xffff  }
0x6a: {  	v8 =	vor.u32 v18, v16;
	v12 =	vmul.f32 v12, v4;
	[tilespmem:v13+s22+$0x0] =	vst.idx.add.f32.msk $0xffff, v15  }
0x6b: {  	v10 =	vmul.f32 v10, v2;
	v4 =	vmul.f32 v21, v4;
	v15 =	vor.u32 $0x80, v6;
	v13 =	vld [tilespmem:s31+$0xFFFFFFE0];
	v2 =	vmovc v9  }
0x6c: {  	v16 =	vor.u32 $0x80, v5;
	[tilespmem:v14+s22+$0x0] =	vst.idx.add.f32.msk $0xffff, v12  }
0x6d: {  	v9 =	vor.u32 $0x80, v7;
	v12 =	vshll.u32 v24, $0x10;
	v14 =	vand.u32 $0xFFFF0000, v24;
	[tilespmem:v25+s22+$0x0] =	vst.idx.add.f32.msk $0xffff, v10  }
0x6e: {  	v11 =	vor.u32 $0x80, v11;
	v10 =	vmul.f32 v12, v1;
	[tilespmem:v19+s22+$0x0] =	vst.idx.add.f32.msk $0xffff, v4  }
0x6f: {  	v18 =	vor.u32 $0x80, v22;
	v4 =	vshll.u32 v17, $0x10;
	v17 =	vand.u32 $0xFFFF0000, v17;
	v12 =	vld.idx.msk [tilespmem:v8+s1+$0x0], $0xffff  }
0x70: {  	v14 =	vmul.f32 v14, v1;
	v20 =	vmul.f32 v4, v3;
	v19 =	vshll.u32 v13, $0x1;
	[tilespmem:v6+s22+$0x0] =	vst.idx.add.f32.msk $0xffff, v10  }
0x71: {  	v17 =	vmul.f32 v17, v3;
	v10 =	vand.u32 $0x7F, v13;
	v13 =	vand.u32 $0xFFFFFF00, v19;
	v4 =	vld [tilespmem:s29+$0xFFFFFFF0]  }
.Ltmp3:
0x72: {  	v10 =	vor.u32 v10, v13;
	[tilespmem:v15+s22+$0x0] =	vst.idx.add.f32.msk $0xffff, v14;
	(pc) =	sbr.rel @p0 .LBB2_5-.Ltmp3, $4  }
0x73: {  	v13 =	vand.u32 $0x7F, v26;
	v14 =	vshll.u32 v26, $0x2;
	[tilespmem:v5+s22+$0x0] =	vst.idx.add.f32.msk $0xffff, v20  }
0x74: {  	v15 =	vand.u32 $0xFFFFFE00, v14;
	[tilespmem:v16+s22+$0x0] =	vst.idx.add.f32.msk $0xffff, v17  }
0x75: {  	v16 =	vshll.u32 v12, $0x10;
	v14 =	vand.u32 $0xFFFF0000, v12;
	v12 =	vld.idx.msk [tilespmem:v11+s1+$0x0], $0xffff  }
0x76: {  	s31 =	sadd.s32 $0x40, s31;
	v11 =	vld.idx.msk [tilespmem:v18+s1+$0x0], $0xffff  }
0x77: {  	_ =	sdelay $0x3  }
0x78: {  	v17 =	vld.idx.msk [tilespmem:v10+s1+$0x0], $0xffff;
	_ =	sdelay $0x2  }
0x79: {  	v13 =	vor.u32 v13, v15  }
0x7a: {  	v15 =	vmul.f32 v16, v4;
	v16 =	vor.u32 $0x80, v13  }
0x7b: {  	v14 =	vmul.f32 v14, v4;
	v10 =	vor.u32 $0x80, v10;
	v18 =	vshll.u32 v17, $0x10  }
0x7c: {  	v8 =	vor.u32 $0x80, v8;
	[tilespmem:v7+s22+$0x0] =	vst.idx.add.f32.msk $0xffff, v15;
	v15 =	vand.u32 $0xFFFF0000, v17;
	v17 =	vmul.f32 v18, v2  }
0x7d: {  	[tilespmem:v9+s22+$0x0] =	vst.idx.add.f32.msk $0xffff, v14;
	v9 =	vmul.f32 v15, v2  }
0x7e: {  	[tilespmem:v13+s22+$0x0] =	vst.idx.add.f32.msk $0xffff, v17  }
0x7f: {  	v14 =	vor.u32 $0x100, v5;
	[tilespmem:v16+s22+$0x0] =	vst.idx.add.f32.msk $0xffff, v9  }
0x80: {  	v9 =	vor.u32 $0x100, v6;
	v10 =	vld.idx.msk [tilespmem:v10+s1+$0x0], $0xffff  }
0x81: {  	v8 =	vld.idx.msk [tilespmem:v8+s1+$0x0], $0xffff;
	v15 =	vshll.u32 v11, $0x10;
	v6 =	vor.u32 $0x180, v6  }
0x82: {  	v5 =	vor.u32 $0x180, v5;
	v15 =	vmul.f32 v15, v3;
	v16 =	vshll.u32 v12, $0x10  }
0x83: {  	v17 =	vor.u32 $0x100, v13;
	v12 =	vand.u32 $0xFFFF0000, v12;
	v16 =	vmul.f32 v16, v1  }
0x84: {  	v11 =	vand.u32 $0xFFFF0000, v11;
	[tilespmem:v14+s22+$0x0] =	vst.idx.add.f32.msk $0xffff, v15;
	v1 =	vmul.f32 v12, v1;
	v12 =	vor.u32 $0x100, v7  }
0x85: {  	v3 =	vmul.f32 v11, v3;
	v11 =	vor.u32 $0x180, v13;
	[tilespmem:v9+s22+$0x0] =	vst.idx.add.f32.msk $0xffff, v16;
	v9 =	vshll.u32 v10, $0x10  }
0x86: {  	v7 =	vor.u32 $0x180, v7;
	[tilespmem:v6+s22+$0x0] =	vst.idx.add.f32.msk $0xffff, v1;
	v1 =	vshll.u32 v8, $0x10;
	v6 =	vmul.f32 v9, v2  }
0x87: {  	[tilespmem:v5+s22+$0x0] =	vst.idx.add.f32.msk $0xffff, v3;
	v3 =	vand.u32 $0xFFFF0000, v10;
	v1 =	vmul.f32 v1, v4  }
0x88: {  	v5 =	vand.u32 $0xFFFF0000, v8;
	v2 =	vmul.f32 v3, v2;
	[tilespmem:v17+s22+$0x0] =	vst.idx.add.f32.msk $0xffff, v6  }
0x89: {  	s28 =	sshll.u32 s26, $0xA;
	p0 =	seq.s32 s26, $0x28;
	v3 =	vmul.f32 v5, v4;
	[tilespmem:v12+s22+$0x0] =	vst.idx.add.f32.msk $0xffff, v1  }
0x8a: {  	s0 =	sadd.s32 @!p0 $0x400, s28;
	[tilespmem:v11+s22+$0x0] =	vst.idx.add.f32.msk $0xffff, v2  }
0x8b: {  	s30 =	simm.s32 @!p0 $0x0;
	s31 =	simm.s32 @!p0 $0xED00;
	s29 =	sadd.s32 @!p0 s3, s0;
	[tilespmem:v7+s22+$0x0] =	vst.idx.add.f32.msk $0xffff, v3  }
0x8c: {  	[tilespmem:s31], [sflag:$0x1] =	stream.linear.gather @!p0 [hbm4b:s29+s30], $0x1000, $0x38;
	[tilespmem:$0x14D00] =	vst v63  }
0x8d: {  	s29 =	sadd.s32 @!p0 s4, s0;
	s31 =	simm.s32 @!p0 $0x10D00  }
0x8e: {  	[tilespmem:s31], [sflag:$0x1] =	stream.linear.gather @!p0 [hbm4b:s29+s30], $0x1000, $0x38;
	[tilespmem:$0x14D00] =	vst v63  }
0x8f: {  	s0 =	sadd.s32 @!p0 s5, s0;
	s29 =	simm.s32 @!p0 $0x12D00  }
0x90: {  	[tilespmem:s29], [sflag:$0x1] =	stream.linear.gather @!p0 [hbm4b:s0+s30], $0x1000, $0x38;
	[tilespmem:$0x14D00] =	vst v63  }
0x91: {  	_ =	swait.ge [sflag:s23], $0x1000  }
0x92: {  	[sflag:s23] =	ssyncset.done $0x0  }
0x93: {  	[sflag:s23] =	ssyncadd.s32 $0xFFFFF000  }
0x94: {  	_ =	swait.ge [sflag:s23], $0x1000  }
0x95: {  	[sflag:s23] =	ssyncset.done $0x0  }
0x96: {  	[sflag:s23] =	ssyncadd.s32 $0xFFFFF000  }
0x97: {  	_ =	swait.ge [sflag:s23], $0x1000  }
0x98: {  	[sflag:s23] =	ssyncset.done $0x0  }
0x99: {  	s0 =	simm.s32 $0xFD30;
	[sflag:s23] =	ssyncadd.s32 $0xFFFFF000  }
0x9a: {  	v1 =	vld [tilespmem:s0+$0xFFFFFFF0];
	_ =	sdelay $0x1  }
0x9b: {  	v2 =	vld [tilespmem:s0+$0x0];
	_ =	sdelay $0x2  }
0x9c: {  	v3 =	vshll.u32 v1, $0x1  }
0x9d: {  	s29 =	simm.s32 $0x11D30;
	v4 =	vld [tilespmem:s0+$0xFFFFFFE0];
	v1 =	vand.u32 $0x7F, v1;
	v3 =	vand.u32 $0xFFFFFF00, v3  }
0x9e: {  	v5 =	vld [tilespmem:s29+$0xFFFFFFF0];
	v7 =	vor.u32 v1, v3;
	v1 =	vshll.u32 v2, $0x1  }
0x9f: {  	v2 =	vand.u32 $0x7F, v2;
	v3 =	vand.u32 $0xFFFFFF00, v1  }
0xa0: {  	v9 =	vor.u32 v2, v3;
	v2 =	vld [tilespmem:s29+$0x0];
	_ =	sdelay $0x1  }
0xa1: {  	v11 =	vld [tilespmem:s29+$0xFFFFFFE0]  }
0xa2: {  	s30 =	simm.s32 $0x13D30;
	v6 =	vshll.u32 v5, $0x2;
	v3 =	vshll.u32 v4, $0x1;
	v10 =	vld.idx.msk [tilespmem:v7+s1+$0x0], $0xffff  }
0xa3: {  	v5 =	vand.u32 $0x7F, v5;
	v1 =	vld [tilespmem:s30+$0xFFFFFFF0];
	v4 =	vand.u32 $0x7F, v4;
	v8 =	vand.u32 $0xFFFFFF00, v3  }
0xa4: {  	v6 =	vand.u32 $0xFFFFFE00, v6;
	v8 =	vor.u32 v4, v8;
	v4 =	vld.idx.msk [tilespmem:v9+s1+$0x0], $0xffff;
	v12 =	vshll.u32 v2, $0x2  }
0xa5: {  	v6 =	vor.u32 v5, v6;
	v3 =	vld [tilespmem:s30+$0x0];
	v5 =	vand.u32 $0x7F, v2;
	v12 =	vand.u32 $0xFFFFFE00, v12  }
0xa6: {  	v13 =	vor.u32 $0x80, v6;
	v5 =	vor.u32 v5, v12;
	v12 =	vld [tilespmem:s0+$0xFFFFFFD0]  }
0xa7: {  	v15 =	vshll.u32 v10, $0x10  }
0xa8: {  	v14 =	vld [tilespmem:s29+$0xFFFFFFD0];
	v16 =	vshll.u32 v11, $0x2;
	v10 =	vand.u32 $0xFFFF0000, v10;
	v15 =	vmul.f32 v15, v1  }
0xa9: {  	v19 =	vor.u32 $0x80, v7;
	v18 =	vld.idx.msk [tilespmem:v8+s1+$0x0], $0xffff;
	v10 =	vmul.f32 v10, v1;
	v7 =	vshll.u32 v4, $0x10  }
0xaa: {  	v20 =	vor.u32 $0x80, v9;
	v17 =	vor.u32 $0x80, v5;
	[tilespmem:v6+s22+$0x0] =	vst.idx.add.f32.msk $0xffff, v15;
	v9 =	vmul.f32 v7, v3  }
0xab: {  	v7 =	vand.u32 $0x7F, v11;
	v11 =	vand.u32 $0xFFFFFE00, v16;
	[tilespmem:v13+s22+$0x0] =	vst.idx.add.f32.msk $0xffff, v10;
	v10 =	vshll.u32 v12, $0x1  }
0xac: {  	v2 =	vld [tilespmem:s30+$0xFFFFFFD0];
	v7 =	vor.u32 v7, v11;
	v11 =	vand.u32 $0x7F, v12;
	v10 =	vand.u32 $0xFFFFFF00, v10  }
0xad: {  	v15 =	vand.u32 $0xFFFF0000, v4;
	v4 =	vld [tilespmem:s30+$0xFFFFFFE0];
	v10 =	vor.u32 v11, v10  }
0xae: {  	v15 =	vmul.f32 v15, v3;
	[tilespmem:v5+s22+$0x0] =	vst.idx.add.f32.msk $0xffff, v9  }
0xaf: {  	v12 =	vld.idx.msk [tilespmem:v19+s1+$0x0], $0xffff  }
0xb0: {  	v13 =	vand.u32 $0x7F, v14;
	v16 =	vshll.u32 v18, $0x10;
	[tilespmem:v17+s22+$0x0] =	vst.idx.add.f32.msk $0xffff, v15;
	v11 =	vshll.u32 v14, $0x2  }
0xb1: {  	s31 =	simm.s32 $0x0;
	s0 =	simm.s32 $0xFD70;
	v9 =	vor.u32 $0x80, v7;
	v14 =	vand.u32 $0xFFFF0000, v18;
	v15 =	vand.u32 $0xFFFFFE00, v11;
	v11 =	vld.idx.msk [tilespmem:v20+s1+$0x0], $0xffff  }
.LBB2_7:
0xb2: {  	s31 =	sadd.s32 $0x4, s31;
	v17 =	vld.idx.msk [tilespmem:v10+s1+$0x0], $0xffff;
	s30 =	sadd.s32 $0x40, s30;
	s29 =	sadd.s32 $0x40, s29  }
0xb3: {  	v13 =	vor.u32 v13, v15;
	v15 =	vmul.f32 v16, v4;
	v18 =	vld [tilespmem:s30+$0xFFFFFFF0];
	p1 =	slt.u32 s31, $0xFC  }
0xb4: {  	v19 =	vor.u32 $0x80, v13;
	v16 =	vld [tilespmem:s29+$0xFFFFFFE0]  }
0xb5: {  	v14 =	vmul.f32 v14, v4;
	v20 =	vld [tilespmem:s29+$0xFFFFFFF0]  }
0xb6: {  	v8 =	vor.u32 $0x80, v8;
	[tilespmem:v7+s22+$0x0] =	vst.idx.add.f32.msk $0xffff, v15;
	v15 =	vand.u32 $0xFFFF0000, v12  }
0xb7: {  	v12 =	vshll.u32 v12, $0x10;
	v22 =	vshll.u32 v11, $0x10;
	v21 =	vld [tilespmem:s29+$0x0];
	v15 =	vmul.f32 v15, v1  }
0xb8: {  	v11 =	vand.u32 $0xFFFF0000, v11;
	v24 =	vshll.u32 v17, $0x10;
	v17 =	vand.u32 $0xFFFF0000, v17;
	v23 =	vld [tilespmem:s0+$0xFFFFFFE0]  }
0xb9: {  	v10 =	vor.u32 $0x80, v10;
	v24 =	vmul.f32 v24, v2;
	[tilespmem:v9+s22+$0x0] =	vst.idx.add.f32.msk $0xffff, v14;
	v9 =	vmul.f32 v11, v3  }
0xba: {  	v3 =	vmul.f32 v22, v3;
	v11 =	vld [tilespmem:s0+$0xFFFFFFF0]  }
0xbb: {  	v14 =	vmul.f32 v17, v2;
	v17 =	vor.u32 $0x100, v5;
	[tilespmem:v13+s22+$0x0] =	vst.idx.add.f32.msk $0xffff, v24  }
0xbc: {  	v24 =	vor.u32 $0x100, v6;
	v22 =	vld [tilespmem:s0+$0x0]  }
0xbd: {  	[tilespmem:v19+s22+$0x0] =	vst.idx.add.f32.msk $0xffff, v14;
	v14 =	vor.u32 $0x100, v7;
	v19 =	vor.u32 $0x180, v7  }
0xbe: {  	v25 =	vor.u32 $0x180, v13;
	v5 =	vor.u32 $0x180, v5;
	v6 =	vor.u32 $0x180, v6;
	v10 =	vld.idx.msk [tilespmem:v10+s1+$0x0], $0xffff  }
0xbf: {  	v12 =	vmul.f32 v12, v1;
	v1 =	vmovc v18;
	v7 =	vand.u32 $0x7F, v11;
	v11 =	vshll.u32 v11, $0x1;
	v8 =	vld.idx.msk [tilespmem:v8+s1+$0x0], $0xffff  }
0xc0: {  	v13 =	vor.u32 $0x100, v13;
	v18 =	vand.u32 $0x7F, v23;
	v11 =	vand.u32 $0xFFFFFF00, v11;
	[tilespmem:v17+s22+$0x0] =	vst.idx.add.f32.msk $0xffff, v3  }
0xc1: {  	v17 =	vshll.u32 v23, $0x1;
	v11 =	vor.u32 v7, v11;
	v7 =	vshll.u32 v22, $0x1;
	[tilespmem:v24+s22+$0x0] =	vst.idx.add.f32.msk $0xffff, v12  }
0xc2: {  	v12 =	vshll.u32 v20, $0x2;
	v22 =	vand.u32 $0x7F, v22;
	v3 =	vld [tilespmem:s30+$0x0];
	v7 =	vand.u32 $0xFFFFFF00, v7  }
0xc3: {  	v23 =	vand.u32 $0x7F, v21;
	v22 =	vor.u32 v22, v7;
	v7 =	vshll.u32 v21, $0x2;
	[tilespmem:v6+s22+$0x0] =	vst.idx.add.f32.msk $0xffff, v15  }
0xc4: {  	v6 =	vand.u32 $0x7F, v16;
	v15 =	vshll.u32 v16, $0x2;
	v16 =	vshll.u32 v10, $0x10;
	[tilespmem:v5+s22+$0x0] =	vst.idx.add.f32.msk $0xffff, v9  }
0xc5: {  	v5 =	vand.u32 $0xFFFFFE00, v15;
	v15 =	vand.u32 $0xFFFFFE00, v7;
	v21 =	vand.u32 $0xFFFF0000, v8;
	v9 =	vld [tilespmem:s30+$0xFFFFFFD0]  }
0xc6: {  	v7 =	vor.u32 v6, v5;
	v6 =	vand.u32 $0xFFFFFE00, v12;
	v12 =	vshll.u32 v8, $0x10;
	v24 =	vld.idx.msk [tilespmem:v11+s1+$0x0], $0xffff  }
0xc7: {  	v8 =	vand.u32 $0x7F, v20;
	v5 =	vor.u32 v23, v15;
	v15 =	vmul.f32 v16, v2;
	v26 =	vld [tilespmem:s29+$0xFFFFFFD0]  }
0xc8: {  	v10 =	vand.u32 $0xFFFF0000, v10;
	v16 =	vand.u32 $0xFFFFFF00, v17;
	v6 =	vor.u32 v8, v6;
	v17 =	vld.idx.msk [tilespmem:v22+s1+$0x0], $0xffff  }
0xc9: {  	v8 =	vor.u32 v18, v16;
	v12 =	vmul.f32 v12, v4;
	[tilespmem:v13+s22+$0x0] =	vst.idx.add.f32.msk $0xffff, v15  }
0xca: {  	v10 =	vmul.f32 v10, v2;
	v4 =	vmul.f32 v21, v4;
	v15 =	vor.u32 $0x80, v6;
	v13 =	vld [tilespmem:s0+$0xFFFFFFD0];
	v2 =	vmovc v9  }
0xcb: {  	v16 =	vor.u32 $0x80, v5;
	[tilespmem:v14+s22+$0x0] =	vst.idx.add.f32.msk $0xffff, v12  }
0xcc: {  	v9 =	vor.u32 $0x80, v7;
	v12 =	vshll.u32 v24, $0x10;
	v14 =	vand.u32 $0xFFFF0000, v24;
	[tilespmem:v25+s22+$0x0] =	vst.idx.add.f32.msk $0xffff, v10  }
0xcd: {  	v11 =	vor.u32 $0x80, v11;
	v10 =	vmul.f32 v12, v1;
	[tilespmem:v19+s22+$0x0] =	vst.idx.add.f32.msk $0xffff, v4  }
0xce: {  	v18 =	vor.u32 $0x80, v22;
	v4 =	vshll.u32 v17, $0x10;
	v17 =	vand.u32 $0xFFFF0000, v17;
	v12 =	vld.idx.msk [tilespmem:v8+s1+$0x0], $0xffff  }
0xcf: {  	v14 =	vmul.f32 v14, v1;
	v20 =	vmul.f32 v4, v3;
	v19 =	vshll.u32 v13, $0x1;
	[tilespmem:v6+s22+$0x0] =	vst.idx.add.f32.msk $0xffff, v10  }
0xd0: {  	v17 =	vmul.f32 v17, v3;
	v10 =	vand.u32 $0x7F, v13;
	v13 =	vand.u32 $0xFFFFFF00, v19;
	v4 =	vld [tilespmem:s30+$0xFFFFFFE0]  }
.Ltmp4:
0xd1: {  	v10 =	vor.u32 v10, v13;
	[tilespmem:v15+s22+$0x0] =	vst.idx.add.f32.msk $0xffff, v14;
	(pc) =	sbr.rel @p1 .LBB2_7-.Ltmp4, $4  }
0xd2: {  	v13 =	vand.u32 $0x7F, v26;
	v14 =	vshll.u32 v26, $0x2;
	[tilespmem:v5+s22+$0x0] =	vst.idx.add.f32.msk $0xffff, v20  }
0xd3: {  	v15 =	vand.u32 $0xFFFFFE00, v14;
	[tilespmem:v16+s22+$0x0] =	vst.idx.add.f32.msk $0xffff, v17  }
0xd4: {  	v16 =	vshll.u32 v12, $0x10;
	v14 =	vand.u32 $0xFFFF0000, v12;
	v12 =	vld.idx.msk [tilespmem:v11+s1+$0x0], $0xffff  }
0xd5: {  	s0 =	sadd.s32 $0x40, s0;
	v11 =	vld.idx.msk [tilespmem:v18+s1+$0x0], $0xffff  }
0xd6: {  	_ =	sdelay $0x3  }
0xd7: {  	v17 =	vld.idx.msk [tilespmem:v10+s1+$0x0], $0xffff;
	_ =	sdelay $0x1  }
0xd8: {  	v8 =	vor.u32 $0x80, v8  }
0xd9: {  	v13 =	vor.u32 v13, v15;
	v43 =	vmul.f32 v16, v4  }
0xda: {  	v14 =	vmul.f32 v14, v4;
	v44 =	vor.u32 $0x80, v13  }
0xdb: {  	v45 =	vor.u32 $0x80, v10;
	[tilespmem:v7+s22+$0x0] =	vst.idx.add.f32.msk $0xffff, v43;
	v18 =	vshll.u32 v17, $0x10  }
0xdc: {  	[tilespmem:v9+s22+$0x0] =	vst.idx.add.f32.msk $0xffff, v14;
	v46 =	vand.u32 $0xFFFF0000, v17;
	v47 =	vmul.f32 v18, v2  }
0xdd: {  	v8 =	vld.idx.msk [tilespmem:v8+s1+$0x0], $0xffff;
	v48 =	vmul.f32 v46, v2  }
0xde: {  	v50 =	vor.u32 $0x100, v6;
	[tilespmem:v13+s22+$0x0] =	vst.idx.add.f32.msk $0xffff, v47  }
0xdf: {  	v52 =	vor.u32 $0x180, v6;
	[tilespmem:v44+s22+$0x0] =	vst.idx.add.f32.msk $0xffff, v48  }
0xe0: {  	v49 =	vor.u32 $0x100, v5;
	v53 =	vshll.u32 v12, $0x10;
	v10 =	vld.idx.msk [tilespmem:v45+s1+$0x0], $0xffff  }
0xe1: {  	v54 =	vor.u32 $0x180, v5;
	v55 =	vand.u32 $0xFFFF0000, v12;
	v16 =	vmul.f32 v53, v1  }
0xe2: {  	v58 =	vor.u32 $0x100, v7;
	v51 =	vshll.u32 v11, $0x10;
	v1 =	vmul.f32 v55, v1  }
0xe3: {  	v56 =	vor.u32 $0x100, v13;
	v57 =	vand.u32 $0xFFFF0000, v11;
	v15 =	vmul.f32 v51, v3;
	[tilespmem:v50+s22+$0x0] =	vst.idx.add.f32.msk $0xffff, v16  }
0xe4: {  	v61 =	vor.u32 $0x180, v7;
	v3 =	vmul.f32 v57, v3;
	[tilespmem:v52+s22+$0x0] =	vst.idx.add.f32.msk $0xffff, v1;
	v1 =	vshll.u32 v8, $0x10  }
0xe5: {  	v59 =	vor.u32 $0x180, v13;
	[tilespmem:v49+s22+$0x0] =	vst.idx.add.f32.msk $0xffff, v15;
	v1 =	vmul.f32 v1, v4;
	v60 =	vshll.u32 v10, $0x10  }
.Ltmp5:
0xe6: {  	[tilespmem:v54+s22+$0x0] =	vst.idx.add.f32.msk $0xffff, v3;
	v63 =	vand.u32 $0xFFFF0000, v8;
	v3 =	vand.u32 $0xFFFF0000, v10;
	v62 =	vmul.f32 v60, v2;
	(pc) =	sbr.rel @p0 .LBB2_10-.Ltmp5, $4  }
0xe7: {  	[tilespmem:v58+s22+$0x0] =	vst.idx.add.f32.msk $0xffff, v1;
	v2 =	vmul.f32 v3, v2;
	v3 =	vmul.f32 v63, v4  }
0xe8: {  	[tilespmem:v56+s22+$0x0] =	vst.idx.add.f32.msk $0xffff, v62  }
0xe9: {  	[tilespmem:v61+s22+$0x0] =	vst.idx.add.f32.msk $0xffff, v3  }
0xea: {  	[tilespmem:v59+s22+$0x0] =	vst.idx.add.f32.msk $0xffff, v2  }
0xeb: {  	s0 =	sadd.s32 $0x600, s28  }
0xec: {  	s28 =	sadd.s32 s3, s0  }
0xed: {  	[tilespmem:s18], [sflag:$0x2] =	stream.linear.gather [hbm4b:s28+s1], $0x1000, $0x38;
	[tilespmem:$0x14D00] =	vst v63  }
.Ltmp6:
0xee: {  	_ = 	snop;
	(pc) =	sbr.rel .LBB2_4-.Ltmp6, $4  }
0xef: {  	s31 =	sadd.s32 s4, s0  }
0xf0: {  	[tilespmem:s19], [sflag:$0x2] =	stream.linear.gather [hbm4b:s31+s1], $0x1000, $0x38;
	[tilespmem:$0x14D00] =	vst v63  }
0xf1: {  	s26 =	sadd.s32 $0x1, s26;
	s0 =	sadd.s32 s5, s0  }
0xf2: {  	[tilespmem:s20], [sflag:$0x2] =	stream.linear.gather [hbm4b:s0+s1], $0x1000, $0x38;
	[tilespmem:$0x14D00] =	vst v63  }
.LBB2_11:
0xf3: {  	_ =	sfence.sel $0x180000  }
0xf4: {  	[bflag:$0x0] =	sbarrier.arrive $0xFFFF  }
0xf5: {  	_ =	strace $0x9000004A  }
0xf6: {  	[bflag:$0x2] =	sbarrier.arrive $0xFFFF  }
0xf7: {  	p0 =	sne.s32 s2, $0x0;
	s0 =	rddreg [dreg:$0x2]  }
0xf8: {  	s0 =	sadd.s32 @!p0 $0x100000, s0  }
0xf9: {  	[sflag:s0] =	ssyncadd.tile.s32 @!p0 $0x1;
	_ =	shalt  }
.Lfunc_end2:
_tile_overlayer_lowered:
.L_overlay_start_2:
0xfa: {  	(tag) =	ssettag $0x2  }
0xfb: {  	s0 =	rddreg [dreg:$0x0];
	s2 =	stileid.u32  }
0xfc: {  	s1 =	rddreg [dreg:$0x1];
	p0 =	sne.s32 s2, $0x0  }
0xfd: {  	s3 =	rddreg [dreg:$0x2];
	[bflag:$0x3] =	sbarrier.arrive $0xFFFF;
	s2 =	simm.s32 @!p0 $0x1C03  }
0xfe: {  	[timem:s3], [sflag:s2] =	dma.local @!p0 [hbm:s0], s1  }
0xff: {  	s0 =	simm.s32 @!p0 $0x3  }
0x100: {  	_ =	swait.ge @!p0 [sflag:s0], s1  }
0x101: {  	s1 =	ssub.s32 @!p0 $0x0, s1;
	[sflag:s0] =	ssyncset.done @!p0 $0x0  }
0x102: {  	[sflag:s0] =	ssyncadd.s32 @!p0 s1  }
0x103: {  	[bflag:$0x3] =	sbarrier.arrive $0xFFFF  }
0x104: {  	_ =	shalt  }

// kernel: kernel.15.cloned.1.call-start
scs
__scs_entry_jumppad:
0x0: {  	(pc) =	sbr.rel $0x88, $3  }
0x1: {  	(tag) =	ssettag $0x0;
	lr =	simm.s32 $0x1  }
0x2: {  	[smem:$0x3F92] =	sst lr;
	_ =	strace $0xD0000000  }
0x3: {  	_ = 	snop  }
0x4: {  	_ = 	snop  }
0x5: {  	_ = 	snop  }
0x6: {  	_ = 	snop  }
0x7: {  	_ = 	snop  }
__scs_overlays_trampoline_lowered:
0x8: {  	[smem:$0x3FA1] =	sst s0  }
0x9: {  	[smem:$0x3FA2] =	sst s1  }
0xa: {  	[smem:$0x3FA3] =	sst s2  }
0xb: {  	[smem:$0x3FA4] =	sst s3  }
0xc: {  	[smem:$0x3FA5] =	sst s4  }
0xd: {  	[smem:$0x3FA6] =	sst s5  }
0xe: {  	[smem:$0x3FA7] =	sst s6  }
0xf: {  	[smem:$0x3FA8] =	sst s7  }
0x10: {  	[smem:$0x3FA9] =	sst s8  }
0x11: {  	[smem:$0x3FAA] =	sst s9;
	s0 =	simm.s32 @!p0 $0x0  }
0x12: {  	s1 =	sld [smem:$0x3F90];
	s0 =	simm.s32 @p0 $0x1  }
0x13: {  	[smem:$0x3FAB] =	sst s0;
	s0 =	simm.s32 @!p1 $0x0  }
0x14: {  	s2 =	sld [smem:$0x3F8F];
	s0 =	simm.s32 @p1 $0x1  }
0x15: {  	[smem:$0x3FAC] =	sst s0;
	s0 =	simm.s32 @!p2 $0x0  }
0x16: {  	s3 =	sld [smem:$0x3FDB];
	s0 =	simm.s32 @p2 $0x1  }
0x17: {  	s4 =	simm.s32 $0x1BF5;
	[smem:$0x3FAE] =	sst s0  }
0x18: {  	s0 =	sld [smem:$0x3F91];
	_ =	swait.ge [sflag:s4], $0x0  }
0x19: {  	s7 =	sld [smem:$0x3F92]  }
0x1a: {  	s8 =	sadd.s32 $0xFFFFE003, lr  }
0x1b: {  	s9 =	sadd.s32 $0xFFFFFEF7, lr;
	s5 =	simm.s32 $0xFFFFFFFF;
	p2 =	slt.u32 s8, $0xFFFFF086  }
0x1c: {  	p1 =	slt.u32 s9, $0xF7A;
	s5 =	simm.s32 @!p2 $0x0  }
0x1d: {  	s5 =	simm.s32 @p1 $0x1;
	p0 =	seq.s32 s7, s2  }
0x1e: {  	s7 =	smul.u32 @!p0 $0xF7A, s2;
	p2 =	seq.s32 @!p0 s5, $0x0  }
0x1f: {  	s9 =	smul.u32 $0xF7A, s1;
	s8 =	simm.s32 @!p0 $0x1BF5;
	p2 =	por !p2, p0  }
0x20: {  	[sflag:s8] =	ssyncset.s32 @!p0 $0xFFFFF086;
	s6 =	sadd.s32 @!p0 s3, s7;
	s7 =	simm.s32 @!p0 $0x108  }
0x21: {  	s3 =	sadd.s32 s3, s9;
	s6 =	sadd.s32 @!p0 $0x88, s6;
	s7 =	simm.s32 @p2 $0x1082  }
0x22: {  	[simem:s7], [sflag:s8] =	dma.local @!p0 [hbm:s6], $0xF7A  }
0x23: {  	s9 =	sor.u32 $0xD0000000, s2;
	s6 =	simm.s32 $0x108;
	_ =	swait.ge @!p0 [sflag:s8], $0x0  }
0x24: {  	s3 =	sadd.s32 $0x88, s3;
	s6 =	simm.s32 @!p1 $0x1082;
	[sflag:s4] =	ssyncset.s32 $0xFFFFF086  }
0x25: {  	[simem:s6], [sflag:s4] =	dma.local [hbm:s3], $0xF7A  }
0x26: {  	[smem:$0x3F92] =	sst s1;
	(tag) =	ssettag s2;
	_ =	strace s9  }
0x27: {  	s1 =	sld [smem:$0x3FA2]  }
0x28: {  	s2 =	sld [smem:$0x3FA3]  }
0x29: {  	s4 =	sld [smem:$0x3FA5]  }
0x2a: {  	p0 =	seq.s32 s5, $0x0;
	s5 =	sld [smem:$0x3FA6]  }
0x2b: {  	s6 =	sld [smem:$0x3FA7]  }
0x2c: {  	s7 =	sld [smem:$0x3FA8]  }
0x2d: {  	s3 =	simm.s32 $0x108;
	s8 =	sld [smem:$0x3FA9]  }
0x2e: {  	s3 =	simm.s32 @!p0 $0x1082;
	s9 =	sld [smem:$0x3FAA]  }
0x2f: {  	lr =	sadd.s32 s0, s3;
	s0 =	sld [smem:$0x3FA1]  }
0x30: {  	s3 =	sld [smem:$0x3FA4]  }
0x31: {  	[smem:$0x3FAD] =	sst s10  }
0x32: {  	s10 =	sld [smem:$0x3FAB];
	_ =	sdelay $0x3  }
0x33: {  	p0 =	seq.s32 s10, $0x1;
	s10 =	sld [smem:$0x3FAD];
	_ =	sdelay $0x3  }
0x34: {  	[smem:$0x3FAD] =	sst s10  }
0x35: {  	s10 =	sld [smem:$0x3FAC];
	_ =	sdelay $0x3  }
0x36: {  	p1 =	seq.s32 s10, $0x1;
	s10 =	sld [smem:$0x3FAD];
	_ =	sdelay $0x3  }
0x37: {  	[smem:$0x3FAD] =	sst s10  }
0x38: {  	s10 =	sld [smem:$0x3FAE]  }
0x39: {  	_ = 	snop;
	(pc) =	sbr.ind lr, $3  }
0x3a: {  	_ = 	snop  }
0x3b: {  	_ = 	snop  }
0x3c: {  	p2 =	seq.s32 s10, $0x1;
	s10 =	sld [smem:$0x3FAD]  }
0x3d: {  	_ =	shalt  }
0x3e: {  	_ =	shalt  }
0x3f: {  	_ =	shalt  }
0x40: {  	_ =	shalt  }
0x41: {  	_ =	shalt  }
0x42: {  	_ =	shalt  }
0x43: {  	_ =	shalt  }
0x44: {  	_ =	shalt  }
0x45: {  	_ =	shalt  }
0x46: {  	_ =	shalt  }
0x47: {  	_ =	shalt  }
0x48: {  	_ =	shalt  }
0x49: {  	_ =	shalt  }
0x4a: {  	_ =	shalt  }
0x4b: {  	_ =	shalt  }
0x4c: {  	_ =	shalt  }
0x4d: {  	_ =	shalt  }
0x4e: {  	_ =	shalt  }
0x4f: {  	_ =	shalt  }
0x50: {  	_ =	shalt  }
0x51: {  	_ =	shalt  }
0x52: {  	_ =	shalt  }
0x53: {  	_ =	shalt  }
0x54: {  	_ =	shalt  }
0x55: {  	_ =	shalt  }
0x56: {  	_ =	shalt  }
0x57: {  	_ =	shalt  }
0x58: {  	_ =	shalt  }
0x59: {  	_ =	shalt  }
0x5a: {  	_ =	shalt  }
0x5b: {  	_ =	shalt  }
0x5c: {  	_ =	shalt  }
0x5d: {  	_ =	shalt  }
0x5e: {  	_ =	shalt  }
0x5f: {  	_ =	shalt  }
0x60: {  	_ =	shalt  }
0x61: {  	_ =	shalt  }
0x62: {  	_ =	shalt  }
0x63: {  	_ =	shalt  }
0x64: {  	_ =	shalt  }
0x65: {  	_ =	shalt  }
0x66: {  	_ =	shalt  }
0x67: {  	_ =	shalt  }
0x68: {  	_ =	shalt  }
0x69: {  	_ =	shalt  }
0x6a: {  	_ =	shalt  }
0x6b: {  	_ =	shalt  }
0x6c: {  	_ =	shalt  }
0x6d: {  	_ =	shalt  }
0x6e: {  	_ =	shalt  }
0x6f: {  	_ =	shalt  }
0x70: {  	_ =	shalt  }
0x71: {  	_ =	shalt  }
0x72: {  	_ =	shalt  }
0x73: {  	_ =	shalt  }
0x74: {  	_ =	shalt  }
0x75: {  	_ =	shalt  }
0x76: {  	_ =	shalt  }
0x77: {  	_ =	shalt  }
0x78: {  	_ =	shalt  }
0x79: {  	_ =	shalt  }
0x7a: {  	_ =	shalt  }
0x7b: {  	_ =	shalt  }
0x7c: {  	_ =	shalt  }
0x7d: {  	_ =	shalt  }
0x7e: {  	_ =	shalt  }
0x7f: {  	_ =	shalt  }
0x80: {  	_ =	shalt  }
0x81: {  	_ =	shalt  }
0x82: {  	_ =	shalt  }
0x83: {  	_ =	shalt  }
0x84: {  	_ =	shalt  }
0x85: {  	_ =	shalt  }
0x86: {  	_ =	shalt  }
0x87: {  	_ =	shalt  }
.Lfunc_end0:
.L_simem_size_0:
called_computation.2_lowered:
.L_overlay_start_0:
0x88: {  	s2 =	sld [smem:$0x3FD9]  }
0x89: {  	s3 =	sld [smem:$0x3FFE];
	_ =	sdelay $0x1  }
0x8a: {  	s1 =	srdreg.scid  }
0x8b: {  	s0 =	sand.u32 $0x1, s1  }
0x8c: {  	s16 =	sshll.u32 s0, $0xA;
	s2 =	sadd.s32 s3, s2  }
0x8d: {  	s2 =	sadd.s32 s2, s16  }
0x8e: {  	[smem:$0x3FB9] =	sst s2  }
0x8f: {  	_ = 	snop  }
0x90: {  	(tm) =	ssettm $0x1  }
0x91: {  	s17 =	sld [smem:$0x3FFB];
	_ =	sdelay $0x3  }
0x92: {  	_ =	strace s17  }
0x93: {  	s2 =	sld [smem:$0x3FFC];
	_ =	sdelay $0x3  }
0x94: {  	_ =	strace s2  }
0x95: {  	s2 =	sld [smem:$0x3FFD];
	_ =	sdelay $0x3  }
0x96: {  	_ =	strace s2  }
0x97: {  	_ =	strace $0x8FFFFFFF  }
0x98: {  	s18 =	sld [smem:$0x3FDB];
	_ =	sdelay $0x1  }
0x99: {  	s19 =	simm.s32 $_scs_section_size  }
0x9a: {  	s4 =	simm.s32 $_size__tile_overlayer_lowered;
	s5 =	simm.s32 $_tile_overlayer_lowered  }
0x9b: {  	s22 =	simm.s32 $0x1BFF;
	s21 =	sshll.u32 s5, $0x1;
	s2 =	sadd.s32 s19, s18  }
0x9c: {  	s6 =	simm.s32 $0x0;
	s20 =	sshll.u32 s4, $0x1;
	s4 =	sadd.s32 s21, s2  }
0x9d: {  	[timem:s6], [sflag:s22] =	dma.local [hbm:s4], s20  }
0x9e: {  	_ =	swait.ge [sflag:s22], s20  }
0x9f: {  	s3 =	ssub.s32 $0x0, s20;
	[sflag:s22] =	ssyncset.done $0x0  }
0xa0: {  	[sflag:s22] =	ssyncadd.s32 s3;
	_ =	sdelay $0x1  }
0xa1: {  	s23 =	simm.s32 $0x1B8B  }
0xa2: {  	_ =	swait.ge [sflag:s23], $0x1  }
0xa3: {  	[sflag:s23] =	ssyncset.done $0x0  }
0xa4: {  	s25 =	simm.s32 $0x1B8E;
	s24 =	sld [smem:$0x3FFE];
	[sflag:s23] =	ssyncadd.s32 $0xFFFFFFFF  }
0xa5: {  	s26 =	simm.s32 $execute0_lowered;
	[smem:$0x3FD2] =	sst s25  }
0xa6: {  	s4 =	sshll.u32 s26, $0x1;
	_ =	strace $0x8000004C;
	[dreg:$0x1] =	wrdreg $0xFFFFFFFF  }
0xa7: {  	s28 =	simm.s32 $_size_execute0_lowered;
	s2 =	sadd.s32 s2, s4;
	[dreg:$0x0] =	wrdreg $0x0  }
0xa8: {  	s4 =	sshll.u32 s28, $0x1;
	[dreg:$0x2] =	wrdreg s2  }
0xa9: {  	[dreg:$0x3] =	wrdreg s4  }
0xaa: {  	[dreg:$0x4] =	wrdreg $0xC0  }
0xab: {  	_ =	task [dreg:s6], $0x5FFFF  }
0xac: {  	[dreg:$0x1] =	wrdreg $0xFFFFFFFF  }
0xad: {  	[dreg:$0x0] =	wrdreg $0x60  }
0xae: {  	[dreg:$0x2] =	wrdreg s24  }
0xaf: {  	[dreg:$0x3] =	wrdreg $0x9  }
0xb0: {  	_ =	task.clear_ibuf [dreg:s6], $0x4FFFF;
	_ =	strace $0x9000004C  }
0xb1: {  	s29 =	simm.s32 $0x9;
	_ =	strace $0x8000004E  }
0xb2: {  	_ =	swait.ge [sflag:s29], $0x1  }
0xb3: {  	[sflag:s29] =	ssyncadd.s32 $0xFFFFFFFF  }
0xb4: {  	_ =	strace $0x9000004E  }
0xb5: {  	_ =	sfence  }
0xb6: {  	s30 =	sld [smem:$0x0];
	_ =	sdelay $0x2  }
0xb7: {  	s31 =	sshll.u32 s1, $0xD;
	s1 =	sshrl.u32 s1, $0x2  }
0xb8: {  	s3 =	sand.u32 $0x4000, s31;
	s1 =	sadd.s32 s1, s30  }
0xb9: {  	s0 =	sor.u32 s3, s0;
	s1 =	sshll.u32 s1, $0x11  }
0xba: {  	s0 =	sor.u32 s1, s0  }
0xbb: {  	s0 =	sadd.s32 $0x8F2B, s0  }
0xbc: {  	[sflag:s0] =	ssyncadd.remote.s32 $0x1  }
0xbd: {  	_ =	sfence.sel $0xFFFF  }
0xbe: {  	[dreg:$0x0] =	wrdreg $0xFFFFFFFF;
	(pc) =	sbr.abs _section_cstart, $3  }
0xbf: {  	[dreg:$0x1] =	wrdreg $0xFFFFFFFF  }
0xc0: {  	_ =	task.clear_ibuf [dreg:s6], $0x2FFFF;
	_ =	strace $0x9FFFFFFF  }
0xc1: {  	(tm) =	ssettm $0x7FFFFFFF  }
tec
execute0_lowered:
.L_overlay_start_1:
0x0: {  	(tag) =	ssettag $0x1  }
0x1: {  	s5 =	rddreg [dreg:$0x0];
	s2 =	srdreg.scid  }
0x2: {  	s1 =	stileid.u32;
	s0 =	rddreg [dreg:$0x1];
	s11 =	simm.s32 $0x2780  }
0x3: {  	s12 =	simm.s32 $0x7680;
	s13 =	simm.s32 $0x9F80;
	s14 =	simm.s32 $0xC880  }
0x4: {  	s15 =	simm.s32 $0x1;
	s16 =	simm.s32 $0x4F00;
	s17 =	simm.s32 $0xF180  }
0x5: {  	s18 =	simm.s32 $0x2;
	s19 =	simm.s32 $0x80;
	s20 =	simm.s32 $0x400  }
0x6: {  	s21 =	simm.s32 $0x0;
	s6 =	sand.u32 $0x1, s2;
	s3 =	sshll.u32 s1, $0x1  }
0x7: {  	s2 =	simm.s32 $0x0;
	s26 =	sshrl.u32 s1, $0x2;
	s4 =	sor.u32 s6, s3  }
0x8: {  	[smem:$0x7FF] =	sst s2;
	s7 =	smul.u32 $0x13C00, s26;
	s3 =	sadd.s32 $0x15800, s5  }
0x9: {  	s6 =	ssub.s32 $0x2, s6;
	s28 =	sshll.u32 s4, $0x7;
	_ =	strace $0x8000004D  }
0xa: {  	s9 =	smul.u32 $0x520, s4;
	s31 =	sshrl.u32 s6, $0x1;
	s8 =	sand.u32 $0x380, s28  }
0xb: {  	s4 =	sadd.s32 $0x15E00, s5;
	s10 =	ssub.s32 s6, s31;
	s7 =	sor.u32 s7, s8  }
0xc: {  	s29 =	sadd.s32 s9, s5;
	s10 =	smax.u32 s10, $0x1;
	s7 =	sshrl.u32 s7, $0x3  }
0xd: {  	s6 =	sadd.s32 $0xB400, s29;
	s8 =	sadd.s32 $0x16400, s29;
	s30 =	sadd.s32 s7, s5  }
0xe: {  	v0 =	vimm.f32 $0.0e+00;
	s5 =	sadd.s32 $0x1000, s29;
	s7 =	sadd.s32 $0x20800, s29;
	s9 =	sadd.s32 $0x2AC00, s30  }
.LBB2_1:
0xf: {  	[tilespmem:s2], [sflag:$0x1] =	stream.linear.gather [hbm4b:s3+s2], $0x2780, $0x38;
	[tilespmem:$0x11A80] =	vst v63  }
0x10: {  	_ = 	snop  }
0x11: {  	[tilespmem:s11], [sflag:$0x1] =	stream.linear.gather [hbm4b:s4+s2], $0x2780, $0x38;
	[tilespmem:$0x11A80] =	vst v63  }
0x12: {  	_ = 	snop  }
0x13: {  	[tilespmem:s12], [sflag:$0x1] =	stream.linear.gather [hbm4b:s5+s2], $0x2900, $0x38;
	[tilespmem:$0x11A80] =	vst v63  }
0x14: {  	_ = 	snop  }
0x15: {  	[tilespmem:s13], [sflag:$0x1] =	stream.linear.gather [hbm4b:s6+s2], $0x2900, $0x38;
	[tilespmem:$0x11A80] =	vst v63  }
0x16: {  	s22 =	simm.s32 $0x40;
	s23 =	simm.s32 $0x0  }
0x17: {  	[tilespmem:s14], [sflag:$0x1] =	stream.linear.gather [hbm4b:s7+s2], $0x2900, $0x38;
	[tilespmem:$0x11A80] =	vst v63  }
.LBB2_2:
0x18: {  	p0 =	sne.s32 s22, $0x9C00;
	[tilespmem:s23+$0x4F00] =	vst v0;
	s23 =	smov.u32 s22;
	s22 =	sadd.s32 $0x40, s22  }
.Ltmp0:
0x19: {  	(pc) =	sbr.rel @p0 .LBB2_2-.Ltmp0, $2  }
0x1a: {  	_ =	sdelay $0x2  }
0x1b: {  	s23 =	sshra.s32 s23, $0x2  }
0x1c: {  	[tilespmem:s23+$0x4F00] =	vst v0  }
0x1d: {  	_ =	swait.ge [sflag:s15], $0x2780  }
0x1e: {  	[sflag:s15] =	ssyncset.done $0x0  }
0x1f: {  	[sflag:s15] =	ssyncadd.s32 $0xFFFFD880  }
0x20: {  	_ =	swait.ge [sflag:s15], $0x2780  }
0x21: {  	[sflag:s15] =	ssyncset.done $0x0  }
0x22: {  	[sflag:s15] =	ssyncadd.s32 $0xFFFFD880  }
0x23: {  	_ =	swait.ge [sflag:s15], $0x2900  }
0x24: {  	[sflag:s15] =	ssyncset.done $0x0  }
0x25: {  	[sflag:s15] =	ssyncadd.s32 $0xFFFFD700  }
0x26: {  	_ =	swait.ge [sflag:s15], $0x2900  }
0x27: {  	[sflag:s15] =	ssyncset.done $0x0  }
0x28: {  	[sflag:s15] =	ssyncadd.s32 $0xFFFFD700  }
0x29: {  	_ =	swait.ge [sflag:s15], $0x2900  }
0x2a: {  	[sflag:s15] =	ssyncset.done $0x0  }
0x2b: {  	s24 =	simm.s32 $0x76C0;
	[sflag:s15] =	ssyncadd.s32 $0xFFFFD700  }
0x2c: {  	s22 =	simm.s32 $0x9FC0;
	v4 =	vld [tilespmem:s24+$0x30]  }
0x2d: {  	v8 =	vld [tilespmem:s22+$0x30]  }
0x2e: {  	v1 =	vld [tilespmem:s22+$0xFFFFFFC0]  }
0x2f: {  	v9 =	vld [tilespmem:s24+$0xFFFFFFD0]  }
0x30: {  	v2 =	vld [tilespmem:s22+$0xFFFFFFD0]  }
0x31: {  	v10 =	vld [tilespmem:s24+$0xFFFFFFE0]  }
0x32: {  	v3 =	vld [tilespmem:s22+$0xFFFFFFE0]  }
0x33: {  	v11 =	vld [tilespmem:s24+$0xFFFFFFF0]  }
0x34: {  	s23 =	simm.s32 $0xC8C0;
	v14 =	vld [tilespmem:s24+$0x0]  }
0x35: {  	v15 =	vld [tilespmem:s23+$0x30]  }
0x36: {  	v5 =	vld [tilespmem:s22+$0x0]  }
0x37: {  	v16 =	vld [tilespmem:s24+$0x10]  }
0x38: {  	v6 =	vld [tilespmem:s22+$0x10]  }
0x39: {  	v17 =	vld [tilespmem:s24+$0x20]  }
0x3a: {  	v7 =	vld [tilespmem:s22+$0x20]  }
0x3b: {  	v18 =	vld [tilespmem:s24+$0xFFFFFFC0]  }
0x3c: {  	v24 =	vld [tilespmem:s23+$0xFFFFFFD0]  }
0x3d: {  	v61 =	vld [tilespmem:s23+$0x10]  }
0x3e: {  	v12 =	vld.idx.msk [tilespmem:v4+s2+$0x0], $0xffff  }
0x3f: {  	v13 =	vld.idx.msk [tilespmem:v8+s11+$0x0], $0xffff  }
0x40: {  	v4 =	vld [tilespmem:s22+$0xFFFFFFF0]  }
0x41: {  	v19 =	vld.idx.msk [tilespmem:v1+s11+$0x0], $0xffff  }
0x42: {  	v9 =	vld.idx.msk [tilespmem:v9+s2+$0x0], $0xffff  }
0x43: {  	v20 =	vld.idx.msk [tilespmem:v2+s11+$0x0], $0xffff  }
0x44: {  	v10 =	vld.idx.msk [tilespmem:v10+s2+$0x0], $0xffff  }
0x45: {  	v21 =	vld.idx.msk [tilespmem:v3+s11+$0x0], $0xffff  }
0x46: {  	v11 =	vld.idx.msk [tilespmem:v11+s2+$0x0], $0xffff  }
0x47: {  	v14 =	vld.idx.msk [tilespmem:v14+s2+$0x0], $0xffff;
	v12 =	vadd.f32 v13, v12  }
0x48: {  	v16 =	vld.idx.msk [tilespmem:v16+s2+$0x0], $0xffff  }
0x49: {  	v23 =	vld.idx.msk [tilespmem:v6+s11+$0x0], $0xffff;
	v12 =	vadd.f32 v12, v15  }
0x4a: {  	v17 =	vld.idx.msk [tilespmem:v17+s2+$0x0], $0xffff  }
0x4b: {  	v13 =	vld.idx.msk [tilespmem:v18+s2+$0x0], $0xffff;
	v18 =	vmul.f32 $2.000000030e-01, v12  }
0x4c: {  	v25 =	vld.idx.msk [tilespmem:v7+s11+$0x0], $0xffff  }
0x4d: {  	v12 =	vmax.f32 v12, v18;
	v18 =	vld [tilespmem:s23+$0xFFFFFFC0]  }
0x4e: {  	v15 =	vld.idx.msk [tilespmem:v5+s11+$0x0], $0xffff;
	v12 =	vmul.f32 $1.442695020e+00, v12  }
0x4f: {  	v22 =	vld.idx.msk [tilespmem:v4+s11+$0x0], $0xffff  }
0x50: {  	(erf) = vpow2.f32 v12;
	v12 =	vadd.f32 v19, v13;
	v13 =	vld [tilespmem:s23+$0xFFFFFFE0]  }
0x51: {  	v9 =	vadd.f32 v20, v9;
	v19 =	vld [tilespmem:s23+$0xFFFFFFF0]  }
0x52: {  	v10 =	vadd.f32 v21, v10;
	v12 =	vadd.f32 v12, v18;
	v18 =	vld [tilespmem:s23+$0x0]  }
0x53: {  	v16 =	vadd.f32 v23, v16;
	v9 =	vadd.f32 v9, v24  }
0x54: {  	v62 =	vld [tilespmem:s23+$0x20];
	v14 =	vadd.f32 v15, v14;
	v11 =	vadd.f32 v22, v11;
	v15 =	vmul.f32 $2.000000030e-01, v12  }
0x55: {  	v17 =	vadd.f32 v25, v17;
	v13 =	vadd.f32 v10, v13  }
0x56: {  	v10 =	vmul.f32 $2.000000030e-01, v9;
	v12 =	vmax.f32 v12, v15;
	v15 =	vadd.f32 v11, v19  }
0x57: {  	v11 =	vadd.f32 v16, v61;
	v19 =	vmul.f32 $2.000000030e-01, v13;
	v18 =	vadd.f32 v14, v18  }
0x58: {  	v9 =	vmax.f32 v9, v10;
	v10 =	vmul.f32 $1.442695020e+00, v12;
	v14 =	vmul.f32 $2.000000030e-01, v15  }
0x59: {  	s24 =	simm.s32 $0xF1C0;
	v12 =	vadd.f32 v17, v62;
	v16 =	vpop (erf);
	v19 =	vmax.f32 v13, v19;
	v63 =	vmul.f32 $2.000000030e-01, v18  }
0x5a: {  	v13 =	vmul.f32 $1.442695020e+00, v9;
	[tilespmem:s24+$0x30] =	vst v16;
	v17 =	vmax.f32 v15, v14;
	v15 =	vmul.f32 $2.000000030e-01, v11  }
0x5b: {  	s25 =	simm.s32 $0x0;
	s26 =	simm.s32 $0x7740;
	v14 =	vmul.f32 $1.442695020e+00, v19;
	[tilespmem:v8+s16+$0x0] =	vst.idx.add.f32.msk $0xffff, v16;
	v9 =	vmax.f32 v18, v63;
	v16 =	vmul.f32 $2.000000030e-01, v12  }
.LBB2_4:
0x5c: {  	v18 =	vld [tilespmem:s26+$0x30];
	v17 =	vmul.f32 $1.442695020e+00, v17;
	v19 =	vmul.f32 $1.442695020e+00, v9;
	v11 =	vmax.f32 v11, v15;
	s22 =	sadd.s32 $0x80, s22;
	v9 =	vmovc v6;
	v8 =	vmovc v7  }
0x5d: {  	v15 =	vld [tilespmem:s22+$0x30];
	v6 =	vmul.f32 $1.442695020e+00, v11;
	v7 =	vmax.f32 v12, v16;
	(erf) = vpow2.f32 v10  }
0x5e: {  	s25 =	sadd.s32 $0x8, s25;
	v10 =	vld [tilespmem:s22+$0xFFFFFFC0];
	v7 =	vmul.f32 $1.442695020e+00, v7;
	(erf) = vpow2.f32 v13  }
0x5f: {  	p0 =	slt.u32 s25, $0x288;
	v11 =	vld [tilespmem:s26+$0xFFFFFFD0];
	(erf) = vpow2.f32 v14  }
0x60: {  	v12 =	vld [tilespmem:s22+$0xFFFFFFD0];
	(erf) = vpow2.f32 v17  }
0x61: {  	v13 =	vld [tilespmem:s26+$0xFFFFFFE0];
	(erf) = vpow2.f32 v19  }
0x62: {  	v14 =	vld [tilespmem:s22+$0xFFFFFFE0];
	(erf) = vpow2.f32 v6  }
0x63: {  	v16 =	vld [tilespmem:s26+$0xFFFFFFF0];
	(erf) = vpow2.f32 v7  }
0x64: {  	v7 =	vld.idx.msk [tilespmem:v18+s2+$0x0], $0xffff  }
0x65: {  	v17 =	vld.idx.msk [tilespmem:v15+s11+$0x0], $0xffff  }
0x66: {  	v18 =	vld [tilespmem:s22+$0xFFFFFFF0];
	v19 =	vpop (erf)  }
0x67: {  	s23 =	sadd.s32 $0x80, s23;
	v20 =	vld [tilespmem:s26+$0x0];
	[tilespmem:s24+$0xFFFFFFC0] =	vst v19;
	v21 =	vpop (erf)  }
0x68: {  	v22 =	vld [tilespmem:s23+$0x30];
	[tilespmem:s24+$0xFFFFFFD0] =	vst v21;
	v23 =	vpop (erf)  }
0x69: {  	v24 =	vld [tilespmem:s22+$0x0];
	[tilespmem:s24+$0xFFFFFFE0] =	vst v23;
	v25 =	vpop (erf)  }
0x6a: {  	v26 =	vld [tilespmem:s26+$0x10];
	[tilespmem:s24+$0xFFFFFFF0] =	vst v25;
	v27 =	vpop (erf)  }
0x6b: {  	v17 =	vadd.f32 v17, v7;
	v6 =	vld [tilespmem:s22+$0x10];
	[tilespmem:s24+$0x0] =	vst v27;
	v28 =	vpop (erf)  }
0x6c: {  	v29 =	vld [tilespmem:s26+$0x20];
	[tilespmem:s24+$0x10] =	vst v28;
	v30 =	vpop (erf)  }
0x6d: {  	v7 =	vld [tilespmem:s22+$0x20];
	v17 =	vadd.f32 v17, v22;
	[tilespmem:s24+$0x20] =	vst v30  }
0x6e: {  	v22 =	vld [tilespmem:s26+$0xFFFFFFC0]  }
0x6f: {  	v31 =	vld.idx.msk [tilespmem:v10+s11+$0x0], $0xffff;
	v32 =	vmul.f32 $2.000000030e-01, v17  }
0x70: {  	v11 =	vld.idx.msk [tilespmem:v11+s2+$0x0], $0xffff  }
0x71: {  	v33 =	vld.idx.msk [tilespmem:v12+s11+$0x0], $0xffff;
	v17 =	vmax.f32 v17, v32  }
0x72: {  	v13 =	vld.idx.msk [tilespmem:v13+s2+$0x0], $0xffff;
	v17 =	vmul.f32 $1.442695020e+00, v17  }
0x73: {  	v32 =	vld.idx.msk [tilespmem:v14+s11+$0x0], $0xffff  }
0x74: {  	v16 =	vld.idx.msk [tilespmem:v16+s2+$0x0], $0xffff;
	(erf) = vpow2.f32 v17  }
0x75: {  	v17 =	vld.idx.msk [tilespmem:v18+s11+$0x0], $0xffff  }
0x76: {  	v22 =	vld.idx.msk [tilespmem:v22+s2+$0x0], $0xffff  }
0x77: {  	v11 =	vadd.f32 v33, v11;
	v20 =	vld.idx.msk [tilespmem:v20+s2+$0x0], $0xffff  }
0x78: {  	v33 =	vld.idx.msk [tilespmem:v24+s11+$0x0], $0xffff  }
0x79: {  	v13 =	vadd.f32 v32, v13;
	v26 =	vld.idx.msk [tilespmem:v26+s2+$0x0], $0xffff  }
0x7a: {  	v32 =	vld.idx.msk [tilespmem:v6+s11+$0x0], $0xffff  }
0x7b: {  	v16 =	vadd.f32 v17, v16;
	v17 =	vld.idx.msk [tilespmem:v29+s2+$0x0], $0xffff  }
0x7c: {  	v22 =	vadd.f32 v31, v22;
	v29 =	vld.idx.msk [tilespmem:v7+s11+$0x0], $0xffff  }
0x7d: {  	s24 =	sadd.s32 $0x80, s24;
	v31 =	vld [tilespmem:s23+$0xFFFFFFC0];
	v34 =	vpop (erf)  }
0x7e: {  	v20 =	vadd.f32 v33, v20;
	v35 =	vld [tilespmem:s23+$0xFFFFFFD0];
	[tilespmem:s24+$0x30] =	vst v34  }
0x7f: {  	[tilespmem:v15+s16+$0x0] =	vst.idx.add.f32.msk $0xffff, v34  }
0x80: {  	v26 =	vadd.f32 v32, v26;
	v15 =	vld [tilespmem:s23+$0xFFFFFFE0]  }
0x81: {  	v32 =	vld [tilespmem:s23+$0xFFFFFFF0]  }
0x82: {  	v17 =	vadd.f32 v29, v17;
	v22 =	vadd.f32 v22, v31;
	v31 =	vld [tilespmem:s23+$0x0]  }
0x83: {  	v11 =	vadd.f32 v11, v35;
	v29 =	vld [tilespmem:s23+$0x10]  }
0x84: {  	v33 =	vmul.f32 $2.000000030e-01, v22;
	v34 =	vld [tilespmem:s23+$0x20]  }
0x85: {  	v35 =	vmul.f32 $2.000000030e-01, v11;
	v13 =	vadd.f32 v13, v15;
	[tilespmem:v1+s16+$0x0] =	vst.idx.add.f32.msk $0xffff, v19;
	v1 =	vmov v10  }
0x86: {  	v10 =	vmax.f32 v22, v33;
	v15 =	vadd.f32 v16, v32;
	[tilespmem:v2+s16+$0x0] =	vst.idx.add.f32.msk $0xffff, v21;
	v2 =	vmov v12  }
.Ltmp1:
0x87: {  	v16 =	vmax.f32 v11, v35;
	v12 =	vmul.f32 $2.000000030e-01, v13;
	v19 =	vadd.f32 v20, v31;
	[tilespmem:v3+s16+$0x0] =	vst.idx.add.f32.msk $0xffff, v23;
	(pc) =	sbr.rel @p0 .LBB2_4-.Ltmp1, $4  }
0x88: {  	v10 =	vmul.f32 $1.442695020e+00, v10;
	v3 =	vmovc v14;
	v20 =	vmul.f32 $2.000000030e-01, v15;
	v11 =	vadd.f32 v26, v29;
	[tilespmem:v4+s16+$0x0] =	vst.idx.add.f32.msk $0xffff, v25  }
0x89: {  	v14 =	vmax.f32 v13, v12;
	v21 =	vmul.f32 $2.000000030e-01, v19;
	v12 =	vadd.f32 v17, v34;
	[tilespmem:v5+s16+$0x0] =	vst.idx.add.f32.msk $0xffff, v27  }
0x8a: {  	v4 =	vmovc v18;
	v13 =	vmul.f32 $1.442695020e+00, v16;
	v17 =	vmax.f32 v15, v20;
	v15 =	vmul.f32 $2.000000030e-01, v11;
	[tilespmem:v9+s16+$0x0] =	vst.idx.add.f32.msk $0xffff, v28  }
0x8b: {  	s26 =	sadd.s32 $0x80, s26;
	v5 =	vmovc v24;
	v14 =	vmul.f32 $1.442695020e+00, v14;
	v9 =	vmax.f32 v19, v21;
	v16 =	vmul.f32 $2.000000030e-01, v12;
	[tilespmem:v8+s16+$0x0] =	vst.idx.add.f32.msk $0xffff, v30  }
0x8c: {  	(erf) = vpow2.f32 v10  }
0x8d: {  	(erf) = vpow2.f32 v13;
	_ =	sdelay $0x1  }
0x8e: {  	v8 =	vmul.f32 $1.442695020e+00, v17;
	(erf) = vpow2.f32 v14;
	_ =	sdelay $0x1  }
0x8f: {  	v9 =	vmul.f32 $1.442695020e+00, v9;
	(erf) = vpow2.f32 v8  }
0x90: {  	v54 =	vmax.f32 v11, v15  }
0x91: {  	v10 =	vmul.f32 $1.442695020e+00, v54;
	(erf) = vpow2.f32 v9  }
0x92: {  	v55 =	vmax.f32 v12, v16  }
0x93: {  	v56 =	vmul.f32 $1.442695020e+00, v55;
	(erf) = vpow2.f32 v10;
	v57 =	vpop (erf)  }
0x94: {  	[tilespmem:s24+$0xFFFFFFC0] =	vst v57;
	v58 =	vpop (erf)  }
0x95: {  	(erf) = vpow2.f32 v56;
	[tilespmem:s24+$0xFFFFFFD0] =	vst v58  }
0x96: {  	v59 =	vpop (erf);
	[tilespmem:v1+s16+$0x0] =	vst.idx.add.f32.msk $0xffff, v57  }
0x97: {  	[tilespmem:s24+$0xFFFFFFE0] =	vst v59  }
0x98: {  	v60 =	vpop (erf);
	[tilespmem:v2+s16+$0x0] =	vst.idx.add.f32.msk $0xffff, v58  }
0x99: {  	[tilespmem:s24+$0xFFFFFFF0] =	vst v60  }
0x9a: {  	v61 =	vpop (erf);
	[tilespmem:v3+s16+$0x0] =	vst.idx.add.f32.msk $0xffff, v59  }
0x9b: {  	[tilespmem:s24+$0x0] =	vst v61  }
0x9c: {  	v62 =	vpop (erf);
	[tilespmem:v4+s16+$0x0] =	vst.idx.add.f32.msk $0xffff, v60  }
0x9d: {  	[tilespmem:s24+$0x10] =	vst v62  }
0x9e: {  	v63 =	vpop (erf);
	[tilespmem:v5+s16+$0x0] =	vst.idx.add.f32.msk $0xffff, v61  }
0x9f: {  	[tilespmem:s24+$0x20] =	vst v63  }
0xa0: {  	[tilespmem:v6+s16+$0x0] =	vst.idx.add.f32.msk $0xffff, v62  }
0xa1: {  	[tilespmem:v7+s16+$0x0] =	vst.idx.add.f32.msk $0xffff, v63  }
0xa2: {  	[hbm4b:s8+s2] =	stream.linear.scatter [tilespmem:s17], [sflag:$0x2], $0x2900, $0x38;
	[tilespmem:$0x11A80] =	vst v63  }
0xa3: {  	s21 =	sadd.s32 $0x1, s21;
	_ =	swait.ge [sflag:s18], $0x2900  }
0xa4: {  	p0 =	sne.s32 s21, s10;
	[sflag:s18] =	ssyncset.done $0x0  }
.Ltmp2:
0xa5: {  	[sflag:s18] =	ssyncadd.s32 $0xFFFFD700;
	(pc) =	sbr.rel @p0 .LBB2_1-.Ltmp2, $4  }
0xa6: {  	[hbm4b:s9+s19] =	stream.strided.scatter [tilespmem:s16], [sflag:$0x2], $0x2780, s20, s19, $0x38;
	[tilespmem:$0x11A80] =	vst v63  }
0xa7: {  	_ =	swait.ge [sflag:s18], $0x2780  }
0xa8: {  	[sflag:s18] =	ssyncset.done $0x0  }
0xa9: {  	[sflag:s18] =	ssyncadd.s32 $0xFFFFD880  }
0xaa: {  	_ =	sfence.sel $0x180000  }
0xab: {  	[bflag:$0x0] =	sbarrier.arrive $0xFFFF  }
0xac: {  	p0 =	sne.s32 s1, $0x0;
	_ =	strace $0x9000004D  }
0xad: {  	s0 =	sadd.s32 @!p0 $0x100000, s0;
	[bflag:$0x2] =	sbarrier.arrive $0xFFFF  }
0xae: {  	[sflag:s0] =	ssyncadd.tile.s32 @!p0 $0x1;
	_ =	shalt  }
.Lfunc_end2:
_tile_overlayer_lowered:
.L_overlay_start_2:
0xaf: {  	(tag) =	ssettag $0x2  }
0xb0: {  	s0 =	rddreg [dreg:$0x0];
	s2 =	stileid.u32  }
0xb1: {  	s1 =	rddreg [dreg:$0x1];
	p0 =	sne.s32 s2, $0x0  }
0xb2: {  	s3 =	rddreg [dreg:$0x2];
	[bflag:$0x3] =	sbarrier.arrive $0xFFFF;
	s2 =	simm.s32 @!p0 $0x1C02  }
0xb3: {  	[timem:s3], [sflag:s2] =	dma.local @!p0 [hbm:s0], s1  }
0xb4: {  	s0 =	simm.s32 @!p0 $0x2  }
0xb5: {  	_ =	swait.ge @!p0 [sflag:s0], s1  }
0xb6: {  	s1 =	ssub.s32 @!p0 $0x0, s1;
	[sflag:s0] =	ssyncset.done @!p0 $0x0  }
0xb7: {  	[sflag:s0] =	ssyncadd.s32 @!p0 s1  }
0xb8: {  	[bflag:$0x3] =	sbarrier.arrive $0xFFFF  }
0xb9: {  	_ =	shalt  }

// kernel: kernel.18.cloned.1.call-start
scs
__scs_entry_jumppad:
0x0: {  	(pc) =	sbr.rel $0x88, $3  }
0x1: {  	(tag) =	ssettag $0x0;
	lr =	simm.s32 $0x1  }
0x2: {  	[smem:$0x3F92] =	sst lr;
	_ =	strace $0xD0000000  }
0x3: {  	_ = 	snop  }
0x4: {  	_ = 	snop  }
0x5: {  	_ = 	snop  }
0x6: {  	_ = 	snop  }
0x7: {  	_ = 	snop  }
__scs_overlays_trampoline_lowered:
0x8: {  	[smem:$0x3FA1] =	sst s0  }
0x9: {  	[smem:$0x3FA2] =	sst s1  }
0xa: {  	[smem:$0x3FA3] =	sst s2  }
0xb: {  	[smem:$0x3FA4] =	sst s3  }
0xc: {  	[smem:$0x3FA5] =	sst s4  }
0xd: {  	[smem:$0x3FA6] =	sst s5  }
0xe: {  	[smem:$0x3FA7] =	sst s6  }
0xf: {  	[smem:$0x3FA8] =	sst s7  }
0x10: {  	[smem:$0x3FA9] =	sst s8  }
0x11: {  	[smem:$0x3FAA] =	sst s9;
	s0 =	simm.s32 @!p0 $0x0  }
0x12: {  	s1 =	sld [smem:$0x3F90];
	s0 =	simm.s32 @p0 $0x1  }
0x13: {  	[smem:$0x3FAB] =	sst s0;
	s0 =	simm.s32 @!p1 $0x0  }
0x14: {  	s2 =	sld [smem:$0x3F8F];
	s0 =	simm.s32 @p1 $0x1  }
0x15: {  	[smem:$0x3FAC] =	sst s0;
	s0 =	simm.s32 @!p2 $0x0  }
0x16: {  	s3 =	sld [smem:$0x3FDB];
	s0 =	simm.s32 @p2 $0x1  }
0x17: {  	s4 =	simm.s32 $0x1BF5;
	[smem:$0x3FAE] =	sst s0  }
0x18: {  	s0 =	sld [smem:$0x3F91];
	_ =	swait.ge [sflag:s4], $0x0  }
0x19: {  	s7 =	sld [smem:$0x3F92]  }
0x1a: {  	s8 =	sadd.s32 $0xFFFFE003, lr  }
0x1b: {  	s9 =	sadd.s32 $0xFFFFFEF7, lr;
	s5 =	simm.s32 $0xFFFFFFFF;
	p2 =	slt.u32 s8, $0xFFFFF086  }
0x1c: {  	p1 =	slt.u32 s9, $0xF7A;
	s5 =	simm.s32 @!p2 $0x0  }
0x1d: {  	s5 =	simm.s32 @p1 $0x1;
	p0 =	seq.s32 s7, s2  }
0x1e: {  	s7 =	smul.u32 @!p0 $0xF7A, s2;
	p2 =	seq.s32 @!p0 s5, $0x0  }
0x1f: {  	s9 =	smul.u32 $0xF7A, s1;
	s8 =	simm.s32 @!p0 $0x1BF5;
	p2 =	por !p2, p0  }
0x20: {  	[sflag:s8] =	ssyncset.s32 @!p0 $0xFFFFF086;
	s6 =	sadd.s32 @!p0 s3, s7;
	s7 =	simm.s32 @!p0 $0x108  }
0x21: {  	s3 =	sadd.s32 s3, s9;
	s6 =	sadd.s32 @!p0 $0x88, s6;
	s7 =	simm.s32 @p2 $0x1082  }
0x22: {  	[simem:s7], [sflag:s8] =	dma.local @!p0 [hbm:s6], $0xF7A  }
0x23: {  	s9 =	sor.u32 $0xD0000000, s2;
	s6 =	simm.s32 $0x108;
	_ =	swait.ge @!p0 [sflag:s8], $0x0  }
0x24: {  	s3 =	sadd.s32 $0x88, s3;
	s6 =	simm.s32 @!p1 $0x1082;
	[sflag:s4] =	ssyncset.s32 $0xFFFFF086  }
0x25: {  	[simem:s6], [sflag:s4] =	dma.local [hbm:s3], $0xF7A  }
0x26: {  	[smem:$0x3F92] =	sst s1;
	(tag) =	ssettag s2;
	_ =	strace s9  }
0x27: {  	s1 =	sld [smem:$0x3FA2]  }
0x28: {  	s2 =	sld [smem:$0x3FA3]  }
0x29: {  	s4 =	sld [smem:$0x3FA5]  }
0x2a: {  	p0 =	seq.s32 s5, $0x0;
	s5 =	sld [smem:$0x3FA6]  }
0x2b: {  	s6 =	sld [smem:$0x3FA7]  }
0x2c: {  	s7 =	sld [smem:$0x3FA8]  }
0x2d: {  	s3 =	simm.s32 $0x108;
	s8 =	sld [smem:$0x3FA9]  }
0x2e: {  	s3 =	simm.s32 @!p0 $0x1082;
	s9 =	sld [smem:$0x3FAA]  }
0x2f: {  	lr =	sadd.s32 s0, s3;
	s0 =	sld [smem:$0x3FA1]  }
0x30: {  	s3 =	sld [smem:$0x3FA4]  }
0x31: {  	[smem:$0x3FAD] =	sst s10  }
0x32: {  	s10 =	sld [smem:$0x3FAB];
	_ =	sdelay $0x3  }
0x33: {  	p0 =	seq.s32 s10, $0x1;
	s10 =	sld [smem:$0x3FAD];
	_ =	sdelay $0x3  }
0x34: {  	[smem:$0x3FAD] =	sst s10  }
0x35: {  	s10 =	sld [smem:$0x3FAC];
	_ =	sdelay $0x3  }
0x36: {  	p1 =	seq.s32 s10, $0x1;
	s10 =	sld [smem:$0x3FAD];
	_ =	sdelay $0x3  }
0x37: {  	[smem:$0x3FAD] =	sst s10  }
0x38: {  	s10 =	sld [smem:$0x3FAE]  }
0x39: {  	_ = 	snop;
	(pc) =	sbr.ind lr, $3  }
0x3a: {  	_ = 	snop  }
0x3b: {  	_ = 	snop  }
0x3c: {  	p2 =	seq.s32 s10, $0x1;
	s10 =	sld [smem:$0x3FAD]  }
0x3d: {  	_ =	shalt  }
0x3e: {  	_ =	shalt  }
0x3f: {  	_ =	shalt  }
0x40: {  	_ =	shalt  }
0x41: {  	_ =	shalt  }
0x42: {  	_ =	shalt  }
0x43: {  	_ =	shalt  }
0x44: {  	_ =	shalt  }
0x45: {  	_ =	shalt  }
0x46: {  	_ =	shalt  }
0x47: {  	_ =	shalt  }
0x48: {  	_ =	shalt  }
0x49: {  	_ =	shalt  }
0x4a: {  	_ =	shalt  }
0x4b: {  	_ =	shalt  }
0x4c: {  	_ =	shalt  }
0x4d: {  	_ =	shalt  }
0x4e: {  	_ =	shalt  }
0x4f: {  	_ =	shalt  }
0x50: {  	_ =	shalt  }
0x51: {  	_ =	shalt  }
0x52: {  	_ =	shalt  }
0x53: {  	_ =	shalt  }
0x54: {  	_ =	shalt  }
0x55: {  	_ =	shalt  }
0x56: {  	_ =	shalt  }
0x57: {  	_ =	shalt  }
0x58: {  	_ =	shalt  }
0x59: {  	_ =	shalt  }
0x5a: {  	_ =	shalt  }
0x5b: {  	_ =	shalt  }
0x5c: {  	_ =	shalt  }
0x5d: {  	_ =	shalt  }
0x5e: {  	_ =	shalt  }
0x5f: {  	_ =	shalt  }
0x60: {  	_ =	shalt  }
0x61: {  	_ =	shalt  }
0x62: {  	_ =	shalt  }
0x63: {  	_ =	shalt  }
0x64: {  	_ =	shalt  }
0x65: {  	_ =	shalt  }
0x66: {  	_ =	shalt  }
0x67: {  	_ =	shalt  }
0x68: {  	_ =	shalt  }
0x69: {  	_ =	shalt  }
0x6a: {  	_ =	shalt  }
0x6b: {  	_ =	shalt  }
0x6c: {  	_ =	shalt  }
0x6d: {  	_ =	shalt  }
0x6e: {  	_ =	shalt  }
0x6f: {  	_ =	shalt  }
0x70: {  	_ =	shalt  }
0x71: {  	_ =	shalt  }
0x72: {  	_ =	shalt  }
0x73: {  	_ =	shalt  }
0x74: {  	_ =	shalt  }
0x75: {  	_ =	shalt  }
0x76: {  	_ =	shalt  }
0x77: {  	_ =	shalt  }
0x78: {  	_ =	shalt  }
0x79: {  	_ =	shalt  }
0x7a: {  	_ =	shalt  }
0x7b: {  	_ =	shalt  }
0x7c: {  	_ =	shalt  }
0x7d: {  	_ =	shalt  }
0x7e: {  	_ =	shalt  }
0x7f: {  	_ =	shalt  }
0x80: {  	_ =	shalt  }
0x81: {  	_ =	shalt  }
0x82: {  	_ =	shalt  }
0x83: {  	_ =	shalt  }
0x84: {  	_ =	shalt  }
0x85: {  	_ =	shalt  }
0x86: {  	_ =	shalt  }
0x87: {  	_ =	shalt  }
.Lfunc_end0:
.L_simem_size_0:
called_computation.3_lowered:
.L_overlay_start_0:
0x88: {  	s2 =	sld [smem:$0x3FD9]  }
0x89: {  	s3 =	sld [smem:$0x3FFE];
	_ =	sdelay $0x1  }
0x8a: {  	s1 =	srdreg.scid  }
0x8b: {  	s0 =	sand.u32 $0x1, s1  }
0x8c: {  	s17 =	sshll.u32 s0, $0xA;
	s2 =	sadd.s32 s3, s2  }
0x8d: {  	s2 =	sadd.s32 s2, s17  }
0x8e: {  	[smem:$0x3FB9] =	sst s2  }
0x8f: {  	_ = 	snop  }
0x90: {  	s2 =	sld [smem:$0x3FD0];
	(tm) =	ssettm $0x1  }
0x91: {  	s18 =	sld [smem:$0x3FFB];
	_ =	sdelay $0x3  }
0x92: {  	_ =	strace s18  }
0x93: {  	s3 =	sld [smem:$0x3FFC];
	_ =	sdelay $0x3  }
0x94: {  	_ =	strace s3  }
0x95: {  	s3 =	sld [smem:$0x3FFD];
	_ =	sdelay $0x3  }
0x96: {  	_ =	strace s3  }
0x97: {  	_ =	strace $0x8FFFFFFF  }
0x98: {  	s19 =	sld [smem:$0x3FDB];
	_ =	sdelay $0x1  }
0x99: {  	s4 =	simm.s32 $_scs_section_size  }
0x9a: {  	s5 =	simm.s32 $_size__tile_overlayer_lowered;
	s6 =	simm.s32 $_tile_overlayer_lowered  }
0x9b: {  	s22 =	simm.s32 $0x1BFF;
	s21 =	sshll.u32 s6, $0x1;
	s3 =	sadd.s32 s4, s19  }
0x9c: {  	s7 =	simm.s32 $0x0;
	s20 =	sshll.u32 s5, $0x1;
	s5 =	sadd.s32 s21, s3  }
0x9d: {  	[timem:s7], [sflag:s22] =	dma.local [hbm:s5], s20  }
0x9e: {  	_ =	swait.ge [sflag:s22], s20  }
0x9f: {  	s4 =	ssub.s32 $0x0, s20;
	[sflag:s22] =	ssyncset.done $0x0  }
0xa0: {  	[sflag:s22] =	ssyncadd.s32 s4;
	_ =	sdelay $0x1  }
0xa1: {  	s23 =	simm.s32 $0x1B8B  }
0xa2: {  	_ =	swait.ge [sflag:s23], $0x1  }
0xa3: {  	[sflag:s23] =	ssyncset.done $0x0  }
0xa4: {  	s25 =	simm.s32 $0x1B8E;
	s24 =	sld [smem:$0x3FFE];
	[sflag:s23] =	ssyncadd.s32 $0xFFFFFFFF  }
0xa5: {  	s26 =	simm.s32 $execute0_lowered;
	[smem:$0x3FD2] =	sst s25  }
0xa6: {  	s5 =	sshll.u32 s26, $0x1;
	_ =	strace $0x8000004F;
	[dreg:$0x1] =	wrdreg $0xFFFFFFFF  }
0xa7: {  	s28 =	simm.s32 $_size_execute0_lowered;
	s3 =	sadd.s32 s3, s5;
	[dreg:$0x0] =	wrdreg $0x0  }
0xa8: {  	s5 =	sshll.u32 s28, $0x1;
	[dreg:$0x2] =	wrdreg s3  }
0xa9: {  	[dreg:$0x3] =	wrdreg s5  }
0xaa: {  	[dreg:$0x4] =	wrdreg $0xC0  }
0xab: {  	_ =	task [dreg:s7], $0x5FFFF  }
0xac: {  	[dreg:$0x1] =	wrdreg $0xFFFFFFFF  }
0xad: {  	[dreg:$0x0] =	wrdreg $0x60  }
0xae: {  	[dreg:$0x2] =	wrdreg s2  }
0xaf: {  	[dreg:$0x3] =	wrdreg s24  }
0xb0: {  	[dreg:$0x4] =	wrdreg $0x9  }
0xb1: {  	_ =	task.clear_ibuf [dreg:s7], $0x5FFFF;
	_ =	strace $0x9000004F  }
0xb2: {  	s29 =	simm.s32 $0x9;
	_ =	strace $0x80000051  }
0xb3: {  	_ =	swait.ge [sflag:s29], $0x1  }
0xb4: {  	[sflag:s29] =	ssyncadd.s32 $0xFFFFFFFF  }
0xb5: {  	_ =	strace $0x90000051  }
0xb6: {  	_ =	sfence  }
0xb7: {  	s30 =	sld [smem:$0x0];
	_ =	sdelay $0x2  }
0xb8: {  	s31 =	sshll.u32 s1, $0xD;
	s1 =	sshrl.u32 s1, $0x2  }
0xb9: {  	s3 =	sand.u32 $0x4000, s31;
	s1 =	sadd.s32 s1, s30  }
0xba: {  	s0 =	sor.u32 s3, s0;
	s1 =	sshll.u32 s1, $0x11  }
0xbb: {  	s0 =	sor.u32 s1, s0  }
0xbc: {  	s0 =	sadd.s32 $0x8F2B, s0  }
0xbd: {  	[sflag:s0] =	ssyncadd.remote.s32 $0x1  }
0xbe: {  	_ =	sfence.sel $0xFFFF  }
0xbf: {  	[dreg:$0x0] =	wrdreg $0xFFFFFFFF;
	(pc) =	sbr.abs _section_cstart, $3  }
0xc0: {  	[dreg:$0x1] =	wrdreg $0xFFFFFFFF  }
0xc1: {  	_ =	task.clear_ibuf [dreg:s7], $0x2FFFF;
	_ =	strace $0x9FFFFFFF  }
0xc2: {  	(tm) =	ssettm $0x7FFFFFFF  }
0xc3: {  	_ =	shalt  }
tec
execute0_lowered:
.L_overlay_start_1:
0x0: {  	(tag) =	ssettag $0x1  }
0x1: {  	s0 =	rddreg [dreg:$0x0]  }
0x2: {  	s9 =	rddreg [dreg:$0x1];
	s1 =	simm.s32 $0x0  }
0x3: {  	s5 =	srdreg.scid;
	s2 =	stileid.u32;
	s13 =	simm.s32 $0x400  }
0x4: {  	s14 =	simm.s32 $0x3;
	s15 =	simm.s32 $0xED00;
	s16 =	simm.s32 $0x10D00  }
0x5: {  	s17 =	simm.s32 $0x12D00;
	s18 =	simm.s32 $0xFD00;
	s19 =	simm.s32 $0x11D00  }
0x6: {  	s20 =	simm.s32 $0x13D00;
	s21 =	simm.s32 $0x1;
	s22 =	simm.s32 $0x4F00  }
0x7: {  	s23 =	simm.s32 $0x2;
	s24 =	simm.s32 $0x200;
	s25 =	simm.s32 $0x0  }
0x8: {  	[smem:$0x7FF] =	sst s1;
	s3 =	sadd.s32 $0x1000, s9;
	s4 =	sadd.s32 $0xB400, s9  }
0x9: {  	s6 =	sand.u32 $0x1, s5;
	s7 =	smul.u32 $0x13C00, s2;
	s26 =	sshrl.u32 s2, $0x1  }
0xa: {  	s10 =	sshll.u32 s2, $0x9;
	s5 =	sadd.s32 $0x16400, s9;
	_ =	strace $0x80000050  }
0xb: {  	s8 =	sshll.u32 s6, $0x9;
	s11 =	smul.u32 $0x13C00, s26;
	s12 =	sshll.u32 s6, $0x8  }
0xc: {  	s10 =	sand.u32 $0x200, s10;
	s6 =	ssub.s32 $0x2, s6;
	s7 =	sor.u32 s8, s7  }
.Ltmp0:
0xd: {  	s28 =	sor.u32 s12, s10;
	s30 =	sshrl.u32 s6, $0x1;
	(pc) =	sbr.rel .LBB2_1-.Ltmp0, $4  }
0xe: {  	s12 =	simm.s32 $0x100;
	s7 =	sshrl.u32 s7, $0x3;
	s8 =	sor.u32 s11, s28  }
0xf: {  	s31 =	ssub.s32 s6, s30;
	s29 =	sadd.s32 s7, s9;
	s8 =	sshrl.u32 s8, $0x3  }
0x10: {  	s7 =	sadd.s32 $0x1200, s9;
	s11 =	smax.u32 s31, $0x1;
	s6 =	sadd.s32 s0, s8  }
0x11: {  	v0 =	vimm.f32 $0.0e+00;
	s8 =	sadd.s32 $0xB600, s9;
	s9 =	sadd.s32 $0x16600, s9;
	s10 =	sadd.s32 $0x34A00, s29  }
.LBB2_10:
0x12: {  	s25 =	sadd.s32 $0x1, s25  }
0x13: {  	p0 =	sne.s32 s25, s11  }
.Ltmp1:
0x14: {  	_ = 	snop;
	(pc) =	sbr.rel @!p0 .LBB2_11-.Ltmp1, $4  }
0x15: {  	[hbm4b:s10+s24] =	stream.strided.scatter [tilespmem:s22], [sflag:$0x3], $0x9E00, s13, s24, $0x38;
	[tilespmem:$0x14D00] =	vst v63  }
0x16: {  	_ =	swait.ge [sflag:s14], $0x9E00  }
0x17: {  	[sflag:s14] =	ssyncset.done $0x0  }
0x18: {  	[sflag:s14] =	ssyncadd.s32 $0xFFFF6200  }
.LBB2_1:
0x19: {  	[tilespmem:s1], [sflag:$0x3] =	stream.strided.gather [hbm4b:s6+s12], $0x4F00, s13, s12, $0x38;
	[tilespmem:$0x14D00] =	vst v63  }
0x1a: {  	_ =	swait.ge [sflag:s14], $0x4F00  }
0x1b: {  	s0 =	sand.u32 $0x70, s1;
	s26 =	sand.u32 $0xFE00, s1;
	[sflag:s14] =	ssyncset.done $0x0  }
0x1c: {  	s28 =	sor.u32 s0, s26;
	[sflag:s14] =	ssyncadd.s32 $0xFFFFB100  }
0x1d: {  	[tilespmem:s28+$0x5080] =	vst v0  }
0x1e: {  	[tilespmem:s28+$0x4F00] =	vst v0  }
0x1f: {  	s0 =	simm.s32 $0x10;
	s26 =	simm.s32 $0x0;
	[tilespmem:s28+$0x4F80] =	vst v0  }
.LBB2_2:
0x20: {  	s29 =	sand.u32 $0x70, s0;
	[tilespmem:s28+$0x5000] =	vst v0;
	s26 =	sadd.s32 $0x40, s26;
	p0 =	sne.s32 s0, $0x2700  }
.Ltmp2:
0x21: {  	s0 =	sadd.s32 $0x10, s0;
	s28 =	sand.u32 $0xFE00, s26;
	(pc) =	sbr.rel @p0 .LBB2_2-.Ltmp2, $4  }
0x22: {  	s28 =	sor.u32 s29, s28  }
0x23: {  	[tilespmem:s28+$0x5080] =	vst v0  }
0x24: {  	[tilespmem:s28+$0x4F00] =	vst v0  }
0x25: {  	[tilespmem:s28+$0x4F80] =	vst v0  }
0x26: {  	[tilespmem:s28+$0x5000] =	vst v0;
	s26 =	simm.s32 $0x0  }
0x27: {  	[tilespmem:s15], [sflag:$0x1] =	stream.linear.gather [hbm4b:s3+s26], $0x1000, $0x38;
	[tilespmem:$0x14D00] =	vst v63  }
0x28: {  	_ = 	snop  }
0x29: {  	[tilespmem:s16], [sflag:$0x1] =	stream.linear.gather [hbm4b:s4+s26], $0x1000, $0x38;
	[tilespmem:$0x14D00] =	vst v63  }
0x2a: {  	_ = 	snop  }
0x2b: {  	[tilespmem:s17], [sflag:$0x1] =	stream.linear.gather [hbm4b:s5+s26], $0x1000, $0x38;
	[tilespmem:$0x14D00] =	vst v63  }
0x2c: {  	_ = 	snop  }
0x2d: {  	[tilespmem:s18], [sflag:$0x2] =	stream.linear.gather [hbm4b:s7+s26], $0x1000, $0x38;
	[tilespmem:$0x14D00] =	vst v63  }
0x2e: {  	_ = 	snop  }
0x2f: {  	[tilespmem:s19], [sflag:$0x2] =	stream.linear.gather [hbm4b:s8+s26], $0x1000, $0x38;
	[tilespmem:$0x14D00] =	vst v63  }
0x30: {  	_ = 	snop  }
0x31: {  	[tilespmem:s20], [sflag:$0x2] =	stream.linear.gather [hbm4b:s9+s26], $0x1000, $0x38;
	[tilespmem:$0x14D00] =	vst v63  }
.LBB2_4:
0x32: {  	_ =	swait.ge [sflag:s21], $0x1000  }
0x33: {  	[sflag:s21] =	ssyncset.done $0x0  }
0x34: {  	[sflag:s21] =	ssyncadd.s32 $0xFFFFF000  }
0x35: {  	_ =	swait.ge [sflag:s21], $0x1000  }
0x36: {  	[sflag:s21] =	ssyncset.done $0x0  }
0x37: {  	[sflag:s21] =	ssyncadd.s32 $0xFFFFF000  }
0x38: {  	_ =	swait.ge [sflag:s21], $0x1000  }
0x39: {  	[sflag:s21] =	ssyncset.done $0x0  }
0x3a: {  	s0 =	simm.s32 $0xED20;
	[sflag:s21] =	ssyncadd.s32 $0xFFFFF000  }
0x3b: {  	v1 =	vld [tilespmem:s0+$0x0];
	_ =	sdelay $0x1  }
0x3c: {  	v2 =	vld [tilespmem:s0+$0x10];
	_ =	sdelay $0x2  }
0x3d: {  	v3 =	vshll.u32 v1, $0x1  }
0x3e: {  	s28 =	simm.s32 $0x10D20;
	v4 =	vld [tilespmem:s0+$0xFFFFFFF0];
	v1 =	vand.u32 $0x7F, v1;
	v3 =	vand.u32 $0xFFFFFF00, v3  }
0x3f: {  	v5 =	vld [tilespmem:s28+$0x0];
	v7 =	vor.u32 v1, v3;
	v1 =	vshll.u32 v2, $0x1  }
0x40: {  	v2 =	vand.u32 $0x7F, v2;
	v3 =	vand.u32 $0xFFFFFF00, v1  }
0x41: {  	v9 =	vor.u32 v2, v3;
	v2 =	vld [tilespmem:s28+$0x10];
	_ =	sdelay $0x1  }
0x42: {  	v11 =	vld [tilespmem:s28+$0xFFFFFFF0]  }
0x43: {  	s29 =	simm.s32 $0x12D20;
	v6 =	vshll.u32 v5, $0x2;
	v3 =	vshll.u32 v4, $0x1;
	v10 =	vld.idx.msk [tilespmem:v7+s1+$0x0], $0xffff  }
0x44: {  	v5 =	vand.u32 $0x7F, v5;
	v1 =	vld [tilespmem:s29+$0x0];
	v4 =	vand.u32 $0x7F, v4;
	v8 =	vand.u32 $0xFFFFFF00, v3  }
0x45: {  	v6 =	vand.u32 $0xFFFFFE00, v6;
	v8 =	vor.u32 v4, v8;
	v4 =	vld.idx.msk [tilespmem:v9+s1+$0x0], $0xffff;
	v12 =	vshll.u32 v2, $0x2  }
0x46: {  	v6 =	vor.u32 v5, v6;
	v3 =	vld [tilespmem:s29+$0x10];
	v5 =	vand.u32 $0x7F, v2;
	v12 =	vand.u32 $0xFFFFFE00, v12  }
0x47: {  	v13 =	vor.u32 $0x80, v6;
	v5 =	vor.u32 v5, v12;
	v12 =	vld [tilespmem:s0+$0xFFFFFFE0]  }
0x48: {  	v15 =	vshll.u32 v10, $0x10  }
0x49: {  	v14 =	vld [tilespmem:s28+$0xFFFFFFE0];
	v16 =	vshll.u32 v11, $0x2;
	v10 =	vand.u32 $0xFFFF0000, v10;
	v15 =	vmul.f32 v15, v1  }
0x4a: {  	v19 =	vor.u32 $0x80, v7;
	v18 =	vld.idx.msk [tilespmem:v8+s1+$0x0], $0xffff;
	v10 =	vmul.f32 v10, v1;
	v7 =	vshll.u32 v4, $0x10  }
0x4b: {  	v20 =	vor.u32 $0x80, v9;
	v17 =	vor.u32 $0x80, v5;
	[tilespmem:v6+s22+$0x0] =	vst.idx.add.f32.msk $0xffff, v15;
	v9 =	vmul.f32 v7, v3  }
0x4c: {  	v7 =	vand.u32 $0x7F, v11;
	v11 =	vand.u32 $0xFFFFFE00, v16;
	[tilespmem:v13+s22+$0x0] =	vst.idx.add.f32.msk $0xffff, v10;
	v10 =	vshll.u32 v12, $0x1  }
0x4d: {  	v2 =	vld [tilespmem:s29+$0xFFFFFFE0];
	v7 =	vor.u32 v7, v11;
	v11 =	vand.u32 $0x7F, v12;
	v10 =	vand.u32 $0xFFFFFF00, v10  }
0x4e: {  	v15 =	vand.u32 $0xFFFF0000, v4;
	v4 =	vld [tilespmem:s29+$0xFFFFFFF0];
	v10 =	vor.u32 v11, v10  }
0x4f: {  	v15 =	vmul.f32 v15, v3;
	[tilespmem:v5+s22+$0x0] =	vst.idx.add.f32.msk $0xffff, v9  }
0x50: {  	v12 =	vld.idx.msk [tilespmem:v19+s1+$0x0], $0xffff  }
0x51: {  	v13 =	vand.u32 $0x7F, v14;
	v16 =	vshll.u32 v18, $0x10;
	[tilespmem:v17+s22+$0x0] =	vst.idx.add.f32.msk $0xffff, v15;
	v11 =	vshll.u32 v14, $0x2  }
0x52: {  	s30 =	simm.s32 $0x0;
	s31 =	simm.s32 $0xED60;
	v9 =	vor.u32 $0x80, v7;
	v14 =	vand.u32 $0xFFFF0000, v18;
	v15 =	vand.u32 $0xFFFFFE00, v11;
	v11 =	vld.idx.msk [tilespmem:v20+s1+$0x0], $0xffff  }
.LBB2_5:
0x53: {  	s30 =	sadd.s32 $0x4, s30;
	v17 =	vld.idx.msk [tilespmem:v10+s1+$0x0], $0xffff;
	s29 =	sadd.s32 $0x40, s29;
	s28 =	sadd.s32 $0x40, s28  }
0x54: {  	v13 =	vor.u32 v13, v15;
	v15 =	vmul.f32 v16, v4;
	v18 =	vld [tilespmem:s29+$0x0];
	p0 =	slt.u32 s30, $0xFC  }
0x55: {  	v19 =	vor.u32 $0x80, v13;
	v16 =	vld [tilespmem:s28+$0xFFFFFFF0]  }
0x56: {  	v14 =	vmul.f32 v14, v4;
	v20 =	vld [tilespmem:s28+$0x0]  }
0x57: {  	v8 =	vor.u32 $0x80, v8;
	[tilespmem:v7+s22+$0x0] =	vst.idx.add.f32.msk $0xffff, v15;
	v15 =	vand.u32 $0xFFFF0000, v12  }
0x58: {  	v12 =	vshll.u32 v12, $0x10;
	v22 =	vshll.u32 v11, $0x10;
	v21 =	vld [tilespmem:s28+$0x10];
	v15 =	vmul.f32 v15, v1  }
0x59: {  	v11 =	vand.u32 $0xFFFF0000, v11;
	v24 =	vshll.u32 v17, $0x10;
	v17 =	vand.u32 $0xFFFF0000, v17;
	v23 =	vld [tilespmem:s31+$0xFFFFFFF0]  }
0x5a: {  	v10 =	vor.u32 $0x80, v10;
	v24 =	vmul.f32 v24, v2;
	[tilespmem:v9+s22+$0x0] =	vst.idx.add.f32.msk $0xffff, v14;
	v9 =	vmul.f32 v11, v3  }
0x5b: {  	v3 =	vmul.f32 v22, v3;
	v11 =	vld [tilespmem:s31+$0x0]  }
0x5c: {  	v14 =	vmul.f32 v17, v2;
	v17 =	vor.u32 $0x100, v5;
	[tilespmem:v13+s22+$0x0] =	vst.idx.add.f32.msk $0xffff, v24  }
0x5d: {  	v24 =	vor.u32 $0x100, v6;
	v22 =	vld [tilespmem:s31+$0x10]  }
0x5e: {  	[tilespmem:v19+s22+$0x0] =	vst.idx.add.f32.msk $0xffff, v14;
	v14 =	vor.u32 $0x100, v7;
	v19 =	vor.u32 $0x180, v7  }
0x5f: {  	v25 =	vor.u32 $0x180, v13;
	v5 =	vor.u32 $0x180, v5;
	v6 =	vor.u32 $0x180, v6;
	v10 =	vld.idx.msk [tilespmem:v10+s1+$0x0], $0xffff  }
0x60: {  	v12 =	vmul.f32 v12, v1;
	v1 =	vmovc v18;
	v7 =	vand.u32 $0x7F, v11;
	v11 =	vshll.u32 v11, $0x1;
	v8 =	vld.idx.msk [tilespmem:v8+s1+$0x0], $0xffff  }
0x61: {  	v13 =	vor.u32 $0x100, v13;
	v18 =	vand.u32 $0x7F, v23;
	v11 =	vand.u32 $0xFFFFFF00, v11;
	[tilespmem:v17+s22+$0x0] =	vst.idx.add.f32.msk $0xffff, v3  }
0x62: {  	v17 =	vshll.u32 v23, $0x1;
	v11 =	vor.u32 v7, v11;
	v7 =	vshll.u32 v22, $0x1;
	[tilespmem:v24+s22+$0x0] =	vst.idx.add.f32.msk $0xffff, v12  }
0x63: {  	v12 =	vshll.u32 v20, $0x2;
	v22 =	vand.u32 $0x7F, v22;
	v3 =	vld [tilespmem:s29+$0x10];
	v7 =	vand.u32 $0xFFFFFF00, v7  }
0x64: {  	v23 =	vand.u32 $0x7F, v21;
	v22 =	vor.u32 v22, v7;
	v7 =	vshll.u32 v21, $0x2;
	[tilespmem:v6+s22+$0x0] =	vst.idx.add.f32.msk $0xffff, v15  }
0x65: {  	v6 =	vand.u32 $0x7F, v16;
	v15 =	vshll.u32 v16, $0x2;
	v16 =	vshll.u32 v10, $0x10;
	[tilespmem:v5+s22+$0x0] =	vst.idx.add.f32.msk $0xffff, v9  }
0x66: {  	v5 =	vand.u32 $0xFFFFFE00, v15;
	v15 =	vand.u32 $0xFFFFFE00, v7;
	v21 =	vand.u32 $0xFFFF0000, v8;
	v9 =	vld [tilespmem:s29+$0xFFFFFFE0]  }
0x67: {  	v7 =	vor.u32 v6, v5;
	v6 =	vand.u32 $0xFFFFFE00, v12;
	v12 =	vshll.u32 v8, $0x10;
	v24 =	vld.idx.msk [tilespmem:v11+s1+$0x0], $0xffff  }
0x68: {  	v8 =	vand.u32 $0x7F, v20;
	v5 =	vor.u32 v23, v15;
	v15 =	vmul.f32 v16, v2;
	v26 =	vld [tilespmem:s28+$0xFFFFFFE0]  }
0x69: {  	v10 =	vand.u32 $0xFFFF0000, v10;
	v16 =	vand.u32 $0xFFFFFF00, v17;
	v6 =	vor.u32 v8, v6;
	v17 =	vld.idx.msk [tilespmem:v22+s1+$0x0], $0xffff  }
0x6a: {  	v8 =	vor.u32 v18, v16;
	v12 =	vmul.f32 v12, v4;
	[tilespmem:v13+s22+$0x0] =	vst.idx.add.f32.msk $0xffff, v15  }
0x6b: {  	v10 =	vmul.f32 v10, v2;
	v4 =	vmul.f32 v21, v4;
	v15 =	vor.u32 $0x80, v6;
	v13 =	vld [tilespmem:s31+$0xFFFFFFE0];
	v2 =	vmovc v9  }
0x6c: {  	v16 =	vor.u32 $0x80, v5;
	[tilespmem:v14+s22+$0x0] =	vst.idx.add.f32.msk $0xffff, v12  }
0x6d: {  	v9 =	vor.u32 $0x80, v7;
	v12 =	vshll.u32 v24, $0x10;
	v14 =	vand.u32 $0xFFFF0000, v24;
	[tilespmem:v25+s22+$0x0] =	vst.idx.add.f32.msk $0xffff, v10  }
0x6e: {  	v11 =	vor.u32 $0x80, v11;
	v10 =	vmul.f32 v12, v1;
	[tilespmem:v19+s22+$0x0] =	vst.idx.add.f32.msk $0xffff, v4  }
0x6f: {  	v18 =	vor.u32 $0x80, v22;
	v4 =	vshll.u32 v17, $0x10;
	v17 =	vand.u32 $0xFFFF0000, v17;
	v12 =	vld.idx.msk [tilespmem:v8+s1+$0x0], $0xffff  }
0x70: {  	v14 =	vmul.f32 v14, v1;
	v20 =	vmul.f32 v4, v3;
	v19 =	vshll.u32 v13, $0x1;
	[tilespmem:v6+s22+$0x0] =	vst.idx.add.f32.msk $0xffff, v10  }
0x71: {  	v17 =	vmul.f32 v17, v3;
	v10 =	vand.u32 $0x7F, v13;
	v13 =	vand.u32 $0xFFFFFF00, v19;
	v4 =	vld [tilespmem:s29+$0xFFFFFFF0]  }
.Ltmp3:
0x72: {  	v10 =	vor.u32 v10, v13;
	[tilespmem:v15+s22+$0x0] =	vst.idx.add.f32.msk $0xffff, v14;
	(pc) =	sbr.rel @p0 .LBB2_5-.Ltmp3, $4  }
0x73: {  	v13 =	vand.u32 $0x7F, v26;
	v14 =	vshll.u32 v26, $0x2;
	[tilespmem:v5+s22+$0x0] =	vst.idx.add.f32.msk $0xffff, v20  }
0x74: {  	v15 =	vand.u32 $0xFFFFFE00, v14;
	[tilespmem:v16+s22+$0x0] =	vst.idx.add.f32.msk $0xffff, v17  }
0x75: {  	v16 =	vshll.u32 v12, $0x10;
	v14 =	vand.u32 $0xFFFF0000, v12;
	v12 =	vld.idx.msk [tilespmem:v11+s1+$0x0], $0xffff  }
0x76: {  	s31 =	sadd.s32 $0x40, s31;
	v11 =	vld.idx.msk [tilespmem:v18+s1+$0x0], $0xffff  }
0x77: {  	_ =	sdelay $0x3  }
0x78: {  	v17 =	vld.idx.msk [tilespmem:v10+s1+$0x0], $0xffff;
	_ =	sdelay $0x2  }
0x79: {  	v13 =	vor.u32 v13, v15  }
0x7a: {  	v15 =	vmul.f32 v16, v4;
	v16 =	vor.u32 $0x80, v13  }
0x7b: {  	v14 =	vmul.f32 v14, v4;
	v10 =	vor.u32 $0x80, v10;
	v18 =	vshll.u32 v17, $0x10  }
0x7c: {  	v8 =	vor.u32 $0x80, v8;
	[tilespmem:v7+s22+$0x0] =	vst.idx.add.f32.msk $0xffff, v15;
	v15 =	vand.u32 $0xFFFF0000, v17;
	v17 =	vmul.f32 v18, v2  }
0x7d: {  	[tilespmem:v9+s22+$0x0] =	vst.idx.add.f32.msk $0xffff, v14;
	v9 =	vmul.f32 v15, v2  }
0x7e: {  	[tilespmem:v13+s22+$0x0] =	vst.idx.add.f32.msk $0xffff, v17  }
0x7f: {  	v14 =	vor.u32 $0x100, v5;
	[tilespmem:v16+s22+$0x0] =	vst.idx.add.f32.msk $0xffff, v9  }
0x80: {  	v9 =	vor.u32 $0x100, v6;
	v10 =	vld.idx.msk [tilespmem:v10+s1+$0x0], $0xffff  }
0x81: {  	v8 =	vld.idx.msk [tilespmem:v8+s1+$0x0], $0xffff;
	v15 =	vshll.u32 v11, $0x10;
	v6 =	vor.u32 $0x180, v6  }
0x82: {  	v5 =	vor.u32 $0x180, v5;
	v15 =	vmul.f32 v15, v3;
	v16 =	vshll.u32 v12, $0x10  }
0x83: {  	v17 =	vor.u32 $0x100, v13;
	v12 =	vand.u32 $0xFFFF0000, v12;
	v16 =	vmul.f32 v16, v1  }
0x84: {  	v11 =	vand.u32 $0xFFFF0000, v11;
	[tilespmem:v14+s22+$0x0] =	vst.idx.add.f32.msk $0xffff, v15;
	v1 =	vmul.f32 v12, v1;
	v12 =	vor.u32 $0x100, v7  }
0x85: {  	v3 =	vmul.f32 v11, v3;
	v11 =	vor.u32 $0x180, v13;
	[tilespmem:v9+s22+$0x0] =	vst.idx.add.f32.msk $0xffff, v16;
	v9 =	vshll.u32 v10, $0x10  }
0x86: {  	v7 =	vor.u32 $0x180, v7;
	[tilespmem:v6+s22+$0x0] =	vst.idx.add.f32.msk $0xffff, v1;
	v1 =	vshll.u32 v8, $0x10;
	v6 =	vmul.f32 v9, v2  }
0x87: {  	[tilespmem:v5+s22+$0x0] =	vst.idx.add.f32.msk $0xffff, v3;
	v3 =	vand.u32 $0xFFFF0000, v10;
	v1 =	vmul.f32 v1, v4  }
0x88: {  	v5 =	vand.u32 $0xFFFF0000, v8;
	v2 =	vmul.f32 v3, v2;
	[tilespmem:v17+s22+$0x0] =	vst.idx.add.f32.msk $0xffff, v6  }
0x89: {  	s28 =	sshll.u32 s26, $0xA;
	p0 =	seq.s32 s26, $0x28;
	v3 =	vmul.f32 v5, v4;
	[tilespmem:v12+s22+$0x0] =	vst.idx.add.f32.msk $0xffff, v1  }
0x8a: {  	s0 =	sadd.s32 @!p0 $0x400, s28;
	[tilespmem:v11+s22+$0x0] =	vst.idx.add.f32.msk $0xffff, v2  }
0x8b: {  	s30 =	simm.s32 @!p0 $0x0;
	s31 =	simm.s32 @!p0 $0xED00;
	s29 =	sadd.s32 @!p0 s3, s0;
	[tilespmem:v7+s22+$0x0] =	vst.idx.add.f32.msk $0xffff, v3  }
0x8c: {  	[tilespmem:s31], [sflag:$0x1] =	stream.linear.gather @!p0 [hbm4b:s29+s30], $0x1000, $0x38;
	[tilespmem:$0x14D00] =	vst v63  }
0x8d: {  	s29 =	sadd.s32 @!p0 s4, s0;
	s31 =	simm.s32 @!p0 $0x10D00  }
0x8e: {  	[tilespmem:s31], [sflag:$0x1] =	stream.linear.gather @!p0 [hbm4b:s29+s30], $0x1000, $0x38;
	[tilespmem:$0x14D00] =	vst v63  }
0x8f: {  	s0 =	sadd.s32 @!p0 s5, s0;
	s29 =	simm.s32 @!p0 $0x12D00  }
0x90: {  	[tilespmem:s29], [sflag:$0x1] =	stream.linear.gather @!p0 [hbm4b:s0+s30], $0x1000, $0x38;
	[tilespmem:$0x14D00] =	vst v63  }
0x91: {  	_ =	swait.ge [sflag:s23], $0x1000  }
0x92: {  	[sflag:s23] =	ssyncset.done $0x0  }
0x93: {  	[sflag:s23] =	ssyncadd.s32 $0xFFFFF000  }
0x94: {  	_ =	swait.ge [sflag:s23], $0x1000  }
0x95: {  	[sflag:s23] =	ssyncset.done $0x0  }
0x96: {  	[sflag:s23] =	ssyncadd.s32 $0xFFFFF000  }
0x97: {  	_ =	swait.ge [sflag:s23], $0x1000  }
0x98: {  	[sflag:s23] =	ssyncset.done $0x0  }
0x99: {  	s0 =	simm.s32 $0xFD30;
	[sflag:s23] =	ssyncadd.s32 $0xFFFFF000  }
0x9a: {  	v1 =	vld [tilespmem:s0+$0xFFFFFFF0];
	_ =	sdelay $0x1  }
0x9b: {  	v2 =	vld [tilespmem:s0+$0x0];
	_ =	sdelay $0x2  }
0x9c: {  	v3 =	vshll.u32 v1, $0x1  }
0x9d: {  	s29 =	simm.s32 $0x11D30;
	v4 =	vld [tilespmem:s0+$0xFFFFFFE0];
	v1 =	vand.u32 $0x7F, v1;
	v3 =	vand.u32 $0xFFFFFF00, v3  }
0x9e: {  	v5 =	vld [tilespmem:s29+$0xFFFFFFF0];
	v7 =	vor.u32 v1, v3;
	v1 =	vshll.u32 v2, $0x1  }
0x9f: {  	v2 =	vand.u32 $0x7F, v2;
	v3 =	vand.u32 $0xFFFFFF00, v1  }
0xa0: {  	v9 =	vor.u32 v2, v3;
	v2 =	vld [tilespmem:s29+$0x0];
	_ =	sdelay $0x1  }
0xa1: {  	v11 =	vld [tilespmem:s29+$0xFFFFFFE0]  }
0xa2: {  	s30 =	simm.s32 $0x13D30;
	v6 =	vshll.u32 v5, $0x2;
	v3 =	vshll.u32 v4, $0x1;
	v10 =	vld.idx.msk [tilespmem:v7+s1+$0x0], $0xffff  }
0xa3: {  	v5 =	vand.u32 $0x7F, v5;
	v1 =	vld [tilespmem:s30+$0xFFFFFFF0];
	v4 =	vand.u32 $0x7F, v4;
	v8 =	vand.u32 $0xFFFFFF00, v3  }
0xa4: {  	v6 =	vand.u32 $0xFFFFFE00, v6;
	v8 =	vor.u32 v4, v8;
	v4 =	vld.idx.msk [tilespmem:v9+s1+$0x0], $0xffff;
	v12 =	vshll.u32 v2, $0x2  }
0xa5: {  	v6 =	vor.u32 v5, v6;
	v3 =	vld [tilespmem:s30+$0x0];
	v5 =	vand.u32 $0x7F, v2;
	v12 =	vand.u32 $0xFFFFFE00, v12  }
0xa6: {  	v13 =	vor.u32 $0x80, v6;
	v5 =	vor.u32 v5, v12;
	v12 =	vld [tilespmem:s0+$0xFFFFFFD0]  }
0xa7: {  	v15 =	vshll.u32 v10, $0x10  }
0xa8: {  	v14 =	vld [tilespmem:s29+$0xFFFFFFD0];
	v16 =	vshll.u32 v11, $0x2;
	v10 =	vand.u32 $0xFFFF0000, v10;
	v15 =	vmul.f32 v15, v1  }
0xa9: {  	v19 =	vor.u32 $0x80, v7;
	v18 =	vld.idx.msk [tilespmem:v8+s1+$0x0], $0xffff;
	v10 =	vmul.f32 v10, v1;
	v7 =	vshll.u32 v4, $0x10  }
0xaa: {  	v20 =	vor.u32 $0x80, v9;
	v17 =	vor.u32 $0x80, v5;
	[tilespmem:v6+s22+$0x0] =	vst.idx.add.f32.msk $0xffff, v15;
	v9 =	vmul.f32 v7, v3  }
0xab: {  	v7 =	vand.u32 $0x7F, v11;
	v11 =	vand.u32 $0xFFFFFE00, v16;
	[tilespmem:v13+s22+$0x0] =	vst.idx.add.f32.msk $0xffff, v10;
	v10 =	vshll.u32 v12, $0x1  }
0xac: {  	v2 =	vld [tilespmem:s30+$0xFFFFFFD0];
	v7 =	vor.u32 v7, v11;
	v11 =	vand.u32 $0x7F, v12;
	v10 =	vand.u32 $0xFFFFFF00, v10  }
0xad: {  	v15 =	vand.u32 $0xFFFF0000, v4;
	v4 =	vld [tilespmem:s30+$0xFFFFFFE0];
	v10 =	vor.u32 v11, v10  }
0xae: {  	v15 =	vmul.f32 v15, v3;
	[tilespmem:v5+s22+$0x0] =	vst.idx.add.f32.msk $0xffff, v9  }
0xaf: {  	v12 =	vld.idx.msk [tilespmem:v19+s1+$0x0], $0xffff  }
0xb0: {  	v13 =	vand.u32 $0x7F, v14;
	v16 =	vshll.u32 v18, $0x10;
	[tilespmem:v17+s22+$0x0] =	vst.idx.add.f32.msk $0xffff, v15;
	v11 =	vshll.u32 v14, $0x2  }
0xb1: {  	s31 =	simm.s32 $0x0;
	s0 =	simm.s32 $0xFD70;
	v9 =	vor.u32 $0x80, v7;
	v14 =	vand.u32 $0xFFFF0000, v18;
	v15 =	vand.u32 $0xFFFFFE00, v11;
	v11 =	vld.idx.msk [tilespmem:v20+s1+$0x0], $0xffff  }
.LBB2_7:
0xb2: {  	s31 =	sadd.s32 $0x4, s31;
	v17 =	vld.idx.msk [tilespmem:v10+s1+$0x0], $0xffff;
	s30 =	sadd.s32 $0x40, s30;
	s29 =	sadd.s32 $0x40, s29  }
0xb3: {  	v13 =	vor.u32 v13, v15;
	v15 =	vmul.f32 v16, v4;
	v18 =	vld [tilespmem:s30+$0xFFFFFFF0];
	p1 =	slt.u32 s31, $0xFC  }
0xb4: {  	v19 =	vor.u32 $0x80, v13;
	v16 =	vld [tilespmem:s29+$0xFFFFFFE0]  }
0xb5: {  	v14 =	vmul.f32 v14, v4;
	v20 =	vld [tilespmem:s29+$0xFFFFFFF0]  }
0xb6: {  	v8 =	vor.u32 $0x80, v8;
	[tilespmem:v7+s22+$0x0] =	vst.idx.add.f32.msk $0xffff, v15;
	v15 =	vand.u32 $0xFFFF0000, v12  }
0xb7: {  	v12 =	vshll.u32 v12, $0x10;
	v22 =	vshll.u32 v11, $0x10;
	v21 =	vld [tilespmem:s29+$0x0];
	v15 =	vmul.f32 v15, v1  }
0xb8: {  	v11 =	vand.u32 $0xFFFF0000, v11;
	v24 =	vshll.u32 v17, $0x10;
	v17 =	vand.u32 $0xFFFF0000, v17;
	v23 =	vld [tilespmem:s0+$0xFFFFFFE0]  }
0xb9: {  	v10 =	vor.u32 $0x80, v10;
	v24 =	vmul.f32 v24, v2;
	[tilespmem:v9+s22+$0x0] =	vst.idx.add.f32.msk $0xffff, v14;
	v9 =	vmul.f32 v11, v3  }
0xba: {  	v3 =	vmul.f32 v22, v3;
	v11 =	vld [tilespmem:s0+$0xFFFFFFF0]  }
0xbb: {  	v14 =	vmul.f32 v17, v2;
	v17 =	vor.u32 $0x100, v5;
	[tilespmem:v13+s22+$0x0] =	vst.idx.add.f32.msk $0xffff, v24  }
0xbc: {  	v24 =	vor.u32 $0x100, v6;
	v22 =	vld [tilespmem:s0+$0x0]  }
0xbd: {  	[tilespmem:v19+s22+$0x0] =	vst.idx.add.f32.msk $0xffff, v14;
	v14 =	vor.u32 $0x100, v7;
	v19 =	vor.u32 $0x180, v7  }
0xbe: {  	v25 =	vor.u32 $0x180, v13;
	v5 =	vor.u32 $0x180, v5;
	v6 =	vor.u32 $0x180, v6;
	v10 =	vld.idx.msk [tilespmem:v10+s1+$0x0], $0xffff  }
0xbf: {  	v12 =	vmul.f32 v12, v1;
	v1 =	vmovc v18;
	v7 =	vand.u32 $0x7F, v11;
	v11 =	vshll.u32 v11, $0x1;
	v8 =	vld.idx.msk [tilespmem:v8+s1+$0x0], $0xffff  }
0xc0: {  	v13 =	vor.u32 $0x100, v13;
	v18 =	vand.u32 $0x7F, v23;
	v11 =	vand.u32 $0xFFFFFF00, v11;
	[tilespmem:v17+s22+$0x0] =	vst.idx.add.f32.msk $0xffff, v3  }
0xc1: {  	v17 =	vshll.u32 v23, $0x1;
	v11 =	vor.u32 v7, v11;
	v7 =	vshll.u32 v22, $0x1;
	[tilespmem:v24+s22+$0x0] =	vst.idx.add.f32.msk $0xffff, v12  }
0xc2: {  	v12 =	vshll.u32 v20, $0x2;
	v22 =	vand.u32 $0x7F, v22;
	v3 =	vld [tilespmem:s30+$0x0];
	v7 =	vand.u32 $0xFFFFFF00, v7  }
0xc3: {  	v23 =	vand.u32 $0x7F, v21;
	v22 =	vor.u32 v22, v7;
	v7 =	vshll.u32 v21, $0x2;
	[tilespmem:v6+s22+$0x0] =	vst.idx.add.f32.msk $0xffff, v15  }
0xc4: {  	v6 =	vand.u32 $0x7F, v16;
	v15 =	vshll.u32 v16, $0x2;
	v16 =	vshll.u32 v10, $0x10;
	[tilespmem:v5+s22+$0x0] =	vst.idx.add.f32.msk $0xffff, v9  }
0xc5: {  	v5 =	vand.u32 $0xFFFFFE00, v15;
	v15 =	vand.u32 $0xFFFFFE00, v7;
	v21 =	vand.u32 $0xFFFF0000, v8;
	v9 =	vld [tilespmem:s30+$0xFFFFFFD0]  }
0xc6: {  	v7 =	vor.u32 v6, v5;
	v6 =	vand.u32 $0xFFFFFE00, v12;
	v12 =	vshll.u32 v8, $0x10;
	v24 =	vld.idx.msk [tilespmem:v11+s1+$0x0], $0xffff  }
0xc7: {  	v8 =	vand.u32 $0x7F, v20;
	v5 =	vor.u32 v23, v15;
	v15 =	vmul.f32 v16, v2;
	v26 =	vld [tilespmem:s29+$0xFFFFFFD0]  }
0xc8: {  	v10 =	vand.u32 $0xFFFF0000, v10;
	v16 =	vand.u32 $0xFFFFFF00, v17;
	v6 =	vor.u32 v8, v6;
	v17 =	vld.idx.msk [tilespmem:v22+s1+$0x0], $0xffff  }
0xc9: {  	v8 =	vor.u32 v18, v16;
	v12 =	vmul.f32 v12, v4;
	[tilespmem:v13+s22+$0x0] =	vst.idx.add.f32.msk $0xffff, v15  }
0xca: {  	v10 =	vmul.f32 v10, v2;
	v4 =	vmul.f32 v21, v4;
	v15 =	vor.u32 $0x80, v6;
	v13 =	vld [tilespmem:s0+$0xFFFFFFD0];
	v2 =	vmovc v9  }
0xcb: {  	v16 =	vor.u32 $0x80, v5;
	[tilespmem:v14+s22+$0x0] =	vst.idx.add.f32.msk $0xffff, v12  }
0xcc: {  	v9 =	vor.u32 $0x80, v7;
	v12 =	vshll.u32 v24, $0x10;
	v14 =	vand.u32 $0xFFFF0000, v24;
	[tilespmem:v25+s22+$0x0] =	vst.idx.add.f32.msk $0xffff, v10  }
0xcd: {  	v11 =	vor.u32 $0x80, v11;
	v10 =	vmul.f32 v12, v1;
	[tilespmem:v19+s22+$0x0] =	vst.idx.add.f32.msk $0xffff, v4  }
0xce: {  	v18 =	vor.u32 $0x80, v22;
	v4 =	vshll.u32 v17, $0x10;
	v17 =	vand.u32 $0xFFFF0000, v17;
	v12 =	vld.idx.msk [tilespmem:v8+s1+$0x0], $0xffff  }
0xcf: {  	v14 =	vmul.f32 v14, v1;
	v20 =	vmul.f32 v4, v3;
	v19 =	vshll.u32 v13, $0x1;
	[tilespmem:v6+s22+$0x0] =	vst.idx.add.f32.msk $0xffff, v10  }
0xd0: {  	v17 =	vmul.f32 v17, v3;
	v10 =	vand.u32 $0x7F, v13;
	v13 =	vand.u32 $0xFFFFFF00, v19;
	v4 =	vld [tilespmem:s30+$0xFFFFFFE0]  }
.Ltmp4:
0xd1: {  	v10 =	vor.u32 v10, v13;
	[tilespmem:v15+s22+$0x0] =	vst.idx.add.f32.msk $0xffff, v14;
	(pc) =	sbr.rel @p1 .LBB2_7-.Ltmp4, $4  }
0xd2: {  	v13 =	vand.u32 $0x7F, v26;
	v14 =	vshll.u32 v26, $0x2;
	[tilespmem:v5+s22+$0x0] =	vst.idx.add.f32.msk $0xffff, v20  }
0xd3: {  	v15 =	vand.u32 $0xFFFFFE00, v14;
	[tilespmem:v16+s22+$0x0] =	vst.idx.add.f32.msk $0xffff, v17  }
0xd4: {  	v16 =	vshll.u32 v12, $0x10;
	v14 =	vand.u32 $0xFFFF0000, v12;
	v12 =	vld.idx.msk [tilespmem:v11+s1+$0x0], $0xffff  }
0xd5: {  	s0 =	sadd.s32 $0x40, s0;
	v11 =	vld.idx.msk [tilespmem:v18+s1+$0x0], $0xffff  }
0xd6: {  	_ =	sdelay $0x3  }
0xd7: {  	v17 =	vld.idx.msk [tilespmem:v10+s1+$0x0], $0xffff;
	_ =	sdelay $0x1  }
0xd8: {  	v8 =	vor.u32 $0x80, v8  }
0xd9: {  	v13 =	vor.u32 v13, v15;
	v43 =	vmul.f32 v16, v4  }
0xda: {  	v14 =	vmul.f32 v14, v4;
	v44 =	vor.u32 $0x80, v13  }
0xdb: {  	v45 =	vor.u32 $0x80, v10;
	[tilespmem:v7+s22+$0x0] =	vst.idx.add.f32.msk $0xffff, v43;
	v18 =	vshll.u32 v17, $0x10  }
0xdc: {  	[tilespmem:v9+s22+$0x0] =	vst.idx.add.f32.msk $0xffff, v14;
	v46 =	vand.u32 $0xFFFF0000, v17;
	v47 =	vmul.f32 v18, v2  }
0xdd: {  	v8 =	vld.idx.msk [tilespmem:v8+s1+$0x0], $0xffff;
	v48 =	vmul.f32 v46, v2  }
0xde: {  	v50 =	vor.u32 $0x100, v6;
	[tilespmem:v13+s22+$0x0] =	vst.idx.add.f32.msk $0xffff, v47  }
0xdf: {  	v52 =	vor.u32 $0x180, v6;
	[tilespmem:v44+s22+$0x0] =	vst.idx.add.f32.msk $0xffff, v48  }
0xe0: {  	v49 =	vor.u32 $0x100, v5;
	v53 =	vshll.u32 v12, $0x10;
	v10 =	vld.idx.msk [tilespmem:v45+s1+$0x0], $0xffff  }
0xe1: {  	v54 =	vor.u32 $0x180, v5;
	v55 =	vand.u32 $0xFFFF0000, v12;
	v16 =	vmul.f32 v53, v1  }
0xe2: {  	v58 =	vor.u32 $0x100, v7;
	v51 =	vshll.u32 v11, $0x10;
	v1 =	vmul.f32 v55, v1  }
0xe3: {  	v56 =	vor.u32 $0x100, v13;
	v57 =	vand.u32 $0xFFFF0000, v11;
	v15 =	vmul.f32 v51, v3;
	[tilespmem:v50+s22+$0x0] =	vst.idx.add.f32.msk $0xffff, v16  }
0xe4: {  	v61 =	vor.u32 $0x180, v7;
	v3 =	vmul.f32 v57, v3;
	[tilespmem:v52+s22+$0x0] =	vst.idx.add.f32.msk $0xffff, v1;
	v1 =	vshll.u32 v8, $0x10  }
0xe5: {  	v59 =	vor.u32 $0x180, v13;
	[tilespmem:v49+s22+$0x0] =	vst.idx.add.f32.msk $0xffff, v15;
	v1 =	vmul.f32 v1, v4;
	v60 =	vshll.u32 v10, $0x10  }
.Ltmp5:
0xe6: {  	[tilespmem:v54+s22+$0x0] =	vst.idx.add.f32.msk $0xffff, v3;
	v63 =	vand.u32 $0xFFFF0000, v8;
	v3 =	vand.u32 $0xFFFF0000, v10;
	v62 =	vmul.f32 v60, v2;
	(pc) =	sbr.rel @p0 .LBB2_10-.Ltmp5, $4  }
0xe7: {  	[tilespmem:v58+s22+$0x0] =	vst.idx.add.f32.msk $0xffff, v1;
	v2 =	vmul.f32 v3, v2;
	v3 =	vmul.f32 v63, v4  }
0xe8: {  	[tilespmem:v56+s22+$0x0] =	vst.idx.add.f32.msk $0xffff, v62  }
0xe9: {  	[tilespmem:v61+s22+$0x0] =	vst.idx.add.f32.msk $0xffff, v3  }
0xea: {  	[tilespmem:v59+s22+$0x0] =	vst.idx.add.f32.msk $0xffff, v2  }
0xeb: {  	s0 =	sadd.s32 $0x600, s28  }
0xec: {  	s28 =	sadd.s32 s3, s0  }
0xed: {  	[tilespmem:s18], [sflag:$0x2] =	stream.linear.gather [hbm4b:s28+s1], $0x1000, $0x38;
	[tilespmem:$0x14D00] =	vst v63  }
.Ltmp6:
0xee: {  	_ = 	snop;
	(pc) =	sbr.rel .LBB2_4-.Ltmp6, $4  }
0xef: {  	s31 =	sadd.s32 s4, s0  }
0xf0: {  	[tilespmem:s19], [sflag:$0x2] =	stream.linear.gather [hbm4b:s31+s1], $0x1000, $0x38;
	[tilespmem:$0x14D00] =	vst v63  }
0xf1: {  	s26 =	sadd.s32 $0x1, s26;
	s0 =	sadd.s32 s5, s0  }
0xf2: {  	[tilespmem:s20], [sflag:$0x2] =	stream.linear.gather [hbm4b:s0+s1], $0x1000, $0x38;
	[tilespmem:$0x14D00] =	vst v63  }
.LBB2_11:
0xf3: {  	_ =	sfence.sel $0x180000  }
0xf4: {  	[bflag:$0x0] =	sbarrier.arrive $0xFFFF  }
0xf5: {  	_ =	strace $0x90000050  }
0xf6: {  	[bflag:$0x2] =	sbarrier.arrive $0xFFFF  }
0xf7: {  	p0 =	sne.s32 s2, $0x0;
	s0 =	rddreg [dreg:$0x2]  }
0xf8: {  	s0 =	sadd.s32 @!p0 $0x100000, s0  }
0xf9: {  	[sflag:s0] =	ssyncadd.tile.s32 @!p0 $0x1;
	_ =	shalt  }
.Lfunc_end2:
_tile_overlayer_lowered:
.L_overlay_start_2:
0xfa: {  	(tag) =	ssettag $0x2  }
0xfb: {  	s0 =	rddreg [dreg:$0x0];
	s2 =	stileid.u32  }
0xfc: {  	s1 =	rddreg [dreg:$0x1];
	p0 =	sne.s32 s2, $0x0  }
0xfd: {  	s3 =	rddreg [dreg:$0x2];
	[bflag:$0x3] =	sbarrier.arrive $0xFFFF;
	s2 =	simm.s32 @!p0 $0x1C03  }
0xfe: {  	[timem:s3], [sflag:s2] =	dma.local @!p0 [hbm:s0], s1  }
0xff: {  	s0 =	simm.s32 @!p0 $0x3  }
0x100: {  	_ =	swait.ge @!p0 [sflag:s0], s1  }
0x101: {  	s1 =	ssub.s32 @!p0 $0x0, s1;
	[sflag:s0] =	ssyncset.done @!p0 $0x0  }
0x102: {  	[sflag:s0] =	ssyncadd.s32 @!p0 s1  }
0x103: {  	[bflag:$0x3] =	sbarrier.arrive $0xFFFF  }
0x104: {  	_ =	shalt  }

// kernel: kernel.9.cloned.1.call-start
scs
__scs_entry_jumppad:
0x0: {  	(pc) =	sbr.rel $0x88, $3  }
0x1: {  	(tag) =	ssettag $0x0;
	lr =	simm.s32 $0x1  }
0x2: {  	[smem:$0x3F92] =	sst lr;
	_ =	strace $0xD0000000  }
0x3: {  	_ = 	snop  }
0x4: {  	_ = 	snop  }
0x5: {  	_ = 	snop  }
0x6: {  	_ = 	snop  }
0x7: {  	_ = 	snop  }
__scs_overlays_trampoline_lowered:
0x8: {  	[smem:$0x3FA1] =	sst s0  }
0x9: {  	[smem:$0x3FA2] =	sst s1  }
0xa: {  	[smem:$0x3FA3] =	sst s2  }
0xb: {  	[smem:$0x3FA4] =	sst s3  }
0xc: {  	[smem:$0x3FA5] =	sst s4  }
0xd: {  	[smem:$0x3FA6] =	sst s5  }
0xe: {  	[smem:$0x3FA7] =	sst s6  }
0xf: {  	[smem:$0x3FA8] =	sst s7  }
0x10: {  	[smem:$0x3FA9] =	sst s8  }
0x11: {  	[smem:$0x3FAA] =	sst s9;
	s0 =	simm.s32 @!p0 $0x0  }
0x12: {  	s1 =	sld [smem:$0x3F90];
	s0 =	simm.s32 @p0 $0x1  }
0x13: {  	[smem:$0x3FAB] =	sst s0;
	s0 =	simm.s32 @!p1 $0x0  }
0x14: {  	s2 =	sld [smem:$0x3F8F];
	s0 =	simm.s32 @p1 $0x1  }
0x15: {  	[smem:$0x3FAC] =	sst s0;
	s0 =	simm.s32 @!p2 $0x0  }
0x16: {  	s3 =	sld [smem:$0x3FDB];
	s0 =	simm.s32 @p2 $0x1  }
0x17: {  	s4 =	simm.s32 $0x1BF5;
	[smem:$0x3FAE] =	sst s0  }
0x18: {  	s0 =	sld [smem:$0x3F91];
	_ =	swait.ge [sflag:s4], $0x0  }
0x19: {  	s7 =	sld [smem:$0x3F92]  }
0x1a: {  	s8 =	sadd.s32 $0xFFFFE003, lr  }
0x1b: {  	s9 =	sadd.s32 $0xFFFFFEF7, lr;
	s5 =	simm.s32 $0xFFFFFFFF;
	p2 =	slt.u32 s8, $0xFFFFF086  }
0x1c: {  	p1 =	slt.u32 s9, $0xF7A;
	s5 =	simm.s32 @!p2 $0x0  }
0x1d: {  	s5 =	simm.s32 @p1 $0x1;
	p0 =	seq.s32 s7, s2  }
0x1e: {  	s7 =	smul.u32 @!p0 $0xF7A, s2;
	p2 =	seq.s32 @!p0 s5, $0x0  }
0x1f: {  	s9 =	smul.u32 $0xF7A, s1;
	s8 =	simm.s32 @!p0 $0x1BF5;
	p2 =	por !p2, p0  }
0x20: {  	[sflag:s8] =	ssyncset.s32 @!p0 $0xFFFFF086;
	s6 =	sadd.s32 @!p0 s3, s7;
	s7 =	simm.s32 @!p0 $0x108  }
0x21: {  	s3 =	sadd.s32 s3, s9;
	s6 =	sadd.s32 @!p0 $0x88, s6;
	s7 =	simm.s32 @p2 $0x1082  }
0x22: {  	[simem:s7], [sflag:s8] =	dma.local @!p0 [hbm:s6], $0xF7A  }
0x23: {  	s9 =	sor.u32 $0xD0000000, s2;
	s6 =	simm.s32 $0x108;
	_ =	swait.ge @!p0 [sflag:s8], $0x0  }
0x24: {  	s3 =	sadd.s32 $0x88, s3;
	s6 =	simm.s32 @!p1 $0x1082;
	[sflag:s4] =	ssyncset.s32 $0xFFFFF086  }
0x25: {  	[simem:s6], [sflag:s4] =	dma.local [hbm:s3], $0xF7A  }
0x26: {  	[smem:$0x3F92] =	sst s1;
	(tag) =	ssettag s2;
	_ =	strace s9  }
0x27: {  	s1 =	sld [smem:$0x3FA2]  }
0x28: {  	s2 =	sld [smem:$0x3FA3]  }
0x29: {  	s4 =	sld [smem:$0x3FA5]  }
0x2a: {  	p0 =	seq.s32 s5, $0x0;
	s5 =	sld [smem:$0x3FA6]  }
0x2b: {  	s6 =	sld [smem:$0x3FA7]  }
0x2c: {  	s7 =	sld [smem:$0x3FA8]  }
0x2d: {  	s3 =	simm.s32 $0x108;
	s8 =	sld [smem:$0x3FA9]  }
0x2e: {  	s3 =	simm.s32 @!p0 $0x1082;
	s9 =	sld [smem:$0x3FAA]  }
0x2f: {  	lr =	sadd.s32 s0, s3;
	s0 =	sld [smem:$0x3FA1]  }
0x30: {  	s3 =	sld [smem:$0x3FA4]  }
0x31: {  	[smem:$0x3FAD] =	sst s10  }
0x32: {  	s10 =	sld [smem:$0x3FAB];
	_ =	sdelay $0x3  }
0x33: {  	p0 =	seq.s32 s10, $0x1;
	s10 =	sld [smem:$0x3FAD];
	_ =	sdelay $0x3  }
0x34: {  	[smem:$0x3FAD] =	sst s10  }
0x35: {  	s10 =	sld [smem:$0x3FAC];
	_ =	sdelay $0x3  }
0x36: {  	p1 =	seq.s32 s10, $0x1;
	s10 =	sld [smem:$0x3FAD];
	_ =	sdelay $0x3  }
0x37: {  	[smem:$0x3FAD] =	sst s10  }
0x38: {  	s10 =	sld [smem:$0x3FAE]  }
0x39: {  	_ = 	snop;
	(pc) =	sbr.ind lr, $3  }
0x3a: {  	_ = 	snop  }
0x3b: {  	_ = 	snop  }
0x3c: {  	p2 =	seq.s32 s10, $0x1;
	s10 =	sld [smem:$0x3FAD]  }
0x3d: {  	_ =	shalt  }
0x3e: {  	_ =	shalt  }
0x3f: {  	_ =	shalt  }
0x40: {  	_ =	shalt  }
0x41: {  	_ =	shalt  }
0x42: {  	_ =	shalt  }
0x43: {  	_ =	shalt  }
0x44: {  	_ =	shalt  }
0x45: {  	_ =	shalt  }
0x46: {  	_ =	shalt  }
0x47: {  	_ =	shalt  }
0x48: {  	_ =	shalt  }
0x49: {  	_ =	shalt  }
0x4a: {  	_ =	shalt  }
0x4b: {  	_ =	shalt  }
0x4c: {  	_ =	shalt  }
0x4d: {  	_ =	shalt  }
0x4e: {  	_ =	shalt  }
0x4f: {  	_ =	shalt  }
0x50: {  	_ =	shalt  }
0x51: {  	_ =	shalt  }
0x52: {  	_ =	shalt  }
0x53: {  	_ =	shalt  }
0x54: {  	_ =	shalt  }
0x55: {  	_ =	shalt  }
0x56: {  	_ =	shalt  }
0x57: {  	_ =	shalt  }
0x58: {  	_ =	shalt  }
0x59: {  	_ =	shalt  }
0x5a: {  	_ =	shalt  }
0x5b: {  	_ =	shalt  }
0x5c: {  	_ =	shalt  }
0x5d: {  	_ =	shalt  }
0x5e: {  	_ =	shalt  }
0x5f: {  	_ =	shalt  }
0x60: {  	_ =	shalt  }
0x61: {  	_ =	shalt  }
0x62: {  	_ =	shalt  }
0x63: {  	_ =	shalt  }
0x64: {  	_ =	shalt  }
0x65: {  	_ =	shalt  }
0x66: {  	_ =	shalt  }
0x67: {  	_ =	shalt  }
0x68: {  	_ =	shalt  }
0x69: {  	_ =	shalt  }
0x6a: {  	_ =	shalt  }
0x6b: {  	_ =	shalt  }
0x6c: {  	_ =	shalt  }
0x6d: {  	_ =	shalt  }
0x6e: {  	_ =	shalt  }
0x6f: {  	_ =	shalt  }
0x70: {  	_ =	shalt  }
0x71: {  	_ =	shalt  }
0x72: {  	_ =	shalt  }
0x73: {  	_ =	shalt  }
0x74: {  	_ =	shalt  }
0x75: {  	_ =	shalt  }
0x76: {  	_ =	shalt  }
0x77: {  	_ =	shalt  }
0x78: {  	_ =	shalt  }
0x79: {  	_ =	shalt  }
0x7a: {  	_ =	shalt  }
0x7b: {  	_ =	shalt  }
0x7c: {  	_ =	shalt  }
0x7d: {  	_ =	shalt  }
0x7e: {  	_ =	shalt  }
0x7f: {  	_ =	shalt  }
0x80: {  	_ =	shalt  }
0x81: {  	_ =	shalt  }
0x82: {  	_ =	shalt  }
0x83: {  	_ =	shalt  }
0x84: {  	_ =	shalt  }
0x85: {  	_ =	shalt  }
0x86: {  	_ =	shalt  }
0x87: {  	_ =	shalt  }
.Lfunc_end0:
.L_simem_size_0:
called_computation_lowered:
.L_overlay_start_0:
0x88: {  	s2 =	sld [smem:$0x3FD9]  }
0x89: {  	s3 =	sld [smem:$0x3FFE];
	_ =	sdelay $0x1  }
0x8a: {  	s1 =	srdreg.scid  }
0x8b: {  	s0 =	sand.u32 $0x1, s1  }
0x8c: {  	s16 =	sshll.u32 s0, $0xA;
	s2 =	sadd.s32 s3, s2  }
0x8d: {  	s2 =	sadd.s32 s2, s16  }
0x8e: {  	[smem:$0x3FB9] =	sst s2  }
0x8f: {  	_ = 	snop  }
0x90: {  	(tm) =	ssettm $0x1  }
0x91: {  	s17 =	sld [smem:$0x3FFB];
	_ =	sdelay $0x3  }
0x92: {  	_ =	strace s17  }
0x93: {  	s2 =	sld [smem:$0x3FFC];
	_ =	sdelay $0x3  }
0x94: {  	_ =	strace s2  }
0x95: {  	s2 =	sld [smem:$0x3FFD];
	_ =	sdelay $0x3  }
0x96: {  	_ =	strace s2  }
0x97: {  	_ =	strace $0x8FFFFFFF  }
0x98: {  	s18 =	sld [smem:$0x3FDB];
	_ =	sdelay $0x1  }
0x99: {  	s19 =	simm.s32 $_scs_section_size  }
0x9a: {  	s4 =	simm.s32 $_size__tile_overlayer_lowered;
	s5 =	simm.s32 $_tile_overlayer_lowered  }
0x9b: {  	s22 =	simm.s32 $0x1BFF;
	s21 =	sshll.u32 s5, $0x1;
	s2 =	sadd.s32 s19, s18  }
0x9c: {  	s6 =	simm.s32 $0x0;
	s20 =	sshll.u32 s4, $0x1;
	s4 =	sadd.s32 s21, s2  }
0x9d: {  	[timem:s6], [sflag:s22] =	dma.local [hbm:s4], s20  }
0x9e: {  	_ =	swait.ge [sflag:s22], s20  }
0x9f: {  	s3 =	ssub.s32 $0x0, s20;
	[sflag:s22] =	ssyncset.done $0x0  }
0xa0: {  	[sflag:s22] =	ssyncadd.s32 s3;
	_ =	sdelay $0x1  }
0xa1: {  	s23 =	simm.s32 $0x1B8B  }
0xa2: {  	_ =	swait.ge [sflag:s23], $0x1  }
0xa3: {  	[sflag:s23] =	ssyncset.done $0x0  }
0xa4: {  	s25 =	simm.s32 $0x1B8E;
	s24 =	sld [smem:$0x3FFE];
	[sflag:s23] =	ssyncadd.s32 $0xFFFFFFFF  }
0xa5: {  	s26 =	simm.s32 $execute0_lowered;
	[smem:$0x3FD2] =	sst s25  }
0xa6: {  	s4 =	sshll.u32 s26, $0x1;
	_ =	strace $0x80000046;
	[dreg:$0x1] =	wrdreg $0xFFFFFFFF  }
0xa7: {  	s28 =	simm.s32 $_size_execute0_lowered;
	s2 =	sadd.s32 s2, s4;
	[dreg:$0x0] =	wrdreg $0x0  }
0xa8: {  	s4 =	sshll.u32 s28, $0x1;
	[dreg:$0x2] =	wrdreg s2  }
0xa9: {  	[dreg:$0x3] =	wrdreg s4  }
0xaa: {  	[dreg:$0x4] =	wrdreg $0xC0  }
0xab: {  	_ =	task [dreg:s6], $0x5FFFF  }
0xac: {  	[dreg:$0x1] =	wrdreg $0xFFFFFFFF  }
0xad: {  	[dreg:$0x0] =	wrdreg $0x60  }
0xae: {  	[dreg:$0x2] =	wrdreg s24  }
0xaf: {  	[dreg:$0x3] =	wrdreg $0x9  }
0xb0: {  	_ =	task.clear_ibuf [dreg:s6], $0x4FFFF;
	_ =	strace $0x90000046  }
0xb1: {  	s29 =	simm.s32 $0x9;
	_ =	strace $0x80000048  }
0xb2: {  	_ =	swait.ge [sflag:s29], $0x1  }
0xb3: {  	[sflag:s29] =	ssyncadd.s32 $0xFFFFFFFF  }
0xb4: {  	_ =	strace $0x90000048  }
0xb5: {  	_ =	sfence  }
0xb6: {  	s30 =	sld [smem:$0x0];
	_ =	sdelay $0x2  }
0xb7: {  	s31 =	sshll.u32 s1, $0xD;
	s1 =	sshrl.u32 s1, $0x2  }
0xb8: {  	s3 =	sand.u32 $0x4000, s31;
	s1 =	sadd.s32 s1, s30  }
0xb9: {  	s0 =	sor.u32 s3, s0;
	s1 =	sshll.u32 s1, $0x11  }
0xba: {  	s0 =	sor.u32 s1, s0  }
0xbb: {  	s0 =	sadd.s32 $0x8F2B, s0  }
0xbc: {  	[sflag:s0] =	ssyncadd.remote.s32 $0x1  }
0xbd: {  	_ =	sfence.sel $0xFFFF  }
0xbe: {  	[dreg:$0x0] =	wrdreg $0xFFFFFFFF;
	(pc) =	sbr.abs _section_cstart, $3  }
0xbf: {  	[dreg:$0x1] =	wrdreg $0xFFFFFFFF  }
0xc0: {  	_ =	task.clear_ibuf [dreg:s6], $0x2FFFF;
	_ =	strace $0x9FFFFFFF  }
0xc1: {  	(tm) =	ssettm $0x7FFFFFFF  }
tec
execute0_lowered:
.L_overlay_start_1:
0x0: {  	(tag) =	ssettag $0x1  }
0x1: {  	s5 =	rddreg [dreg:$0x0];
	s2 =	srdreg.scid  }
0x2: {  	s1 =	stileid.u32;
	s0 =	rddreg [dreg:$0x1];
	s11 =	simm.s32 $0x2780  }
0x3: {  	s12 =	simm.s32 $0x7680;
	s13 =	simm.s32 $0x9F80;
	s14 =	simm.s32 $0xC880  }
0x4: {  	s15 =	simm.s32 $0x1;
	s16 =	simm.s32 $0x4F00;
	s17 =	simm.s32 $0xF180  }
0x5: {  	s18 =	simm.s32 $0x2;
	s19 =	simm.s32 $0x80;
	s20 =	simm.s32 $0x400  }
0x6: {  	s21 =	simm.s32 $0x0;
	s6 =	sand.u32 $0x1, s2;
	s3 =	sshll.u32 s1, $0x1  }
0x7: {  	s2 =	simm.s32 $0x0;
	s26 =	sshrl.u32 s1, $0x2;
	s4 =	sor.u32 s6, s3  }
0x8: {  	[smem:$0x7FF] =	sst s2;
	s7 =	smul.u32 $0x13C00, s26;
	s3 =	sadd.s32 $0x15800, s5  }
0x9: {  	s6 =	ssub.s32 $0x2, s6;
	s28 =	sshll.u32 s4, $0x7;
	_ =	strace $0x80000047  }
0xa: {  	s9 =	smul.u32 $0x520, s4;
	s31 =	sshrl.u32 s6, $0x1;
	s8 =	sand.u32 $0x380, s28  }
0xb: {  	s4 =	sadd.s32 $0x15E00, s5;
	s10 =	ssub.s32 s6, s31;
	s7 =	sor.u32 s7, s8  }
0xc: {  	s29 =	sadd.s32 s9, s5;
	s10 =	smax.u32 s10, $0x1;
	s7 =	sshrl.u32 s7, $0x3  }
0xd: {  	s6 =	sadd.s32 $0xB400, s29;
	s8 =	sadd.s32 $0x2AC00, s29;
	s30 =	sadd.s32 s7, s5  }
0xe: {  	v0 =	vimm.f32 $0.0e+00;
	s5 =	sadd.s32 $0x1000, s29;
	s7 =	sadd.s32 $0x16400, s29;
	s9 =	sadd.s32 $0x35000, s30  }
.LBB2_1:
0xf: {  	[tilespmem:s2], [sflag:$0x1] =	stream.linear.gather [hbm4b:s3+s2], $0x2780, $0x38;
	[tilespmem:$0x11A80] =	vst v63  }
0x10: {  	_ = 	snop  }
0x11: {  	[tilespmem:s11], [sflag:$0x1] =	stream.linear.gather [hbm4b:s4+s2], $0x2780, $0x38;
	[tilespmem:$0x11A80] =	vst v63  }
0x12: {  	_ = 	snop  }
0x13: {  	[tilespmem:s12], [sflag:$0x1] =	stream.linear.gather [hbm4b:s5+s2], $0x2900, $0x38;
	[tilespmem:$0x11A80] =	vst v63  }
0x14: {  	_ = 	snop  }
0x15: {  	[tilespmem:s13], [sflag:$0x1] =	stream.linear.gather [hbm4b:s6+s2], $0x2900, $0x38;
	[tilespmem:$0x11A80] =	vst v63  }
0x16: {  	s22 =	simm.s32 $0x40;
	s23 =	simm.s32 $0x0  }
0x17: {  	[tilespmem:s14], [sflag:$0x1] =	stream.linear.gather [hbm4b:s7+s2], $0x2900, $0x38;
	[tilespmem:$0x11A80] =	vst v63  }
.LBB2_2:
0x18: {  	p0 =	sne.s32 s22, $0x9C00;
	[tilespmem:s23+$0x4F00] =	vst v0;
	s23 =	smov.u32 s22;
	s22 =	sadd.s32 $0x40, s22  }
.Ltmp0:
0x19: {  	(pc) =	sbr.rel @p0 .LBB2_2-.Ltmp0, $2  }
0x1a: {  	_ =	sdelay $0x2  }
0x1b: {  	s23 =	sshra.s32 s23, $0x2  }
0x1c: {  	[tilespmem:s23+$0x4F00] =	vst v0  }
0x1d: {  	_ =	swait.ge [sflag:s15], $0x2780  }
0x1e: {  	[sflag:s15] =	ssyncset.done $0x0  }
0x1f: {  	[sflag:s15] =	ssyncadd.s32 $0xFFFFD880  }
0x20: {  	_ =	swait.ge [sflag:s15], $0x2780  }
0x21: {  	[sflag:s15] =	ssyncset.done $0x0  }
0x22: {  	[sflag:s15] =	ssyncadd.s32 $0xFFFFD880  }
0x23: {  	_ =	swait.ge [sflag:s15], $0x2900  }
0x24: {  	[sflag:s15] =	ssyncset.done $0x0  }
0x25: {  	[sflag:s15] =	ssyncadd.s32 $0xFFFFD700  }
0x26: {  	_ =	swait.ge [sflag:s15], $0x2900  }
0x27: {  	[sflag:s15] =	ssyncset.done $0x0  }
0x28: {  	[sflag:s15] =	ssyncadd.s32 $0xFFFFD700  }
0x29: {  	_ =	swait.ge [sflag:s15], $0x2900  }
0x2a: {  	[sflag:s15] =	ssyncset.done $0x0  }
0x2b: {  	s24 =	simm.s32 $0x76C0;
	[sflag:s15] =	ssyncadd.s32 $0xFFFFD700  }
0x2c: {  	s22 =	simm.s32 $0x9FC0;
	v4 =	vld [tilespmem:s24+$0x30]  }
0x2d: {  	v8 =	vld [tilespmem:s22+$0x30]  }
0x2e: {  	v1 =	vld [tilespmem:s22+$0xFFFFFFC0]  }
0x2f: {  	v9 =	vld [tilespmem:s24+$0xFFFFFFD0]  }
0x30: {  	v2 =	vld [tilespmem:s22+$0xFFFFFFD0]  }
0x31: {  	v10 =	vld [tilespmem:s24+$0xFFFFFFE0]  }
0x32: {  	v3 =	vld [tilespmem:s22+$0xFFFFFFE0]  }
0x33: {  	v11 =	vld [tilespmem:s24+$0xFFFFFFF0]  }
0x34: {  	s23 =	simm.s32 $0xC8C0;
	v14 =	vld [tilespmem:s24+$0x0]  }
0x35: {  	v15 =	vld [tilespmem:s23+$0x30]  }
0x36: {  	v5 =	vld [tilespmem:s22+$0x0]  }
0x37: {  	v16 =	vld [tilespmem:s24+$0x10]  }
0x38: {  	v6 =	vld [tilespmem:s22+$0x10]  }
0x39: {  	v17 =	vld [tilespmem:s24+$0x20]  }
0x3a: {  	v7 =	vld [tilespmem:s22+$0x20]  }
0x3b: {  	v18 =	vld [tilespmem:s24+$0xFFFFFFC0]  }
0x3c: {  	v24 =	vld [tilespmem:s23+$0xFFFFFFD0]  }
0x3d: {  	v61 =	vld [tilespmem:s23+$0x10]  }
0x3e: {  	v12 =	vld.idx.msk [tilespmem:v4+s2+$0x0], $0xffff  }
0x3f: {  	v13 =	vld.idx.msk [tilespmem:v8+s11+$0x0], $0xffff  }
0x40: {  	v4 =	vld [tilespmem:s22+$0xFFFFFFF0]  }
0x41: {  	v19 =	vld.idx.msk [tilespmem:v1+s11+$0x0], $0xffff  }
0x42: {  	v9 =	vld.idx.msk [tilespmem:v9+s2+$0x0], $0xffff  }
0x43: {  	v20 =	vld.idx.msk [tilespmem:v2+s11+$0x0], $0xffff  }
0x44: {  	v10 =	vld.idx.msk [tilespmem:v10+s2+$0x0], $0xffff  }
0x45: {  	v21 =	vld.idx.msk [tilespmem:v3+s11+$0x0], $0xffff  }
0x46: {  	v11 =	vld.idx.msk [tilespmem:v11+s2+$0x0], $0xffff  }
0x47: {  	v14 =	vld.idx.msk [tilespmem:v14+s2+$0x0], $0xffff;
	v12 =	vadd.f32 v13, v12  }
0x48: {  	v16 =	vld.idx.msk [tilespmem:v16+s2+$0x0], $0xffff  }
0x49: {  	v23 =	vld.idx.msk [tilespmem:v6+s11+$0x0], $0xffff;
	v12 =	vadd.f32 v12, v15  }
0x4a: {  	v17 =	vld.idx.msk [tilespmem:v17+s2+$0x0], $0xffff  }
0x4b: {  	v13 =	vld.idx.msk [tilespmem:v18+s2+$0x0], $0xffff;
	v18 =	vmul.f32 $2.000000030e-01, v12  }
0x4c: {  	v25 =	vld.idx.msk [tilespmem:v7+s11+$0x0], $0xffff  }
0x4d: {  	v12 =	vmax.f32 v12, v18;
	v18 =	vld [tilespmem:s23+$0xFFFFFFC0]  }
0x4e: {  	v15 =	vld.idx.msk [tilespmem:v5+s11+$0x0], $0xffff;
	v12 =	vmul.f32 $1.442695020e+00, v12  }
0x4f: {  	v22 =	vld.idx.msk [tilespmem:v4+s11+$0x0], $0xffff  }
0x50: {  	(erf) = vpow2.f32 v12;
	v12 =	vadd.f32 v19, v13;
	v13 =	vld [tilespmem:s23+$0xFFFFFFE0]  }
0x51: {  	v9 =	vadd.f32 v20, v9;
	v19 =	vld [tilespmem:s23+$0xFFFFFFF0]  }
0x52: {  	v10 =	vadd.f32 v21, v10;
	v12 =	vadd.f32 v12, v18;
	v18 =	vld [tilespmem:s23+$0x0]  }
0x53: {  	v16 =	vadd.f32 v23, v16;
	v9 =	vadd.f32 v9, v24  }
0x54: {  	v62 =	vld [tilespmem:s23+$0x20];
	v14 =	vadd.f32 v15, v14;
	v11 =	vadd.f32 v22, v11;
	v15 =	vmul.f32 $2.000000030e-01, v12  }
0x55: {  	v17 =	vadd.f32 v25, v17;
	v13 =	vadd.f32 v10, v13  }
0x56: {  	v10 =	vmul.f32 $2.000000030e-01, v9;
	v12 =	vmax.f32 v12, v15;
	v15 =	vadd.f32 v11, v19  }
0x57: {  	v11 =	vadd.f32 v16, v61;
	v19 =	vmul.f32 $2.000000030e-01, v13;
	v18 =	vadd.f32 v14, v18  }
0x58: {  	v9 =	vmax.f32 v9, v10;
	v10 =	vmul.f32 $1.442695020e+00, v12;
	v14 =	vmul.f32 $2.000000030e-01, v15  }
0x59: {  	s24 =	simm.s32 $0xF1C0;
	v12 =	vadd.f32 v17, v62;
	v16 =	vpop (erf);
	v19 =	vmax.f32 v13, v19;
	v63 =	vmul.f32 $2.000000030e-01, v18  }
0x5a: {  	v13 =	vmul.f32 $1.442695020e+00, v9;
	[tilespmem:s24+$0x30] =	vst v16;
	v17 =	vmax.f32 v15, v14;
	v15 =	vmul.f32 $2.000000030e-01, v11  }
0x5b: {  	s25 =	simm.s32 $0x0;
	s26 =	simm.s32 $0x7740;
	v14 =	vmul.f32 $1.442695020e+00, v19;
	[tilespmem:v8+s16+$0x0] =	vst.idx.add.f32.msk $0xffff, v16;
	v9 =	vmax.f32 v18, v63;
	v16 =	vmul.f32 $2.000000030e-01, v12  }
.LBB2_4:
0x5c: {  	v18 =	vld [tilespmem:s26+$0x30];
	v17 =	vmul.f32 $1.442695020e+00, v17;
	v19 =	vmul.f32 $1.442695020e+00, v9;
	v11 =	vmax.f32 v11, v15;
	s22 =	sadd.s32 $0x80, s22;
	v9 =	vmovc v6;
	v8 =	vmovc v7  }
0x5d: {  	v15 =	vld [tilespmem:s22+$0x30];
	v6 =	vmul.f32 $1.442695020e+00, v11;
	v7 =	vmax.f32 v12, v16;
	(erf) = vpow2.f32 v10  }
0x5e: {  	s25 =	sadd.s32 $0x8, s25;
	v10 =	vld [tilespmem:s22+$0xFFFFFFC0];
	v7 =	vmul.f32 $1.442695020e+00, v7;
	(erf) = vpow2.f32 v13  }
0x5f: {  	p0 =	slt.u32 s25, $0x288;
	v11 =	vld [tilespmem:s26+$0xFFFFFFD0];
	(erf) = vpow2.f32 v14  }
0x60: {  	v12 =	vld [tilespmem:s22+$0xFFFFFFD0];
	(erf) = vpow2.f32 v17  }
0x61: {  	v13 =	vld [tilespmem:s26+$0xFFFFFFE0];
	(erf) = vpow2.f32 v19  }
0x62: {  	v14 =	vld [tilespmem:s22+$0xFFFFFFE0];
	(erf) = vpow2.f32 v6  }
0x63: {  	v16 =	vld [tilespmem:s26+$0xFFFFFFF0];
	(erf) = vpow2.f32 v7  }
0x64: {  	v7 =	vld.idx.msk [tilespmem:v18+s2+$0x0], $0xffff  }
0x65: {  	v17 =	vld.idx.msk [tilespmem:v15+s11+$0x0], $0xffff  }
0x66: {  	v18 =	vld [tilespmem:s22+$0xFFFFFFF0];
	v19 =	vpop (erf)  }
0x67: {  	s23 =	sadd.s32 $0x80, s23;
	v20 =	vld [tilespmem:s26+$0x0];
	[tilespmem:s24+$0xFFFFFFC0] =	vst v19;
	v21 =	vpop (erf)  }
0x68: {  	v22 =	vld [tilespmem:s23+$0x30];
	[tilespmem:s24+$0xFFFFFFD0] =	vst v21;
	v23 =	vpop (erf)  }
0x69: {  	v24 =	vld [tilespmem:s22+$0x0];
	[tilespmem:s24+$0xFFFFFFE0] =	vst v23;
	v25 =	vpop (erf)  }
0x6a: {  	v26 =	vld [tilespmem:s26+$0x10];
	[tilespmem:s24+$0xFFFFFFF0] =	vst v25;
	v27 =	vpop (erf)  }
0x6b: {  	v17 =	vadd.f32 v17, v7;
	v6 =	vld [tilespmem:s22+$0x10];
	[tilespmem:s24+$0x0] =	vst v27;
	v28 =	vpop (erf)  }
0x6c: {  	v29 =	vld [tilespmem:s26+$0x20];
	[tilespmem:s24+$0x10] =	vst v28;
	v30 =	vpop (erf)  }
0x6d: {  	v7 =	vld [tilespmem:s22+$0x20];
	v17 =	vadd.f32 v17, v22;
	[tilespmem:s24+$0x20] =	vst v30  }
0x6e: {  	v22 =	vld [tilespmem:s26+$0xFFFFFFC0]  }
0x6f: {  	v31 =	vld.idx.msk [tilespmem:v10+s11+$0x0], $0xffff;
	v32 =	vmul.f32 $2.000000030e-01, v17  }
0x70: {  	v11 =	vld.idx.msk [tilespmem:v11+s2+$0x0], $0xffff  }
0x71: {  	v33 =	vld.idx.msk [tilespmem:v12+s11+$0x0], $0xffff;
	v17 =	vmax.f32 v17, v32  }
0x72: {  	v13 =	vld.idx.msk [tilespmem:v13+s2+$0x0], $0xffff;
	v17 =	vmul.f32 $1.442695020e+00, v17  }
0x73: {  	v32 =	vld.idx.msk [tilespmem:v14+s11+$0x0], $0xffff  }
0x74: {  	v16 =	vld.idx.msk [tilespmem:v16+s2+$0x0], $0xffff;
	(erf) = vpow2.f32 v17  }
0x75: {  	v17 =	vld.idx.msk [tilespmem:v18+s11+$0x0], $0xffff  }
0x76: {  	v22 =	vld.idx.msk [tilespmem:v22+s2+$0x0], $0xffff  }
0x77: {  	v11 =	vadd.f32 v33, v11;
	v20 =	vld.idx.msk [tilespmem:v20+s2+$0x0], $0xffff  }
0x78: {  	v33 =	vld.idx.msk [tilespmem:v24+s11+$0x0], $0xffff  }
0x79: {  	v13 =	vadd.f32 v32, v13;
	v26 =	vld.idx.msk [tilespmem:v26+s2+$0x0], $0xffff  }
0x7a: {  	v32 =	vld.idx.msk [tilespmem:v6+s11+$0x0], $0xffff  }
0x7b: {  	v16 =	vadd.f32 v17, v16;
	v17 =	vld.idx.msk [tilespmem:v29+s2+$0x0], $0xffff  }
0x7c: {  	v22 =	vadd.f32 v31, v22;
	v29 =	vld.idx.msk [tilespmem:v7+s11+$0x0], $0xffff  }
0x7d: {  	s24 =	sadd.s32 $0x80, s24;
	v31 =	vld [tilespmem:s23+$0xFFFFFFC0];
	v34 =	vpop (erf)  }
0x7e: {  	v20 =	vadd.f32 v33, v20;
	v35 =	vld [tilespmem:s23+$0xFFFFFFD0];
	[tilespmem:s24+$0x30] =	vst v34  }
0x7f: {  	[tilespmem:v15+s16+$0x0] =	vst.idx.add.f32.msk $0xffff, v34  }
0x80: {  	v26 =	vadd.f32 v32, v26;
	v15 =	vld [tilespmem:s23+$0xFFFFFFE0]  }
0x81: {  	v32 =	vld [tilespmem:s23+$0xFFFFFFF0]  }
0x82: {  	v17 =	vadd.f32 v29, v17;
	v22 =	vadd.f32 v22, v31;
	v31 =	vld [tilespmem:s23+$0x0]  }
0x83: {  	v11 =	vadd.f32 v11, v35;
	v29 =	vld [tilespmem:s23+$0x10]  }
0x84: {  	v33 =	vmul.f32 $2.000000030e-01, v22;
	v34 =	vld [tilespmem:s23+$0x20]  }
0x85: {  	v35 =	vmul.f32 $2.000000030e-01, v11;
	v13 =	vadd.f32 v13, v15;
	[tilespmem:v1+s16+$0x0] =	vst.idx.add.f32.msk $0xffff, v19;
	v1 =	vmov v10  }
0x86: {  	v10 =	vmax.f32 v22, v33;
	v15 =	vadd.f32 v16, v32;
	[tilespmem:v2+s16+$0x0] =	vst.idx.add.f32.msk $0xffff, v21;
	v2 =	vmov v12  }
.Ltmp1:
0x87: {  	v16 =	vmax.f32 v11, v35;
	v12 =	vmul.f32 $2.000000030e-01, v13;
	v19 =	vadd.f32 v20, v31;
	[tilespmem:v3+s16+$0x0] =	vst.idx.add.f32.msk $0xffff, v23;
	(pc) =	sbr.rel @p0 .LBB2_4-.Ltmp1, $4  }
0x88: {  	v10 =	vmul.f32 $1.442695020e+00, v10;
	v3 =	vmovc v14;
	v20 =	vmul.f32 $2.000000030e-01, v15;
	v11 =	vadd.f32 v26, v29;
	[tilespmem:v4+s16+$0x0] =	vst.idx.add.f32.msk $0xffff, v25  }
0x89: {  	v14 =	vmax.f32 v13, v12;
	v21 =	vmul.f32 $2.000000030e-01, v19;
	v12 =	vadd.f32 v17, v34;
	[tilespmem:v5+s16+$0x0] =	vst.idx.add.f32.msk $0xffff, v27  }
0x8a: {  	v4 =	vmovc v18;
	v13 =	vmul.f32 $1.442695020e+00, v16;
	v17 =	vmax.f32 v15, v20;
	v15 =	vmul.f32 $2.000000030e-01, v11;
	[tilespmem:v9+s16+$0x0] =	vst.idx.add.f32.msk $0xffff, v28  }
0x8b: {  	s26 =	sadd.s32 $0x80, s26;
	v5 =	vmovc v24;
	v14 =	vmul.f32 $1.442695020e+00, v14;
	v9 =	vmax.f32 v19, v21;
	v16 =	vmul.f32 $2.000000030e-01, v12;
	[tilespmem:v8+s16+$0x0] =	vst.idx.add.f32.msk $0xffff, v30  }
0x8c: {  	(erf) = vpow2.f32 v10  }
0x8d: {  	(erf) = vpow2.f32 v13;
	_ =	sdelay $0x1  }
0x8e: {  	v8 =	vmul.f32 $1.442695020e+00, v17;
	(erf) = vpow2.f32 v14;
	_ =	sdelay $0x1  }
0x8f: {  	v9 =	vmul.f32 $1.442695020e+00, v9;
	(erf) = vpow2.f32 v8  }
0x90: {  	v54 =	vmax.f32 v11, v15  }
0x91: {  	v10 =	vmul.f32 $1.442695020e+00, v54;
	(erf) = vpow2.f32 v9  }
0x92: {  	v55 =	vmax.f32 v12, v16  }
0x93: {  	v56 =	vmul.f32 $1.442695020e+00, v55;
	(erf) = vpow2.f32 v10;
	v57 =	vpop (erf)  }
0x94: {  	[tilespmem:s24+$0xFFFFFFC0] =	vst v57;
	v58 =	vpop (erf)  }
0x95: {  	(erf) = vpow2.f32 v56;
	[tilespmem:s24+$0xFFFFFFD0] =	vst v58  }
0x96: {  	v59 =	vpop (erf);
	[tilespmem:v1+s16+$0x0] =	vst.idx.add.f32.msk $0xffff, v57  }
0x97: {  	[tilespmem:s24+$0xFFFFFFE0] =	vst v59  }
0x98: {  	v60 =	vpop (erf);
	[tilespmem:v2+s16+$0x0] =	vst.idx.add.f32.msk $0xffff, v58  }
0x99: {  	[tilespmem:s24+$0xFFFFFFF0] =	vst v60  }
0x9a: {  	v61 =	vpop (erf);
	[tilespmem:v3+s16+$0x0] =	vst.idx.add.f32.msk $0xffff, v59  }
0x9b: {  	[tilespmem:s24+$0x0] =	vst v61  }
0x9c: {  	v62 =	vpop (erf);
	[tilespmem:v4+s16+$0x0] =	vst.idx.add.f32.msk $0xffff, v60  }
0x9d: {  	[tilespmem:s24+$0x10] =	vst v62  }
0x9e: {  	v63 =	vpop (erf);
	[tilespmem:v5+s16+$0x0] =	vst.idx.add.f32.msk $0xffff, v61  }
0x9f: {  	[tilespmem:s24+$0x20] =	vst v63  }
0xa0: {  	[tilespmem:v6+s16+$0x0] =	vst.idx.add.f32.msk $0xffff, v62  }
0xa1: {  	[tilespmem:v7+s16+$0x0] =	vst.idx.add.f32.msk $0xffff, v63  }
0xa2: {  	[hbm4b:s8+s2] =	stream.linear.scatter [tilespmem:s17], [sflag:$0x2], $0x2900, $0x38;
	[tilespmem:$0x11A80] =	vst v63  }
0xa3: {  	s21 =	sadd.s32 $0x1, s21;
	_ =	swait.ge [sflag:s18], $0x2900  }
0xa4: {  	p0 =	sne.s32 s21, s10;
	[sflag:s18] =	ssyncset.done $0x0  }
.Ltmp2:
0xa5: {  	[sflag:s18] =	ssyncadd.s32 $0xFFFFD700;
	(pc) =	sbr.rel @p0 .LBB2_1-.Ltmp2, $4  }
0xa6: {  	[hbm4b:s9+s19] =	stream.strided.scatter [tilespmem:s16], [sflag:$0x2], $0x2780, s20, s19, $0x38;
	[tilespmem:$0x11A80] =	vst v63  }
0xa7: {  	_ =	swait.ge [sflag:s18], $0x2780  }
0xa8: {  	[sflag:s18] =	ssyncset.done $0x0  }
0xa9: {  	[sflag:s18] =	ssyncadd.s32 $0xFFFFD880  }
0xaa: {  	_ =	sfence.sel $0x180000  }
0xab: {  	[bflag:$0x0] =	sbarrier.arrive $0xFFFF  }
0xac: {  	p0 =	sne.s32 s1, $0x0;
	_ =	strace $0x90000047  }
0xad: {  	s0 =	sadd.s32 @!p0 $0x100000, s0;
	[bflag:$0x2] =	sbarrier.arrive $0xFFFF  }
0xae: {  	[sflag:s0] =	ssyncadd.tile.s32 @!p0 $0x1;
	_ =	shalt  }
.Lfunc_end2:
_tile_overlayer_lowered:
.L_overlay_start_2:
0xaf: {  	(tag) =	ssettag $0x2  }
0xb0: {  	s0 =	rddreg [dreg:$0x0];
	s2 =	stileid.u32  }
0xb1: {  	s1 =	rddreg [dreg:$0x1];
	p0 =	sne.s32 s2, $0x0  }
0xb2: {  	s3 =	rddreg [dreg:$0x2];
	[bflag:$0x3] =	sbarrier.arrive $0xFFFF;
	s2 =	simm.s32 @!p0 $0x1C02  }
0xb3: {  	[timem:s3], [sflag:s2] =	dma.local @!p0 [hbm:s0], s1  }
0xb4: {  	s0 =	simm.s32 @!p0 $0x2  }
0xb5: {  	_ =	swait.ge @!p0 [sflag:s0], s1  }
0xb6: {  	s1 =	ssub.s32 @!p0 $0x0, s1;
	[sflag:s0] =	ssyncset.done @!p0 $0x0  }
0xb7: {  	[sflag:s0] =	ssyncadd.s32 @!p0 s1  }
0xb8: {  	[bflag:$0x3] =	sbarrier.arrive $0xFFFF  }
0xb9: {  	_ =	shalt  }

</sc_bundles>
